<compile_context>
chip_gen: v7x
topology: tpu7x:2x2x1
jax: 0.10.2.dev20260603
libtpu: 0.0.44.dev20260713+nightly
codegen_flags: <defaults>
</compile_context>

<pallas_src>
import jax
import jax.numpy as jnp
from jax import lax
from jax.experimental import pallas as pl
from jax.experimental.pallas import tpu as pltpu
from jax.experimental.pallas import tpu_sc as plsc

BATCH = 16384
NC = 2
NS = 16
L = 16
NW = NC * NS
BPW = BATCH // NW
CHUNK = 128
NCH = BPW // CHUNK


def _irt_body(theta_hbm, a_hbm, b_hbm, c_hbm, uid_hbm, iid_hbm, out_hbm,
              uid_v, iid_v, th_v, a_v, b_v, c_v, out_v,
              idx_sem, out_sem, *chunk_sems):
    wid = lax.axis_index("s") * NC + lax.axis_index("c")
    base = wid * BPW

    bsl = pl.ds(base, BPW)
    ic0 = pltpu.async_copy(uid_hbm.at[:, bsl], uid_v, idx_sem)
    ic1 = pltpu.async_copy(iid_hbm.at[:, bsl], iid_v, idx_sem)
    ic0.wait()
    ic1.wait()

    copies = []
    for j in range(NCH):
        sl = pl.ds(j * CHUNK, CHUNK)
        sem = chunk_sems[j]
        copies.append((
            pltpu.async_copy(theta_hbm.at[uid_v.at[:, sl]], th_v.at[:, sl], sem),
            pltpu.async_copy(a_hbm.at[iid_v.at[:, sl]], a_v.at[:, sl], sem),
            pltpu.async_copy(b_hbm.at[iid_v.at[:, sl]], b_v.at[:, sl], sem),
            pltpu.async_copy(c_hbm.at[iid_v.at[:, sl]], c_v.at[:, sl], sem),
        ))

    outs = []
    for j in range(NCH):
        for c in copies[j]:
            c.wait()
        for i in range(j * (CHUNK // L), (j + 1) * (CHUNK // L)):
            sl = pl.ds(i * L, L)
            th = th_v[0, sl]
            a = a_v[0, sl]
            b = b_v[0, sl]
            c = c_v[0, sl]
            cs = 1.0 / (1.0 + jnp.exp(-c))
            s = 1.0 / (1.0 + jnp.exp(-1.702 * a * (th - b)))
            out_v[sl] = cs + (1.0 - cs) * s
        outs.append(pltpu.async_copy(
            out_v.at[pl.ds(j * CHUNK, CHUNK)],
            out_hbm.at[pl.ds(base + j * CHUNK, CHUNK)], out_sem))
    for o in outs:
        o.wait()


@jax.jit
def _irt_sc(theta, a_tab, b_tab, c_tab, uid, iid):
    mesh = plsc.VectorSubcoreMesh(core_axis_name="c", subcore_axis_name="s")
    return pl.kernel(
        _irt_body,
        mesh=mesh,
        compiler_params=pltpu.CompilerParams(use_tc_tiling_on_sc=False),
        out_type=jax.ShapeDtypeStruct((BATCH,), jnp.float32),
        scratch_types=[
            pltpu.VMEM((1, BPW), jnp.int32),
            pltpu.VMEM((1, BPW), jnp.int32),
            pltpu.VMEM((1, BPW), jnp.float32),
            pltpu.VMEM((1, BPW), jnp.float32),
            pltpu.VMEM((1, BPW), jnp.float32),
            pltpu.VMEM((1, BPW), jnp.float32),
            pltpu.VMEM((BPW,), jnp.float32),
            pltpu.SemaphoreType.DMA,
            pltpu.SemaphoreType.DMA,
        ] + [pltpu.SemaphoreType.DMA] * NCH,
    )(theta, a_tab, b_tab, c_tab, uid, iid)


def kernel(user_id, item_id, theta_w, a_w, b_w, c_w):
    uid = user_id.astype(jnp.int32)[None, :]
    iid = item_id.astype(jnp.int32)[None, :]
    t = jnp.pad(theta_w.T, ((0, 0), (0, 448)))
    a1 = jnp.pad(a_w.T, ((0, 0), (0, 352)))
    b1 = jnp.pad(b_w.T, ((0, 0), (0, 352)))
    c1 = jnp.pad(c_w.T, ((0, 0), (0, 352)))
    return _irt_sc(t, a1, b1, c1, uid, iid)

# --- scband reference (transcript-rebuilt; emitter-appended) ---
"""Pipeline reference for scband-irtnet-45792941310557 (READ-ONLY COPY).

The authoritative reference and input builder live on the scoring server;
editing this copy changes nothing except your own understanding.
"""

import jax, jax.numpy as jnp
import numpy as np

USER_NUM = 1000000
ITEM_NUM = 100000
BATCH = 16384

def setup_inputs(seed: int = 0) -> dict:
    key = jax.random.key(seed)
    k1, k2, k3, k4, k5, k6 = jax.random.split(key, 6)
    user_id = jax.random.randint(k1, (BATCH,), 0, USER_NUM, dtype=jnp.int64) if jax.config.jax_enable_x64 else jax.random.randint(k1, (BATCH,), 0, USER_NUM).astype(jnp.int32)
    item_id = jax.random.randint(k2, (BATCH,), 0, ITEM_NUM, dtype=jnp.int64) if jax.config.jax_enable_x64 else jax.random.randint(k2, (BATCH,), 0, ITEM_NUM).astype(jnp.int32)
    theta_w = jax.random.normal(k3, (USER_NUM, 1), dtype=jnp.float32)  # mean 0 std 1
    a_w = 1.0 + 0.1 * jax.random.normal(k4, (ITEM_NUM, 1), dtype=jnp.float32)  # mean 1 std 0.1
    b_w = jax.random.normal(k5, (ITEM_NUM, 1), dtype=jnp.float32)  # mean 0 std 1
    c_w = jnp.zeros((ITEM_NUM, 1), dtype=jnp.float32)  # constant 0
    return {"user_id": user_id, "item_id": item_id, "theta_w": theta_w, "a_w": a_w, "b_w": b_w, "c_w": c_w}

def reference(user_id, item_id, theta_w, a_w, b_w, c_w):
    theta = jnp.take(theta_w, user_id, axis=0)[..., 0]
    a = jnp.take(a_w, item_id, axis=0)[..., 0]
    b = jnp.take(b_w, item_id, axis=0)[..., 0]
    c = jax.nn.sigmoid(jnp.take(c_w, item_id, axis=0))[..., 0]
    D = 1.702
    logits = D * a * (theta - b)
    prob = c + (1.0 - c) * jax.nn.sigmoid(logits)
    return prob

if __name__ == "__main__":
    import jax
    _d = setup_inputs()
    print(jax.jit(kernel)(*tuple(_d.values())))

</pallas_src>

<mosaic_0001>
#map = affine_map<(d0, d1) -> (0, 0)>
#map1 = affine_map<(d0, d1) -> (0)>
module attributes {stable_mosaic.version = 14 : i64} {
  func.func @_irt_body(%arg0: i32, %arg1: i32, %arg2: memref<1x1000448xf32, #tpu.memory_space<hbm>>, %arg3: memref<1x100352xf32, #tpu.memory_space<hbm>>, %arg4: memref<1x100352xf32, #tpu.memory_space<hbm>>, %arg5: memref<1x100352xf32, #tpu.memory_space<hbm>>, %arg6: memref<1x16384xi32, #tpu.memory_space<hbm>>, %arg7: memref<1x16384xi32, #tpu.memory_space<hbm>>, %arg8: memref<16384xf32, #tpu.memory_space<hbm>>, %arg9: memref<1x512xi32, #tpu.memory_space<vmem>>, %arg10: memref<1x512xi32, #tpu.memory_space<vmem>>, %arg11: memref<1x512xf32, #tpu.memory_space<vmem>>, %arg12: memref<1x512xf32, #tpu.memory_space<vmem>>, %arg13: memref<1x512xf32, #tpu.memory_space<vmem>>, %arg14: memref<1x512xf32, #tpu.memory_space<vmem>>, %arg15: memref<512xf32, #tpu.memory_space<vmem>>, %arg16: memref<!tpu.dma_semaphore, #tpu.memory_space<semaphore_mem>>, %arg17: memref<!tpu.dma_semaphore, #tpu.memory_space<semaphore_mem>>, %arg18: memref<!tpu.dma_semaphore, #tpu.memory_space<semaphore_mem>>, %arg19: memref<!tpu.dma_semaphore, #tpu.memory_space<semaphore_mem>>, %arg20: memref<!tpu.dma_semaphore, #tpu.memory_space<semaphore_mem>>, %arg21: memref<!tpu.dma_semaphore, #tpu.memory_space<semaphore_mem>>) attributes {dimension_semantics = [#tpu.dimension_semantics<core_parallel>, #tpu.dimension_semantics<subcore_parallel>], iteration_bounds = array<i64: 2, 16>, scalar_prefetch = 0 : i64, scratch_operands = 13 : i64, tpu.core_type = #tpu.core_type<sc_vector_subcore>, window_params = [{transform_indices = #map}, {transform_indices = #map}, {transform_indices = #map}, {transform_indices = #map}, {transform_indices = #map}, {transform_indices = #map}, {transform_indices = #map1}]} {
    %mul3A = arith.constant 2 : i32
    %mul3A_0 = arith.muli %arg1, %mul3A : i32
    %add3A = arith.addi %mul3A_0, %arg0 : i32
    %mul3A_1 = arith.constant 512 : i32
    %mul3A_2 = arith.muli %add3A, %mul3A_1 : i32
    %dma_start3A = arith.constant 0 : i32
    %dma_start3A_3 = tpu.memref_slice %arg6[%dma_start3A, %mul3A_2] : memref<1x16384xi32, #tpu.memory_space<hbm>> -> memref<1x512xi32, #tpu.memory_space<hbm>>
    %dma_start3A_4 = arith.constant 0 : i32
    %dma_start3A_5 = tpu.memref_slice %arg6[%dma_start3A_4, %mul3A_2] : memref<1x16384xi32, #tpu.memory_space<hbm>> -> memref<1x512xi32, #tpu.memory_space<hbm>>
    tpu.enqueue_dma source(%dma_start3A_5 : memref<1x512xi32, #tpu.memory_space<hbm>>) target(%arg9 : memref<1x512xi32, #tpu.memory_space<vmem>>) target_semaphore(%arg16 : memref<!tpu.dma_semaphore, #tpu.memory_space<semaphore_mem>>)
    %dma_start3A_6 = arith.constant 0 : i32
    %dma_start3A_7 = tpu.memref_slice %arg7[%dma_start3A_6, %mul3A_2] : memref<1x16384xi32, #tpu.memory_space<hbm>> -> memref<1x512xi32, #tpu.memory_space<hbm>>
    %dma_start3A_8 = arith.constant 0 : i32
    %dma_start3A_9 = tpu.memref_slice %arg7[%dma_start3A_8, %mul3A_2] : memref<1x16384xi32, #tpu.memory_space<hbm>> -> memref<1x512xi32, #tpu.memory_space<hbm>>
    tpu.enqueue_dma source(%dma_start3A_9 : memref<1x512xi32, #tpu.memory_space<hbm>>) target(%arg10 : memref<1x512xi32, #tpu.memory_space<vmem>>) target_semaphore(%arg16 : memref<!tpu.dma_semaphore, #tpu.memory_space<semaphore_mem>>)
    %dma_wait3A = arith.constant 0 : i32
    %dma_wait3A_10 = tpu.memref_slice %arg6[%dma_wait3A, %mul3A_2] : memref<1x16384xi32, #tpu.memory_space<hbm>> -> memref<1x512xi32, #tpu.memory_space<hbm>>
    %dma_wait3A_11 = arith.constant 0 : i32
    %dma_wait3A_12 = tpu.memref_slice %arg6[%dma_wait3A_11, %mul3A_2] : memref<1x16384xi32, #tpu.memory_space<hbm>> -> memref<1x512xi32, #tpu.memory_space<hbm>>
    tpu.wait_dma2 semaphore(%arg16 : memref<!tpu.dma_semaphore, #tpu.memory_space<semaphore_mem>>) src(%dma_wait3A_12 : memref<1x512xi32, #tpu.memory_space<hbm>>) dst(%arg9 : memref<1x512xi32, #tpu.memory_space<vmem>>)
    %dma_wait3A_13 = arith.constant 0 : i32
    %dma_wait3A_14 = tpu.memref_slice %arg7[%dma_wait3A_13, %mul3A_2] : memref<1x16384xi32, #tpu.memory_space<hbm>> -> memref<1x512xi32, #tpu.memory_space<hbm>>
    %dma_wait3A_15 = arith.constant 0 : i32
    %dma_wait3A_16 = tpu.memref_slice %arg7[%dma_wait3A_15, %mul3A_2] : memref<1x16384xi32, #tpu.memory_space<hbm>> -> memref<1x512xi32, #tpu.memory_space<hbm>>
    tpu.wait_dma2 semaphore(%arg16 : memref<!tpu.dma_semaphore, #tpu.memory_space<semaphore_mem>>) src(%dma_wait3A_16 : memref<1x512xi32, #tpu.memory_space<hbm>>) dst(%arg10 : memref<1x512xi32, #tpu.memory_space<vmem>>)
    %dma_start3A_17 = arith.constant 0 : i32
    %dma_start3A_18 = arith.constant 0 : i32
    %dma_start3A_19 = tpu.memref_slice %arg11[%dma_start3A_17, %dma_start3A_18] : memref<1x512xf32, #tpu.memory_space<vmem>> -> memref<1x128xf32, #tpu.memory_space<vmem>>
    %dma_start3A_20 = arith.constant 0 : i32
    %dma_start3A_21 = arith.constant 0 : i32
    %dma_start3A_22 = tpu.memref_slice %arg9[%dma_start3A_20, %dma_start3A_21] : memref<1x512xi32, #tpu.memory_space<vmem>> -> memref<1x128xi32, #tpu.memory_space<vmem>>
    %dma_start3A_23 = arith.constant 0 : i32
    %dma_start3A_24 = arith.constant 0 : i32
    %dma_start3A_25 = tpu.memref_slice %arg2[%dma_start3A_23, %dma_start3A_24] : memref<1x1000448xf32, #tpu.memory_space<hbm>> -> memref<1x1000448xf32, #tpu.memory_space<hbm>>
    tpu.enqueue_indirect_dma source(%dma_start3A_25 : memref<1x1000448xf32, #tpu.memory_space<hbm>>) target(%dma_start3A_19 : memref<1x128xf32, #tpu.memory_space<vmem>>) offsets(%dma_start3A_22 : memref<1x128xi32, #tpu.memory_space<vmem>>) semaphore(%arg18 : memref<!tpu.dma_semaphore, #tpu.memory_space<semaphore_mem>>)
    %dma_start3A_26 = arith.constant 0 : i32
    %dma_start3A_27 = arith.constant 0 : i32
    %dma_start3A_28 = tpu.memref_slice %arg12[%dma_start3A_26, %dma_start3A_27] : memref<1x512xf32, #tpu.memory_space<vmem>> -> memref<1x128xf32, #tpu.memory_space<vmem>>
    %dma_start3A_29 = arith.constant 0 : i32
    %dma_start3A_30 = arith.constant 0 : i32
    %dma_start3A_31 = tpu.memref_slice %arg10[%dma_start3A_29, %dma_start3A_30] : memref<1x512xi32, #tpu.memory_space<vmem>> -> memref<1x128xi32, #tpu.memory_space<vmem>>
    %dma_start3A_32 = arith.constant 0 : i32
    %dma_start3A_33 = arith.constant 0 : i32
    %dma_start3A_34 = tpu.memref_slice %arg3[%dma_start3A_32, %dma_start3A_33] : memref<1x100352xf32, #tpu.memory_space<hbm>> -> memref<1x100352xf32, #tpu.memory_space<hbm>>
    tpu.enqueue_indirect_dma source(%dma_start3A_34 : memref<1x100352xf32, #tpu.memory_space<hbm>>) target(%dma_start3A_28 : memref<1x128xf32, #tpu.memory_space<vmem>>) offsets(%dma_start3A_31 : memref<1x128xi32, #tpu.memory_space<vmem>>) semaphore(%arg18 : memref<!tpu.dma_semaphore, #tpu.memory_space<semaphore_mem>>)
    %dma_start3A_35 = arith.constant 0 : i32
    %dma_start3A_36 = arith.constant 0 : i32
    %dma_start3A_37 = tpu.memref_slice %arg13[%dma_start3A_35, %dma_start3A_36] : memref<1x512xf32, #tpu.memory_space<vmem>> -> memref<1x128xf32, #tpu.memory_space<vmem>>
    %dma_start3A_38 = arith.constant 0 : i32
    %dma_start3A_39 = arith.constant 0 : i32
    %dma_start3A_40 = tpu.memref_slice %arg10[%dma_start3A_38, %dma_start3A_39] : memref<1x512xi32, #tpu.memory_space<vmem>> -> memref<1x128xi32, #tpu.memory_space<vmem>>
    %dma_start3A_41 = arith.constant 0 : i32
    %dma_start3A_42 = arith.constant 0 : i32
    %dma_start3A_43 = tpu.memref_slice %arg4[%dma_start3A_41, %dma_start3A_42] : memref<1x100352xf32, #tpu.memory_space<hbm>> -> memref<1x100352xf32, #tpu.memory_space<hbm>>
    tpu.enqueue_indirect_dma source(%dma_start3A_43 : memref<1x100352xf32, #tpu.memory_space<hbm>>) target(%dma_start3A_37 : memref<1x128xf32, #tpu.memory_space<vmem>>) offsets(%dma_start3A_40 : memref<1x128xi32, #tpu.memory_space<vmem>>) semaphore(%arg18 : memref<!tpu.dma_semaphore, #tpu.memory_space<semaphore_mem>>)
    %dma_start3A_44 = arith.constant 0 : i32
    %dma_start3A_45 = arith.constant 0 : i32
    %dma_start3A_46 = tpu.memref_slice %arg14[%dma_start3A_44, %dma_start3A_45] : memref<1x512xf32, #tpu.memory_space<vmem>> -> memref<1x128xf32, #tpu.memory_space<vmem>>
    %dma_start3A_47 = arith.constant 0 : i32
    %dma_start3A_48 = arith.constant 0 : i32
    %dma_start3A_49 = tpu.memref_slice %arg10[%dma_start3A_47, %dma_start3A_48] : memref<1x512xi32, #tpu.memory_space<vmem>> -> memref<1x128xi32, #tpu.memory_space<vmem>>
    %dma_start3A_50 = arith.constant 0 : i32
    %dma_start3A_51 = arith.constant 0 : i32
    %dma_start3A_52 = tpu.memref_slice %arg5[%dma_start3A_50, %dma_start3A_51] : memref<1x100352xf32, #tpu.memory_space<hbm>> -> memref<1x100352xf32, #tpu.memory_space<hbm>>
    tpu.enqueue_indirect_dma source(%dma_start3A_52 : memref<1x100352xf32, #tpu.memory_space<hbm>>) target(%dma_start3A_46 : memref<1x128xf32, #tpu.memory_space<vmem>>) offsets(%dma_start3A_49 : memref<1x128xi32, #tpu.memory_space<vmem>>) semaphore(%arg18 : memref<!tpu.dma_semaphore, #tpu.memory_space<semaphore_mem>>)
    %dma_start3A_53 = arith.constant 0 : i32
    %dma_start3A_54 = arith.constant 128 : i32
    %dma_start3A_55 = tpu.memref_slice %arg11[%dma_start3A_53, %dma_start3A_54] : memref<1x512xf32, #tpu.memory_space<vmem>> -> memref<1x128xf32, #tpu.memory_space<vmem>>
    %dma_start3A_56 = arith.constant 0 : i32
    %dma_start3A_57 = arith.constant 128 : i32
    %dma_start3A_58 = tpu.memref_slice %arg9[%dma_start3A_56, %dma_start3A_57] : memref<1x512xi32, #tpu.memory_space<vmem>> -> memref<1x128xi32, #tpu.memory_space<vmem>>
    %dma_start3A_59 = arith.constant 0 : i32
    %dma_start3A_60 = arith.constant 0 : i32
    %dma_start3A_61 = tpu.memref_slice %arg2[%dma_start3A_59, %dma_start3A_60] : memref<1x1000448xf32, #tpu.memory_space<hbm>> -> memref<1x1000448xf32, #tpu.memory_space<hbm>>
    tpu.enqueue_indirect_dma source(%dma_start3A_61 : memref<1x1000448xf32, #tpu.memory_space<hbm>>) target(%dma_start3A_55 : memref<1x128xf32, #tpu.memory_space<vmem>>) offsets(%dma_start3A_58 : memref<1x128xi32, #tpu.memory_space<vmem>>) semaphore(%arg19 : memref<!tpu.dma_semaphore, #tpu.memory_space<semaphore_mem>>)
    %dma_start3A_62 = arith.constant 0 : i32
    %dma_start3A_63 = arith.constant 128 : i32
    %dma_start3A_64 = tpu.memref_slice %arg12[%dma_start3A_62, %dma_start3A_63] : memref<1x512xf32, #tpu.memory_space<vmem>> -> memref<1x128xf32, #tpu.memory_space<vmem>>
    %dma_start3A_65 = arith.constant 0 : i32
    %dma_start3A_66 = arith.constant 128 : i32
    %dma_start3A_67 = tpu.memref_slice %arg10[%dma_start3A_65, %dma_start3A_66] : memref<1x512xi32, #tpu.memory_space<vmem>> -> memref<1x128xi32, #tpu.memory_space<vmem>>
    %dma_start3A_68 = arith.constant 0 : i32
    %dma_start3A_69 = arith.constant 0 : i32
    %dma_start3A_70 = tpu.memref_slice %arg3[%dma_start3A_68, %dma_start3A_69] : memref<1x100352xf32, #tpu.memory_space<hbm>> -> memref<1x100352xf32, #tpu.memory_space<hbm>>
    tpu.enqueue_indirect_dma source(%dma_start3A_70 : memref<1x100352xf32, #tpu.memory_space<hbm>>) target(%dma_start3A_64 : memref<1x128xf32, #tpu.memory_space<vmem>>) offsets(%dma_start3A_67 : memref<1x128xi32, #tpu.memory_space<vmem>>) semaphore(%arg19 : memref<!tpu.dma_semaphore, #tpu.memory_space<semaphore_mem>>)
    %dma_start3A_71 = arith.constant 0 : i32
    %dma_start3A_72 = arith.constant 128 : i32
    %dma_start3A_73 = tpu.memref_slice %arg13[%dma_start3A_71, %dma_start3A_72] : memref<1x512xf32, #tpu.memory_space<vmem>> -> memref<1x128xf32, #tpu.memory_space<vmem>>
    %dma_start3A_74 = arith.constant 0 : i32
    %dma_start3A_75 = arith.constant 128 : i32
    %dma_start3A_76 = tpu.memref_slice %arg10[%dma_start3A_74, %dma_start3A_75] : memref<1x512xi32, #tpu.memory_space<vmem>> -> memref<1x128xi32, #tpu.memory_space<vmem>>
    %dma_start3A_77 = arith.constant 0 : i32
    %dma_start3A_78 = arith.constant 0 : i32
    %dma_start3A_79 = tpu.memref_slice %arg4[%dma_start3A_77, %dma_start3A_78] : memref<1x100352xf32, #tpu.memory_space<hbm>> -> memref<1x100352xf32, #tpu.memory_space<hbm>>
    tpu.enqueue_indirect_dma source(%dma_start3A_79 : memref<1x100352xf32, #tpu.memory_space<hbm>>) target(%dma_start3A_73 : memref<1x128xf32, #tpu.memory_space<vmem>>) offsets(%dma_start3A_76 : memref<1x128xi32, #tpu.memory_space<vmem>>) semaphore(%arg19 : memref<!tpu.dma_semaphore, #tpu.memory_space<semaphore_mem>>)
    %dma_start3A_80 = arith.constant 0 : i32
    %dma_start3A_81 = arith.constant 128 : i32
    %dma_start3A_82 = tpu.memref_slice %arg14[%dma_start3A_80, %dma_start3A_81] : memref<1x512xf32, #tpu.memory_space<vmem>> -> memref<1x128xf32, #tpu.memory_space<vmem>>
    %dma_start3A_83 = arith.constant 0 : i32
    %dma_start3A_84 = arith.constant 128 : i32
    %dma_start3A_85 = tpu.memref_slice %arg10[%dma_start3A_83, %dma_start3A_84] : memref<1x512xi32, #tpu.memory_space<vmem>> -> memref<1x128xi32, #tpu.memory_space<vmem>>
    %dma_start3A_86 = arith.constant 0 : i32
    %dma_start3A_87 = arith.constant 0 : i32
    %dma_start3A_88 = tpu.memref_slice %arg5[%dma_start3A_86, %dma_start3A_87] : memref<1x100352xf32, #tpu.memory_space<hbm>> -> memref<1x100352xf32, #tpu.memory_space<hbm>>
    tpu.enqueue_indirect_dma source(%dma_start3A_88 : memref<1x100352xf32, #tpu.memory_space<hbm>>) target(%dma_start3A_82 : memref<1x128xf32, #tpu.memory_space<vmem>>) offsets(%dma_start3A_85 : memref<1x128xi32, #tpu.memory_space<vmem>>) semaphore(%arg19 : memref<!tpu.dma_semaphore, #tpu.memory_space<semaphore_mem>>)
    %dma_start3A_89 = arith.constant 0 : i32
    %dma_start3A_90 = arith.constant 256 : i32
    %dma_start3A_91 = tpu.memref_slice %arg11[%dma_start3A_89, %dma_start3A_90] : memref<1x512xf32, #tpu.memory_space<vmem>> -> memref<1x128xf32, #tpu.memory_space<vmem>>
    %dma_start3A_92 = arith.constant 0 : i32
    %dma_start3A_93 = arith.constant 256 : i32
    %dma_start3A_94 = tpu.memref_slice %arg9[%dma_start3A_92, %dma_start3A_93] : memref<1x512xi32, #tpu.memory_space<vmem>> -> memref<1x128xi32, #tpu.memory_space<vmem>>
    %dma_start3A_95 = arith.constant 0 : i32
    %dma_start3A_96 = arith.constant 0 : i32
    %dma_start3A_97 = tpu.memref_slice %arg2[%dma_start3A_95, %dma_start3A_96] : memref<1x1000448xf32, #tpu.memory_space<hbm>> -> memref<1x1000448xf32, #tpu.memory_space<hbm>>
    tpu.enqueue_indirect_dma source(%dma_start3A_97 : memref<1x1000448xf32, #tpu.memory_space<hbm>>) target(%dma_start3A_91 : memref<1x128xf32, #tpu.memory_space<vmem>>) offsets(%dma_start3A_94 : memref<1x128xi32, #tpu.memory_space<vmem>>) semaphore(%arg20 : memref<!tpu.dma_semaphore, #tpu.memory_space<semaphore_mem>>)
    %dma_start3A_98 = arith.constant 0 : i32
    %dma_start3A_99 = arith.constant 256 : i32
    %dma_start3A_100 = tpu.memref_slice %arg12[%dma_start3A_98, %dma_start3A_99] : memref<1x512xf32, #tpu.memory_space<vmem>> -> memref<1x128xf32, #tpu.memory_space<vmem>>
    %dma_start3A_101 = arith.constant 0 : i32
    %dma_start3A_102 = arith.constant 256 : i32
    %dma_start3A_103 = tpu.memref_slice %arg10[%dma_start3A_101, %dma_start3A_102] : memref<1x512xi32, #tpu.memory_space<vmem>> -> memref<1x128xi32, #tpu.memory_space<vmem>>
    %dma_start3A_104 = arith.constant 0 : i32
    %dma_start3A_105 = arith.constant 0 : i32
    %dma_start3A_106 = tpu.memref_slice %arg3[%dma_start3A_104, %dma_start3A_105] : memref<1x100352xf32, #tpu.memory_space<hbm>> -> memref<1x100352xf32, #tpu.memory_space<hbm>>
    tpu.enqueue_indirect_dma source(%dma_start3A_106 : memref<1x100352xf32, #tpu.memory_space<hbm>>) target(%dma_start3A_100 : memref<1x128xf32, #tpu.memory_space<vmem>>) offsets(%dma_start3A_103 : memref<1x128xi32, #tpu.memory_space<vmem>>) semaphore(%arg20 : memref<!tpu.dma_semaphore, #tpu.memory_space<semaphore_mem>>)
    %dma_start3A_107 = arith.constant 0 : i32
    %dma_start3A_108 = arith.constant 256 : i32
    %dma_start3A_109 = tpu.memref_slice %arg13[%dma_start3A_107, %dma_start3A_108] : memref<1x512xf32, #tpu.memory_space<vmem>> -> memref<1x128xf32, #tpu.memory_space<vmem>>
    %dma_start3A_110 = arith.constant 0 : i32
    %dma_start3A_111 = arith.constant 256 : i32
    %dma_start3A_112 = tpu.memref_slice %arg10[%dma_start3A_110, %dma_start3A_111] : memref<1x512xi32, #tpu.memory_space<vmem>> -> memref<1x128xi32, #tpu.memory_space<vmem>>
    %dma_start3A_113 = arith.constant 0 : i32
    %dma_start3A_114 = arith.constant 0 : i32
    %dma_start3A_115 = tpu.memref_slice %arg4[%dma_start3A_113, %dma_start3A_114] : memref<1x100352xf32, #tpu.memory_space<hbm>> -> memref<1x100352xf32, #tpu.memory_space<hbm>>
    tpu.enqueue_indirect_dma source(%dma_start3A_115 : memref<1x100352xf32, #tpu.memory_space<hbm>>) target(%dma_start3A_109 : memref<1x128xf32, #tpu.memory_space<vmem>>) offsets(%dma_start3A_112 : memref<1x128xi32, #tpu.memory_space<vmem>>) semaphore(%arg20 : memref<!tpu.dma_semaphore, #tpu.memory_space<semaphore_mem>>)
    %dma_start3A_116 = arith.constant 0 : i32
    %dma_start3A_117 = arith.constant 256 : i32
    %dma_start3A_118 = tpu.memref_slice %arg14[%dma_start3A_116, %dma_start3A_117] : memref<1x512xf32, #tpu.memory_space<vmem>> -> memref<1x128xf32, #tpu.memory_space<vmem>>
    %dma_start3A_119 = arith.constant 0 : i32
    %dma_start3A_120 = arith.constant 256 : i32
    %dma_start3A_121 = tpu.memref_slice %arg10[%dma_start3A_119, %dma_start3A_120] : memref<1x512xi32, #tpu.memory_space<vmem>> -> memref<1x128xi32, #tpu.memory_space<vmem>>
    %dma_start3A_122 = arith.constant 0 : i32
    %dma_start3A_123 = arith.constant 0 : i32
    %dma_start3A_124 = tpu.memref_slice %arg5[%dma_start3A_122, %dma_start3A_123] : memref<1x100352xf32, #tpu.memory_space<hbm>> -> memref<1x100352xf32, #tpu.memory_space<hbm>>
    tpu.enqueue_indirect_dma source(%dma_start3A_124 : memref<1x100352xf32, #tpu.memory_space<hbm>>) target(%dma_start3A_118 : memref<1x128xf32, #tpu.memory_space<vmem>>) offsets(%dma_start3A_121 : memref<1x128xi32, #tpu.memory_space<vmem>>) semaphore(%arg20 : memref<!tpu.dma_semaphore, #tpu.memory_space<semaphore_mem>>)
    %dma_start3A_125 = arith.constant 0 : i32
    %dma_start3A_126 = arith.constant 384 : i32
    %dma_start3A_127 = tpu.memref_slice %arg11[%dma_start3A_125, %dma_start3A_126] : memref<1x512xf32, #tpu.memory_space<vmem>> -> memref<1x128xf32, #tpu.memory_space<vmem>>
    %dma_start3A_128 = arith.constant 0 : i32
    %dma_start3A_129 = arith.constant 384 : i32
    %dma_start3A_130 = tpu.memref_slice %arg9[%dma_start3A_128, %dma_start3A_129] : memref<1x512xi32, #tpu.memory_space<vmem>> -> memref<1x128xi32, #tpu.memory_space<vmem>>
    %dma_start3A_131 = arith.constant 0 : i32
    %dma_start3A_132 = arith.constant 0 : i32
    %dma_start3A_133 = tpu.memref_slice %arg2[%dma_start3A_131, %dma_start3A_132] : memref<1x1000448xf32, #tpu.memory_space<hbm>> -> memref<1x1000448xf32, #tpu.memory_space<hbm>>
    tpu.enqueue_indirect_dma source(%dma_start3A_133 : memref<1x1000448xf32, #tpu.memory_space<hbm>>) target(%dma_start3A_127 : memref<1x128xf32, #tpu.memory_space<vmem>>) offsets(%dma_start3A_130 : memref<1x128xi32, #tpu.memory_space<vmem>>) semaphore(%arg21 : memref<!tpu.dma_semaphore, #tpu.memory_space<semaphore_mem>>)
    %dma_start3A_134 = arith.constant 0 : i32
    %dma_start3A_135 = arith.constant 384 : i32
    %dma_start3A_136 = tpu.memref_slice %arg12[%dma_start3A_134, %dma_start3A_135] : memref<1x512xf32, #tpu.memory_space<vmem>> -> memref<1x128xf32, #tpu.memory_space<vmem>>
    %dma_start3A_137 = arith.constant 0 : i32
    %dma_start3A_138 = arith.constant 384 : i32
    %dma_start3A_139 = tpu.memref_slice %arg10[%dma_start3A_137, %dma_start3A_138] : memref<1x512xi32, #tpu.memory_space<vmem>> -> memref<1x128xi32, #tpu.memory_space<vmem>>
    %dma_start3A_140 = arith.constant 0 : i32
    %dma_start3A_141 = arith.constant 0 : i32
    %dma_start3A_142 = tpu.memref_slice %arg3[%dma_start3A_140, %dma_start3A_141] : memref<1x100352xf32, #tpu.memory_space<hbm>> -> memref<1x100352xf32, #tpu.memory_space<hbm>>
    tpu.enqueue_indirect_dma source(%dma_start3A_142 : memref<1x100352xf32, #tpu.memory_space<hbm>>) target(%dma_start3A_136 : memref<1x128xf32, #tpu.memory_space<vmem>>) offsets(%dma_start3A_139 : memref<1x128xi32, #tpu.memory_space<vmem>>) semaphore(%arg21 : memref<!tpu.dma_semaphore, #tpu.memory_space<semaphore_mem>>)
    %dma_start3A_143 = arith.constant 0 : i32
    %dma_start3A_144 = arith.constant 384 : i32
    %dma_start3A_145 = tpu.memref_slice %arg13[%dma_start3A_143, %dma_start3A_144] : memref<1x512xf32, #tpu.memory_space<vmem>> -> memref<1x128xf32, #tpu.memory_space<vmem>>
    %dma_start3A_146 = arith.constant 0 : i32
    %dma_start3A_147 = arith.constant 384 : i32
    %dma_start3A_148 = tpu.memref_slice %arg10[%dma_start3A_146, %dma_start3A_147] : memref<1x512xi32, #tpu.memory_space<vmem>> -> memref<1x128xi32, #tpu.memory_space<vmem>>
    %dma_start3A_149 = arith.constant 0 : i32
    %dma_start3A_150 = arith.constant 0 : i32
    %dma_start3A_151 = tpu.memref_slice %arg4[%dma_start3A_149, %dma_start3A_150] : memref<1x100352xf32, #tpu.memory_space<hbm>> -> memref<1x100352xf32, #tpu.memory_space<hbm>>
    tpu.enqueue_indirect_dma source(%dma_start3A_151 : memref<1x100352xf32, #tpu.memory_space<hbm>>) target(%dma_start3A_145 : memref<1x128xf32, #tpu.memory_space<vmem>>) offsets(%dma_start3A_148 : memref<1x128xi32, #tpu.memory_space<vmem>>) semaphore(%arg21 : memref<!tpu.dma_semaphore, #tpu.memory_space<semaphore_mem>>)
    %dma_start3A_152 = arith.constant 0 : i32
    %dma_start3A_153 = arith.constant 384 : i32
    %dma_start3A_154 = tpu.memref_slice %arg14[%dma_start3A_152, %dma_start3A_153] : memref<1x512xf32, #tpu.memory_space<vmem>> -> memref<1x128xf32, #tpu.memory_space<vmem>>
    %dma_start3A_155 = arith.constant 0 : i32
    %dma_start3A_156 = arith.constant 384 : i32
    %dma_start3A_157 = tpu.memref_slice %arg10[%dma_start3A_155, %dma_start3A_156] : memref<1x512xi32, #tpu.memory_space<vmem>> -> memref<1x128xi32, #tpu.memory_space<vmem>>
    %dma_start3A_158 = arith.constant 0 : i32
    %dma_start3A_159 = arith.constant 0 : i32
    %dma_start3A_160 = tpu.memref_slice %arg5[%dma_start3A_158, %dma_start3A_159] : memref<1x100352xf32, #tpu.memory_space<hbm>> -> memref<1x100352xf32, #tpu.memory_space<hbm>>
    tpu.enqueue_indirect_dma source(%dma_start3A_160 : memref<1x100352xf32, #tpu.memory_space<hbm>>) target(%dma_start3A_154 : memref<1x128xf32, #tpu.memory_space<vmem>>) offsets(%dma_start3A_157 : memref<1x128xi32, #tpu.memory_space<vmem>>) semaphore(%arg21 : memref<!tpu.dma_semaphore, #tpu.memory_space<semaphore_mem>>)
    %dma_wait3A_161 = arith.constant 0 : i32
    %dma_wait3A_162 = arith.constant 0 : i32
    %dma_wait3A_163 = tpu.memref_slice %arg11[%dma_wait3A_161, %dma_wait3A_162] : memref<1x512xf32, #tpu.memory_space<vmem>> -> memref<1x128xf32, #tpu.memory_space<vmem>>
    %dma_wait3A_164 = arith.constant 0 : i32
    %dma_wait3A_165 = arith.constant 0 : i32
    %dma_wait3A_166 = tpu.memref_slice %arg9[%dma_wait3A_164, %dma_wait3A_165] : memref<1x512xi32, #tpu.memory_space<vmem>> -> memref<1x128xi32, #tpu.memory_space<vmem>>
    %dma_wait3A_167 = arith.constant 0 : i32
    %dma_wait3A_168 = arith.constant 0 : i32
    %dma_wait3A_169 = tpu.memref_slice %arg2[%dma_wait3A_167, %dma_wait3A_168] : memref<1x1000448xf32, #tpu.memory_space<hbm>> -> memref<1x1000448xf32, #tpu.memory_space<hbm>>
    tpu.wait_indirect_dma semaphore(%arg18 : memref<!tpu.dma_semaphore, #tpu.memory_space<semaphore_mem>>) src(%dma_wait3A_169 : memref<1x1000448xf32, #tpu.memory_space<hbm>>) dst(%dma_wait3A_163 : memref<1x128xf32, #tpu.memory_space<vmem>>)
    %dma_wait3A_170 = arith.constant 0 : i32
    %dma_wait3A_171 = arith.constant 0 : i32
    %dma_wait3A_172 = tpu.memref_slice %arg12[%dma_wait3A_170, %dma_wait3A_171] : memref<1x512xf32, #tpu.memory_space<vmem>> -> memref<1x128xf32, #tpu.memory_space<vmem>>
    %dma_wait3A_173 = arith.constant 0 : i32
    %dma_wait3A_174 = arith.constant 0 : i32
    %dma_wait3A_175 = tpu.memref_slice %arg10[%dma_wait3A_173, %dma_wait3A_174] : memref<1x512xi32, #tpu.memory_space<vmem>> -> memref<1x128xi32, #tpu.memory_space<vmem>>
    %dma_wait3A_176 = arith.constant 0 : i32
    %dma_wait3A_177 = arith.constant 0 : i32
    %dma_wait3A_178 = tpu.memref_slice %arg3[%dma_wait3A_176, %dma_wait3A_177] : memref<1x100352xf32, #tpu.memory_space<hbm>> -> memref<1x100352xf32, #tpu.memory_space<hbm>>
    tpu.wait_indirect_dma semaphore(%arg18 : memref<!tpu.dma_semaphore, #tpu.memory_space<semaphore_mem>>) src(%dma_wait3A_178 : memref<1x100352xf32, #tpu.memory_space<hbm>>) dst(%dma_wait3A_172 : memref<1x128xf32, #tpu.memory_space<vmem>>)
    %dma_wait3A_179 = arith.constant 0 : i32
    %dma_wait3A_180 = arith.constant 0 : i32
    %dma_wait3A_181 = tpu.memref_slice %arg13[%dma_wait3A_179, %dma_wait3A_180] : memref<1x512xf32, #tpu.memory_space<vmem>> -> memref<1x128xf32, #tpu.memory_space<vmem>>
    %dma_wait3A_182 = arith.constant 0 : i32
    %dma_wait3A_183 = arith.constant 0 : i32
    %dma_wait3A_184 = tpu.memref_slice %arg10[%dma_wait3A_182, %dma_wait3A_183] : memref<1x512xi32, #tpu.memory_space<vmem>> -> memref<1x128xi32, #tpu.memory_space<vmem>>
    %dma_wait3A_185 = arith.constant 0 : i32
    %dma_wait3A_186 = arith.constant 0 : i32
    %dma_wait3A_187 = tpu.memref_slice %arg4[%dma_wait3A_185, %dma_wait3A_186] : memref<1x100352xf32, #tpu.memory_space<hbm>> -> memref<1x100352xf32, #tpu.memory_space<hbm>>
    tpu.wait_indirect_dma semaphore(%arg18 : memref<!tpu.dma_semaphore, #tpu.memory_space<semaphore_mem>>) src(%dma_wait3A_187 : memref<1x100352xf32, #tpu.memory_space<hbm>>) dst(%dma_wait3A_181 : memref<1x128xf32, #tpu.memory_space<vmem>>)
    %dma_wait3A_188 = arith.constant 0 : i32
    %dma_wait3A_189 = arith.constant 0 : i32
    %dma_wait3A_190 = tpu.memref_slice %arg14[%dma_wait3A_188, %dma_wait3A_189] : memref<1x512xf32, #tpu.memory_space<vmem>> -> memref<1x128xf32, #tpu.memory_space<vmem>>
    %dma_wait3A_191 = arith.constant 0 : i32
    %dma_wait3A_192 = arith.constant 0 : i32
    %dma_wait3A_193 = tpu.memref_slice %arg10[%dma_wait3A_191, %dma_wait3A_192] : memref<1x512xi32, #tpu.memory_space<vmem>> -> memref<1x128xi32, #tpu.memory_space<vmem>>
    %dma_wait3A_194 = arith.constant 0 : i32
    %dma_wait3A_195 = arith.constant 0 : i32
    %dma_wait3A_196 = tpu.memref_slice %arg5[%dma_wait3A_194, %dma_wait3A_195] : memref<1x100352xf32, #tpu.memory_space<hbm>> -> memref<1x100352xf32, #tpu.memory_space<hbm>>
    tpu.wait_indirect_dma semaphore(%arg18 : memref<!tpu.dma_semaphore, #tpu.memory_space<semaphore_mem>>) src(%dma_wait3A_196 : memref<1x100352xf32, #tpu.memory_space<hbm>>) dst(%dma_wait3A_190 : memref<1x128xf32, #tpu.memory_space<vmem>>)
    %get3A = arith.constant 0 : i32
    %get3A_197 = arith.index_cast %get3A : i32 to index
    %get3A_198 = arith.constant 0 : index
    %get3A_199 = tpu.vector_load %arg11[%get3A_197, %get3A_198] {strides = array<i32>} : memref<1x512xf32, #tpu.memory_space<vmem>>, vector<1x16xf32>,
    %get3A_200 = vector.shape_cast %get3A_199 : vector<1x16xf32> to vector<16xf32>
    %get3A_201 = arith.constant 0 : i32
    %get3A_202 = arith.index_cast %get3A_201 : i32 to index
    %get3A_203 = arith.constant 0 : index
    %get3A_204 = tpu.vector_load %arg12[%get3A_202, %get3A_203] {strides = array<i32>} : memref<1x512xf32, #tpu.memory_space<vmem>>, vector<1x16xf32>,
    %get3A_205 = vector.shape_cast %get3A_204 : vector<1x16xf32> to vector<16xf32>
    %get3A_206 = arith.constant 0 : i32
    %get3A_207 = arith.index_cast %get3A_206 : i32 to index
    %get3A_208 = arith.constant 0 : index
    %get3A_209 = tpu.vector_load %arg13[%get3A_207, %get3A_208] {strides = array<i32>} : memref<1x512xf32, #tpu.memory_space<vmem>>, vector<1x16xf32>,
    %get3A_210 = vector.shape_cast %get3A_209 : vector<1x16xf32> to vector<16xf32>
    %get3A_211 = arith.constant 0 : i32
    %get3A_212 = arith.index_cast %get3A_211 : i32 to index
    %get3A_213 = arith.constant 0 : index
    %get3A_214 = tpu.vector_load %arg14[%get3A_212, %get3A_213] {strides = array<i32>} : memref<1x512xf32, #tpu.memory_space<vmem>>, vector<1x16xf32>,
    %get3A_215 = vector.shape_cast %get3A_214 : vector<1x16xf32> to vector<16xf32>
    %neg3A = arith.constant 0.000000e+00 : f32
    %neg3A_216 = vector.broadcast %neg3A : f32 to vector<16xf32>
    %neg3A_217 = arith.subf %neg3A_216, %get3A_215 : vector<16xf32>
    %exp3A = math.exp %neg3A_217 : vector<16xf32>
    %add3A_218 = arith.constant 1.000000e+00 : f32
    %add3A_219 = vector.broadcast %add3A_218 : f32 to vector<16xf32>
    %add3A_220 = arith.addf %add3A_219, %exp3A : vector<16xf32>
    %div3A = arith.constant 1.000000e+00 : f32
    %div3A_221 = vector.broadcast %div3A : f32 to vector<16xf32>
    %div3A_222 = arith.divf %div3A_221, %add3A_220 : vector<16xf32>
    %mul3A_223 = arith.constant -1.702000e+00 : f32
    %mul3A_224 = vector.broadcast %mul3A_223 : f32 to vector<16xf32>
    %mul3A_225 = arith.mulf %mul3A_224, %get3A_205 : vector<16xf32>
    %sub3A = arith.subf %get3A_200, %get3A_210 : vector<16xf32>
    %mul3A_226 = arith.mulf %mul3A_225, %sub3A : vector<16xf32>
    %exp3A_227 = math.exp %mul3A_226 : vector<16xf32>
    %add3A_228 = arith.constant 1.000000e+00 : f32
    %add3A_229 = vector.broadcast %add3A_228 : f32 to vector<16xf32>
    %add3A_230 = arith.addf %add3A_229, %exp3A_227 : vector<16xf32>
    %div3A_231 = arith.constant 1.000000e+00 : f32
    %div3A_232 = vector.broadcast %div3A_231 : f32 to vector<16xf32>
    %div3A_233 = arith.divf %div3A_232, %add3A_230 : vector<16xf32>
    %sub3A_234 = arith.constant 1.000000e+00 : f32
    %sub3A_235 = vector.broadcast %sub3A_234 : f32 to vector<16xf32>
    %sub3A_236 = arith.subf %sub3A_235, %div3A_222 : vector<16xf32>
    %mul3A_237 = arith.mulf %sub3A_236, %div3A_233 : vector<16xf32>
    %add3A_238 = arith.addf %div3A_222, %mul3A_237 : vector<16xf32>
    %swap3A = arith.constant 0 : index
    %swap3A_239 = tpu.vector_load %arg15[%swap3A] {strides = array<i32>} : memref<512xf32, #tpu.memory_space<vmem>>, vector<16xf32>,
    %swap3A_240 = vector.shape_cast %swap3A_239 : vector<16xf32> to vector<16xf32>
    %swap3A_241 = vector.shape_cast %add3A_238 : vector<16xf32> to vector<16xf32>
    tpu.vector_store %arg15[%swap3A], %swap3A_241 {strides = array<i32>} : memref<512xf32, #tpu.memory_space<vmem>>, vector<16xf32>,
    %get3A_242 = arith.constant 0 : i32
    %get3A_243 = arith.index_cast %get3A_242 : i32 to index
    %get3A_244 = arith.constant 16 : index
    %get3A_245 = tpu.vector_load %arg11[%get3A_243, %get3A_244] {strides = array<i32>} : memref<1x512xf32, #tpu.memory_space<vmem>>, vector<1x16xf32>,
    %get3A_246 = vector.shape_cast %get3A_245 : vector<1x16xf32> to vector<16xf32>
    %get3A_247 = arith.constant 0 : i32
    %get3A_248 = arith.index_cast %get3A_247 : i32 to index
    %get3A_249 = arith.constant 16 : index
    %get3A_250 = tpu.vector_load %arg12[%get3A_248, %get3A_249] {strides = array<i32>} : memref<1x512xf32, #tpu.memory_space<vmem>>, vector<1x16xf32>,
    %get3A_251 = vector.shape_cast %get3A_250 : vector<1x16xf32> to vector<16xf32>
    %get3A_252 = arith.constant 0 : i32
    %get3A_253 = arith.index_cast %get3A_252 : i32 to index
    %get3A_254 = arith.constant 16 : index
    %get3A_255 = tpu.vector_load %arg13[%get3A_253, %get3A_254] {strides = array<i32>} : memref<1x512xf32, #tpu.memory_space<vmem>>, vector<1x16xf32>,
    %get3A_256 = vector.shape_cast %get3A_255 : vector<1x16xf32> to vector<16xf32>
    %get3A_257 = arith.constant 0 : i32
    %get3A_258 = arith.index_cast %get3A_257 : i32 to index
    %get3A_259 = arith.constant 16 : index
    %get3A_260 = tpu.vector_load %arg14[%get3A_258, %get3A_259] {strides = array<i32>} : memref<1x512xf32, #tpu.memory_space<vmem>>, vector<1x16xf32>,
    %get3A_261 = vector.shape_cast %get3A_260 : vector<1x16xf32> to vector<16xf32>
    %neg3A_262 = arith.constant 0.000000e+00 : f32
    %neg3A_263 = vector.broadcast %neg3A_262 : f32 to vector<16xf32>
    %neg3A_264 = arith.subf %neg3A_263, %get3A_261 : vector<16xf32>
    %exp3A_265 = math.exp %neg3A_264 : vector<16xf32>
    %add3A_266 = arith.constant 1.000000e+00 : f32
    %add3A_267 = vector.broadcast %add3A_266 : f32 to vector<16xf32>
    %add3A_268 = arith.addf %add3A_267, %exp3A_265 : vector<16xf32>
    %div3A_269 = arith.constant 1.000000e+00 : f32
    %div3A_270 = vector.broadcast %div3A_269 : f32 to vector<16xf32>
    %div3A_271 = arith.divf %div3A_270, %add3A_268 : vector<16xf32>
    %mul3A_272 = arith.constant -1.702000e+00 : f32
    %mul3A_273 = vector.broadcast %mul3A_272 : f32 to vector<16xf32>
    %mul3A_274 = arith.mulf %mul3A_273, %get3A_251 : vector<16xf32>
    %sub3A_275 = arith.subf %get3A_246, %get3A_256 : vector<16xf32>
    %mul3A_276 = arith.mulf %mul3A_274, %sub3A_275 : vector<16xf32>
    %exp3A_277 = math.exp %mul3A_276 : vector<16xf32>
    %add3A_278 = arith.constant 1.000000e+00 : f32
    %add3A_279 = vector.broadcast %add3A_278 : f32 to vector<16xf32>
    %add3A_280 = arith.addf %add3A_279, %exp3A_277 : vector<16xf32>
    %div3A_281 = arith.constant 1.000000e+00 : f32
    %div3A_282 = vector.broadcast %div3A_281 : f32 to vector<16xf32>
    %div3A_283 = arith.divf %div3A_282, %add3A_280 : vector<16xf32>
    %sub3A_284 = arith.constant 1.000000e+00 : f32
    %sub3A_285 = vector.broadcast %sub3A_284 : f32 to vector<16xf32>
    %sub3A_286 = arith.subf %sub3A_285, %div3A_271 : vector<16xf32>
    %mul3A_287 = arith.mulf %sub3A_286, %div3A_283 : vector<16xf32>
    %add3A_288 = arith.addf %div3A_271, %mul3A_287 : vector<16xf32>
    %swap3A_289 = arith.constant 16 : index
    %swap3A_290 = tpu.vector_load %arg15[%swap3A_289] {strides = array<i32>} : memref<512xf32, #tpu.memory_space<vmem>>, vector<16xf32>,
    %swap3A_291 = vector.shape_cast %swap3A_290 : vector<16xf32> to vector<16xf32>
    %swap3A_292 = vector.shape_cast %add3A_288 : vector<16xf32> to vector<16xf32>
    tpu.vector_store %arg15[%swap3A_289], %swap3A_292 {strides = array<i32>} : memref<512xf32, #tpu.memory_space<vmem>>, vector<16xf32>,
    %get3A_293 = arith.constant 0 : i32
    %get3A_294 = arith.index_cast %get3A_293 : i32 to index
    %get3A_295 = arith.constant 32 : index
    %get3A_296 = tpu.vector_load %arg11[%get3A_294, %get3A_295] {strides = array<i32>} : memref<1x512xf32, #tpu.memory_space<vmem>>, vector<1x16xf32>,
    %get3A_297 = vector.shape_cast %get3A_296 : vector<1x16xf32> to vector<16xf32>
    %get3A_298 = arith.constant 0 : i32
    %get3A_299 = arith.index_cast %get3A_298 : i32 to index
    %get3A_300 = arith.constant 32 : index
    %get3A_301 = tpu.vector_load %arg12[%get3A_299, %get3A_300] {strides = array<i32>} : memref<1x512xf32, #tpu.memory_space<vmem>>, vector<1x16xf32>,
    %get3A_302 = vector.shape_cast %get3A_301 : vector<1x16xf32> to vector<16xf32>
    %get3A_303 = arith.constant 0 : i32
    %get3A_304 = arith.index_cast %get3A_303 : i32 to index
    %get3A_305 = arith.constant 32 : index
    %get3A_306 = tpu.vector_load %arg13[%get3A_304, %get3A_305] {strides = array<i32>} : memref<1x512xf32, #tpu.memory_space<vmem>>, vector<1x16xf32>,
    %get3A_307 = vector.shape_cast %get3A_306 : vector<1x16xf32> to vector<16xf32>
    %get3A_308 = arith.constant 0 : i32
    %get3A_309 = arith.index_cast %get3A_308 : i32 to index
    %get3A_310 = arith.constant 32 : index
    %get3A_311 = tpu.vector_load %arg14[%get3A_309, %get3A_310] {strides = array<i32>} : memref<1x512xf32, #tpu.memory_space<vmem>>, vector<1x16xf32>,
    %get3A_312 = vector.shape_cast %get3A_311 : vector<1x16xf32> to vector<16xf32>
    %neg3A_313 = arith.constant 0.000000e+00 : f32
    %neg3A_314 = vector.broadcast %neg3A_313 : f32 to vector<16xf32>
    %neg3A_315 = arith.subf %neg3A_314, %get3A_312 : vector<16xf32>
    %exp3A_316 = math.exp %neg3A_315 : vector<16xf32>
    %add3A_317 = arith.constant 1.000000e+00 : f32
    %add3A_318 = vector.broadcast %add3A_317 : f32 to vector<16xf32>
    %add3A_319 = arith.addf %add3A_318, %exp3A_316 : vector<16xf32>
    %div3A_320 = arith.constant 1.000000e+00 : f32
    %div3A_321 = vector.broadcast %div3A_320 : f32 to vector<16xf32>
    %div3A_322 = arith.divf %div3A_321, %add3A_319 : vector<16xf32>
    %mul3A_323 = arith.constant -1.702000e+00 : f32
    %mul3A_324 = vector.broadcast %mul3A_323 : f32 to vector<16xf32>
    %mul3A_325 = arith.mulf %mul3A_324, %get3A_302 : vector<16xf32>
    %sub3A_326 = arith.subf %get3A_297, %get3A_307 : vector<16xf32>
    %mul3A_327 = arith.mulf %mul3A_325, %sub3A_326 : vector<16xf32>
    %exp3A_328 = math.exp %mul3A_327 : vector<16xf32>
    %add3A_329 = arith.constant 1.000000e+00 : f32
    %add3A_330 = vector.broadcast %add3A_329 : f32 to vector<16xf32>
    %add3A_331 = arith.addf %add3A_330, %exp3A_328 : vector<16xf32>
    %div3A_332 = arith.constant 1.000000e+00 : f32
    %div3A_333 = vector.broadcast %div3A_332 : f32 to vector<16xf32>
    %div3A_334 = arith.divf %div3A_333, %add3A_331 : vector<16xf32>
    %sub3A_335 = arith.constant 1.000000e+00 : f32
    %sub3A_336 = vector.broadcast %sub3A_335 : f32 to vector<16xf32>
    %sub3A_337 = arith.subf %sub3A_336, %div3A_322 : vector<16xf32>
    %mul3A_338 = arith.mulf %sub3A_337, %div3A_334 : vector<16xf32>
    %add3A_339 = arith.addf %div3A_322, %mul3A_338 : vector<16xf32>
    %swap3A_340 = arith.constant 32 : index
    %swap3A_341 = tpu.vector_load %arg15[%swap3A_340] {strides = array<i32>} : memref<512xf32, #tpu.memory_space<vmem>>, vector<16xf32>,
    %swap3A_342 = vector.shape_cast %swap3A_341 : vector<16xf32> to vector<16xf32>
    %swap3A_343 = vector.shape_cast %add3A_339 : vector<16xf32> to vector<16xf32>
    tpu.vector_store %arg15[%swap3A_340], %swap3A_343 {strides = array<i32>} : memref<512xf32, #tpu.memory_space<vmem>>, vector<16xf32>,
    %get3A_344 = arith.constant 0 : i32
    %get3A_345 = arith.index_cast %get3A_344 : i32 to index
    %get3A_346 = arith.constant 48 : index
    %get3A_347 = tpu.vector_load %arg11[%get3A_345, %get3A_346] {strides = array<i32>} : memref<1x512xf32, #tpu.memory_space<vmem>>, vector<1x16xf32>,
    %get3A_348 = vector.shape_cast %get3A_347 : vector<1x16xf32> to vector<16xf32>
    %get3A_349 = arith.constant 0 : i32
    %get3A_350 = arith.index_cast %get3A_349 : i32 to index
    %get3A_351 = arith.constant 48 : index
    %get3A_352 = tpu.vector_load %arg12[%get3A_350, %get3A_351] {strides = array<i32>} : memref<1x512xf32, #tpu.memory_space<vmem>>, vector<1x16xf32>,
    %get3A_353 = vector.shape_cast %get3A_352 : vector<1x16xf32> to vector<16xf32>
    %get3A_354 = arith.constant 0 : i32
    %get3A_355 = arith.index_cast %get3A_354 : i32 to index
    %get3A_356 = arith.constant 48 : index
    %get3A_357 = tpu.vector_load %arg13[%get3A_355, %get3A_356] {strides = array<i32>} : memref<1x512xf32, #tpu.memory_space<vmem>>, vector<1x16xf32>,
    %get3A_358 = vector.shape_cast %get3A_357 : vector<1x16xf32> to vector<16xf32>
    %get3A_359 = arith.constant 0 : i32
    %get3A_360 = arith.index_cast %get3A_359 : i32 to index
    %get3A_361 = arith.constant 48 : index
    %get3A_362 = tpu.vector_load %arg14[%get3A_360, %get3A_361] {strides = array<i32>} : memref<1x512xf32, #tpu.memory_space<vmem>>, vector<1x16xf32>,
    %get3A_363 = vector.shape_cast %get3A_362 : vector<1x16xf32> to vector<16xf32>
    %neg3A_364 = arith.constant 0.000000e+00 : f32
    %neg3A_365 = vector.broadcast %neg3A_364 : f32 to vector<16xf32>
    %neg3A_366 = arith.subf %neg3A_365, %get3A_363 : vector<16xf32>
    %exp3A_367 = math.exp %neg3A_366 : vector<16xf32>
    %add3A_368 = arith.constant 1.000000e+00 : f32
    %add3A_369 = vector.broadcast %add3A_368 : f32 to vector<16xf32>
    %add3A_370 = arith.addf %add3A_369, %exp3A_367 : vector<16xf32>
    %div3A_371 = arith.constant 1.000000e+00 : f32
    %div3A_372 = vector.broadcast %div3A_371 : f32 to vector<16xf32>
    %div3A_373 = arith.divf %div3A_372, %add3A_370 : vector<16xf32>
    %mul3A_374 = arith.constant -1.702000e+00 : f32
    %mul3A_375 = vector.broadcast %mul3A_374 : f32 to vector<16xf32>
    %mul3A_376 = arith.mulf %mul3A_375, %get3A_353 : vector<16xf32>
    %sub3A_377 = arith.subf %get3A_348, %get3A_358 : vector<16xf32>
    %mul3A_378 = arith.mulf %mul3A_376, %sub3A_377 : vector<16xf32>
    %exp3A_379 = math.exp %mul3A_378 : vector<16xf32>
    %add3A_380 = arith.constant 1.000000e+00 : f32
    %add3A_381 = vector.broadcast %add3A_380 : f32 to vector<16xf32>
    %add3A_382 = arith.addf %add3A_381, %exp3A_379 : vector<16xf32>
    %div3A_383 = arith.constant 1.000000e+00 : f32
    %div3A_384 = vector.broadcast %div3A_383 : f32 to vector<16xf32>
    %div3A_385 = arith.divf %div3A_384, %add3A_382 : vector<16xf32>
    %sub3A_386 = arith.constant 1.000000e+00 : f32
    %sub3A_387 = vector.broadcast %sub3A_386 : f32 to vector<16xf32>
    %sub3A_388 = arith.subf %sub3A_387, %div3A_373 : vector<16xf32>
    %mul3A_389 = arith.mulf %sub3A_388, %div3A_385 : vector<16xf32>
    %add3A_390 = arith.addf %div3A_373, %mul3A_389 : vector<16xf32>
    %swap3A_391 = arith.constant 48 : index
    %swap3A_392 = tpu.vector_load %arg15[%swap3A_391] {strides = array<i32>} : memref<512xf32, #tpu.memory_space<vmem>>, vector<16xf32>,
    %swap3A_393 = vector.shape_cast %swap3A_392 : vector<16xf32> to vector<16xf32>
    %swap3A_394 = vector.shape_cast %add3A_390 : vector<16xf32> to vector<16xf32>
    tpu.vector_store %arg15[%swap3A_391], %swap3A_394 {strides = array<i32>} : memref<512xf32, #tpu.memory_space<vmem>>, vector<16xf32>,
    %get3A_395 = arith.constant 0 : i32
    %get3A_396 = arith.index_cast %get3A_395 : i32 to index
    %get3A_397 = arith.constant 64 : index
    %get3A_398 = tpu.vector_load %arg11[%get3A_396, %get3A_397] {strides = array<i32>} : memref<1x512xf32, #tpu.memory_space<vmem>>, vector<1x16xf32>,
    %get3A_399 = vector.shape_cast %get3A_398 : vector<1x16xf32> to vector<16xf32>
    %get3A_400 = arith.constant 0 : i32
    %get3A_401 = arith.index_cast %get3A_400 : i32 to index
    %get3A_402 = arith.constant 64 : index
    %get3A_403 = tpu.vector_load %arg12[%get3A_401, %get3A_402] {strides = array<i32>} : memref<1x512xf32, #tpu.memory_space<vmem>>, vector<1x16xf32>,
    %get3A_404 = vector.shape_cast %get3A_403 : vector<1x16xf32> to vector<16xf32>
    %get3A_405 = arith.constant 0 : i32
    %get3A_406 = arith.index_cast %get3A_405 : i32 to index
    %get3A_407 = arith.constant 64 : index
    %get3A_408 = tpu.vector_load %arg13[%get3A_406, %get3A_407] {strides = array<i32>} : memref<1x512xf32, #tpu.memory_space<vmem>>, vector<1x16xf32>,
    %get3A_409 = vector.shape_cast %get3A_408 : vector<1x16xf32> to vector<16xf32>
    %get3A_410 = arith.constant 0 : i32
    %get3A_411 = arith.index_cast %get3A_410 : i32 to index
    %get3A_412 = arith.constant 64 : index
    %get3A_413 = tpu.vector_load %arg14[%get3A_411, %get3A_412] {strides = array<i32>} : memref<1x512xf32, #tpu.memory_space<vmem>>, vector<1x16xf32>,
    %get3A_414 = vector.shape_cast %get3A_413 : vector<1x16xf32> to vector<16xf32>
    %neg3A_415 = arith.constant 0.000000e+00 : f32
    %neg3A_416 = vector.broadcast %neg3A_415 : f32 to vector<16xf32>
    %neg3A_417 = arith.subf %neg3A_416, %get3A_414 : vector<16xf32>
    %exp3A_418 = math.exp %neg3A_417 : vector<16xf32>
    %add3A_419 = arith.constant 1.000000e+00 : f32
    %add3A_420 = vector.broadcast %add3A_419 : f32 to vector<16xf32>
    %add3A_421 = arith.addf %add3A_420, %exp3A_418 : vector<16xf32>
    %div3A_422 = arith.constant 1.000000e+00 : f32
    %div3A_423 = vector.broadcast %div3A_422 : f32 to vector<16xf32>
    %div3A_424 = arith.divf %div3A_423, %add3A_421 : vector<16xf32>
    %mul3A_425 = arith.constant -1.702000e+00 : f32
    %mul3A_426 = vector.broadcast %mul3A_425 : f32 to vector<16xf32>
    %mul3A_427 = arith.mulf %mul3A_426, %get3A_404 : vector<16xf32>
    %sub3A_428 = arith.subf %get3A_399, %get3A_409 : vector<16xf32>
    %mul3A_429 = arith.mulf %mul3A_427, %sub3A_428 : vector<16xf32>
    %exp3A_430 = math.exp %mul3A_429 : vector<16xf32>
    %add3A_431 = arith.constant 1.000000e+00 : f32
    %add3A_432 = vector.broadcast %add3A_431 : f32 to vector<16xf32>
    %add3A_433 = arith.addf %add3A_432, %exp3A_430 : vector<16xf32>
    %div3A_434 = arith.constant 1.000000e+00 : f32
    %div3A_435 = vector.broadcast %div3A_434 : f32 to vector<16xf32>
    %div3A_436 = arith.divf %div3A_435, %add3A_433 : vector<16xf32>
    %sub3A_437 = arith.constant 1.000000e+00 : f32
    %sub3A_438 = vector.broadcast %sub3A_437 : f32 to vector<16xf32>
    %sub3A_439 = arith.subf %sub3A_438, %div3A_424 : vector<16xf32>
    %mul3A_440 = arith.mulf %sub3A_439, %div3A_436 : vector<16xf32>
    %add3A_441 = arith.addf %div3A_424, %mul3A_440 : vector<16xf32>
    %swap3A_442 = arith.constant 64 : index
    %swap3A_443 = tpu.vector_load %arg15[%swap3A_442] {strides = array<i32>} : memref<512xf32, #tpu.memory_space<vmem>>, vector<16xf32>,
    %swap3A_444 = vector.shape_cast %swap3A_443 : vector<16xf32> to vector<16xf32>
    %swap3A_445 = vector.shape_cast %add3A_441 : vector<16xf32> to vector<16xf32>
    tpu.vector_store %arg15[%swap3A_442], %swap3A_445 {strides = array<i32>} : memref<512xf32, #tpu.memory_space<vmem>>, vector<16xf32>,
    %get3A_446 = arith.constant 0 : i32
    %get3A_447 = arith.index_cast %get3A_446 : i32 to index
    %get3A_448 = arith.constant 80 : index
    %get3A_449 = tpu.vector_load %arg11[%get3A_447, %get3A_448] {strides = array<i32>} : memref<1x512xf32, #tpu.memory_space<vmem>>, vector<1x16xf32>,
    %get3A_450 = vector.shape_cast %get3A_449 : vector<1x16xf32> to vector<16xf32>
    %get3A_451 = arith.constant 0 : i32
    %get3A_452 = arith.index_cast %get3A_451 : i32 to index
    %get3A_453 = arith.constant 80 : index
    %get3A_454 = tpu.vector_load %arg12[%get3A_452, %get3A_453] {strides = array<i32>} : memref<1x512xf32, #tpu.memory_space<vmem>>, vector<1x16xf32>,
    %get3A_455 = vector.shape_cast %get3A_454 : vector<1x16xf32> to vector<16xf32>
    %get3A_456 = arith.constant 0 : i32
    %get3A_457 = arith.index_cast %get3A_456 : i32 to index
    %get3A_458 = arith.constant 80 : index
    %get3A_459 = tpu.vector_load %arg13[%get3A_457, %get3A_458] {strides = array<i32>} : memref<1x512xf32, #tpu.memory_space<vmem>>, vector<1x16xf32>,
    %get3A_460 = vector.shape_cast %get3A_459 : vector<1x16xf32> to vector<16xf32>
    %get3A_461 = arith.constant 0 : i32
    %get3A_462 = arith.index_cast %get3A_461 : i32 to index
    %get3A_463 = arith.constant 80 : index
    %get3A_464 = tpu.vector_load %arg14[%get3A_462, %get3A_463] {strides = array<i32>} : memref<1x512xf32, #tpu.memory_space<vmem>>, vector<1x16xf32>,
    %get3A_465 = vector.shape_cast %get3A_464 : vector<1x16xf32> to vector<16xf32>
    %neg3A_466 = arith.constant 0.000000e+00 : f32
    %neg3A_467 = vector.broadcast %neg3A_466 : f32 to vector<16xf32>
    %neg3A_468 = arith.subf %neg3A_467, %get3A_465 : vector<16xf32>
    %exp3A_469 = math.exp %neg3A_468 : vector<16xf32>
    %add3A_470 = arith.constant 1.000000e+00 : f32
    %add3A_471 = vector.broadcast %add3A_470 : f32 to vector<16xf32>
    %add3A_472 = arith.addf %add3A_471, %exp3A_469 : vector<16xf32>
    %div3A_473 = arith.constant 1.000000e+00 : f32
    %div3A_474 = vector.broadcast %div3A_473 : f32 to vector<16xf32>
    %div3A_475 = arith.divf %div3A_474, %add3A_472 : vector<16xf32>
    %mul3A_476 = arith.constant -1.702000e+00 : f32
    %mul3A_477 = vector.broadcast %mul3A_476 : f32 to vector<16xf32>
    %mul3A_478 = arith.mulf %mul3A_477, %get3A_455 : vector<16xf32>
    %sub3A_479 = arith.subf %get3A_450, %get3A_460 : vector<16xf32>
    %mul3A_480 = arith.mulf %mul3A_478, %sub3A_479 : vector<16xf32>
    %exp3A_481 = math.exp %mul3A_480 : vector<16xf32>
    %add3A_482 = arith.constant 1.000000e+00 : f32
    %add3A_483 = vector.broadcast %add3A_482 : f32 to vector<16xf32>
    %add3A_484 = arith.addf %add3A_483, %exp3A_481 : vector<16xf32>
    %div3A_485 = arith.constant 1.000000e+00 : f32
    %div3A_486 = vector.broadcast %div3A_485 : f32 to vector<16xf32>
    %div3A_487 = arith.divf %div3A_486, %add3A_484 : vector<16xf32>
    %sub3A_488 = arith.constant 1.000000e+00 : f32
    %sub3A_489 = vector.broadcast %sub3A_488 : f32 to vector<16xf32>
    %sub3A_490 = arith.subf %sub3A_489, %div3A_475 : vector<16xf32>
    %mul3A_491 = arith.mulf %sub3A_490, %div3A_487 : vector<16xf32>
    %add3A_492 = arith.addf %div3A_475, %mul3A_491 : vector<16xf32>
    %swap3A_493 = arith.constant 80 : index
    %swap3A_494 = tpu.vector_load %arg15[%swap3A_493] {strides = array<i32>} : memref<512xf32, #tpu.memory_space<vmem>>, vector<16xf32>,
    %swap3A_495 = vector.shape_cast %swap3A_494 : vector<16xf32> to vector<16xf32>
    %swap3A_496 = vector.shape_cast %add3A_492 : vector<16xf32> to vector<16xf32>
    tpu.vector_store %arg15[%swap3A_493], %swap3A_496 {strides = array<i32>} : memref<512xf32, #tpu.memory_space<vmem>>, vector<16xf32>,
    %get3A_497 = arith.constant 0 : i32
    %get3A_498 = arith.index_cast %get3A_497 : i32 to index
    %get3A_499 = arith.constant 96 : index
    %get3A_500 = tpu.vector_load %arg11[%get3A_498, %get3A_499] {strides = array<i32>} : memref<1x512xf32, #tpu.memory_space<vmem>>, vector<1x16xf32>,
    %get3A_501 = vector.shape_cast %get3A_500 : vector<1x16xf32> to vector<16xf32>
    %get3A_502 = arith.constant 0 : i32
    %get3A_503 = arith.index_cast %get3A_502 : i32 to index
    %get3A_504 = arith.constant 96 : index
    %get3A_505 = tpu.vector_load %arg12[%get3A_503, %get3A_504] {strides = array<i32>} : memref<1x512xf32, #tpu.memory_space<vmem>>, vector<1x16xf32>,
    %get3A_506 = vector.shape_cast %get3A_505 : vector<1x16xf32> to vector<16xf32>
    %get3A_507 = arith.constant 0 : i32
    %get3A_508 = arith.index_cast %get3A_507 : i32 to index
    %get3A_509 = arith.constant 96 : index
    %get3A_510 = tpu.vector_load %arg13[%get3A_508, %get3A_509] {strides = array<i32>} : memref<1x512xf32, #tpu.memory_space<vmem>>, vector<1x16xf32>,
    %get3A_511 = vector.shape_cast %get3A_510 : vector<1x16xf32> to vector<16xf32>
    %get3A_512 = arith.constant 0 : i32
    %get3A_513 = arith.index_cast %get3A_512 : i32 to index
    %get3A_514 = arith.constant 96 : index
    %get3A_515 = tpu.vector_load %arg14[%get3A_513, %get3A_514] {strides = array<i32>} : memref<1x512xf32, #tpu.memory_space<vmem>>, vector<1x16xf32>,
    %get3A_516 = vector.shape_cast %get3A_515 : vector<1x16xf32> to vector<16xf32>
    %neg3A_517 = arith.constant 0.000000e+00 : f32
    %neg3A_518 = vector.broadcast %neg3A_517 : f32 to vector<16xf32>
    %neg3A_519 = arith.subf %neg3A_518, %get3A_516 : vector<16xf32>
    %exp3A_520 = math.exp %neg3A_519 : vector<16xf32>
    %add3A_521 = arith.constant 1.000000e+00 : f32
    %add3A_522 = vector.broadcast %add3A_521 : f32 to vector<16xf32>
    %add3A_523 = arith.addf %add3A_522, %exp3A_520 : vector<16xf32>
    %div3A_524 = arith.constant 1.000000e+00 : f32
    %div3A_525 = vector.broadcast %div3A_524 : f32 to vector<16xf32>
    %div3A_526 = arith.divf %div3A_525, %add3A_523 : vector<16xf32>
    %mul3A_527 = arith.constant -1.702000e+00 : f32
    %mul3A_528 = vector.broadcast %mul3A_527 : f32 to vector<16xf32>
    %mul3A_529 = arith.mulf %mul3A_528, %get3A_506 : vector<16xf32>
    %sub3A_530 = arith.subf %get3A_501, %get3A_511 : vector<16xf32>
    %mul3A_531 = arith.mulf %mul3A_529, %sub3A_530 : vector<16xf32>
    %exp3A_532 = math.exp %mul3A_531 : vector<16xf32>
    %add3A_533 = arith.constant 1.000000e+00 : f32
    %add3A_534 = vector.broadcast %add3A_533 : f32 to vector<16xf32>
    %add3A_535 = arith.addf %add3A_534, %exp3A_532 : vector<16xf32>
    %div3A_536 = arith.constant 1.000000e+00 : f32
    %div3A_537 = vector.broadcast %div3A_536 : f32 to vector<16xf32>
    %div3A_538 = arith.divf %div3A_537, %add3A_535 : vector<16xf32>
    %sub3A_539 = arith.constant 1.000000e+00 : f32
    %sub3A_540 = vector.broadcast %sub3A_539 : f32 to vector<16xf32>
    %sub3A_541 = arith.subf %sub3A_540, %div3A_526 : vector<16xf32>
    %mul3A_542 = arith.mulf %sub3A_541, %div3A_538 : vector<16xf32>
    %add3A_543 = arith.addf %div3A_526, %mul3A_542 : vector<16xf32>
    %swap3A_544 = arith.constant 96 : index
    %swap3A_545 = tpu.vector_load %arg15[%swap3A_544] {strides = array<i32>} : memref<512xf32, #tpu.memory_space<vmem>>, vector<16xf32>,
    %swap3A_546 = vector.shape_cast %swap3A_545 : vector<16xf32> to vector<16xf32>
    %swap3A_547 = vector.shape_cast %add3A_543 : vector<16xf32> to vector<16xf32>
    tpu.vector_store %arg15[%swap3A_544], %swap3A_547 {strides = array<i32>} : memref<512xf32, #tpu.memory_space<vmem>>, vector<16xf32>,
    %get3A_548 = arith.constant 0 : i32
    %get3A_549 = arith.index_cast %get3A_548 : i32 to index
    %get3A_550 = arith.constant 112 : index
    %get3A_551 = tpu.vector_load %arg11[%get3A_549, %get3A_550] {strides = array<i32>} : memref<1x512xf32, #tpu.memory_space<vmem>>, vector<1x16xf32>,
    %get3A_552 = vector.shape_cast %get3A_551 : vector<1x16xf32> to vector<16xf32>
    %get3A_553 = arith.constant 0 : i32
    %get3A_554 = arith.index_cast %get3A_553 : i32 to index
    %get3A_555 = arith.constant 112 : index
    %get3A_556 = tpu.vector_load %arg12[%get3A_554, %get3A_555] {strides = array<i32>} : memref<1x512xf32, #tpu.memory_space<vmem>>, vector<1x16xf32>,
    %get3A_557 = vector.shape_cast %get3A_556 : vector<1x16xf32> to vector<16xf32>
    %get3A_558 = arith.constant 0 : i32
    %get3A_559 = arith.index_cast %get3A_558 : i32 to index
    %get3A_560 = arith.constant 112 : index
    %get3A_561 = tpu.vector_load %arg13[%get3A_559, %get3A_560] {strides = array<i32>} : memref<1x512xf32, #tpu.memory_space<vmem>>, vector<1x16xf32>,
    %get3A_562 = vector.shape_cast %get3A_561 : vector<1x16xf32> to vector<16xf32>
    %get3A_563 = arith.constant 0 : i32
    %get3A_564 = arith.index_cast %get3A_563 : i32 to index
    %get3A_565 = arith.constant 112 : index
    %get3A_566 = tpu.vector_load %arg14[%get3A_564, %get3A_565] {strides = array<i32>} : memref<1x512xf32, #tpu.memory_space<vmem>>, vector<1x16xf32>,
    %get3A_567 = vector.shape_cast %get3A_566 : vector<1x16xf32> to vector<16xf32>
    %neg3A_568 = arith.constant 0.000000e+00 : f32
    %neg3A_569 = vector.broadcast %neg3A_568 : f32 to vector<16xf32>
    %neg3A_570 = arith.subf %neg3A_569, %get3A_567 : vector<16xf32>
    %exp3A_571 = math.exp %neg3A_570 : vector<16xf32>
    %add3A_572 = arith.constant 1.000000e+00 : f32
    %add3A_573 = vector.broadcast %add3A_572 : f32 to vector<16xf32>
    %add3A_574 = arith.addf %add3A_573, %exp3A_571 : vector<16xf32>
    %div3A_575 = arith.constant 1.000000e+00 : f32
    %div3A_576 = vector.broadcast %div3A_575 : f32 to vector<16xf32>
    %div3A_577 = arith.divf %div3A_576, %add3A_574 : vector<16xf32>
    %mul3A_578 = arith.constant -1.702000e+00 : f32
    %mul3A_579 = vector.broadcast %mul3A_578 : f32 to vector<16xf32>
    %mul3A_580 = arith.mulf %mul3A_579, %get3A_557 : vector<16xf32>
    %sub3A_581 = arith.subf %get3A_552, %get3A_562 : vector<16xf32>
    %mul3A_582 = arith.mulf %mul3A_580, %sub3A_581 : vector<16xf32>
    %exp3A_583 = math.exp %mul3A_582 : vector<16xf32>
    %add3A_584 = arith.constant 1.000000e+00 : f32
    %add3A_585 = vector.broadcast %add3A_584 : f32 to vector<16xf32>
    %add3A_586 = arith.addf %add3A_585, %exp3A_583 : vector<16xf32>
    %div3A_587 = arith.constant 1.000000e+00 : f32
    %div3A_588 = vector.broadcast %div3A_587 : f32 to vector<16xf32>
    %div3A_589 = arith.divf %div3A_588, %add3A_586 : vector<16xf32>
    %sub3A_590 = arith.constant 1.000000e+00 : f32
    %sub3A_591 = vector.broadcast %sub3A_590 : f32 to vector<16xf32>
    %sub3A_592 = arith.subf %sub3A_591, %div3A_577 : vector<16xf32>
    %mul3A_593 = arith.mulf %sub3A_592, %div3A_589 : vector<16xf32>
    %add3A_594 = arith.addf %div3A_577, %mul3A_593 : vector<16xf32>
    %swap3A_595 = arith.constant 112 : index
    %swap3A_596 = tpu.vector_load %arg15[%swap3A_595] {strides = array<i32>} : memref<512xf32, #tpu.memory_space<vmem>>, vector<16xf32>,
    %swap3A_597 = vector.shape_cast %swap3A_596 : vector<16xf32> to vector<16xf32>
    %swap3A_598 = vector.shape_cast %add3A_594 : vector<16xf32> to vector<16xf32>
    tpu.vector_store %arg15[%swap3A_595], %swap3A_598 {strides = array<i32>} : memref<512xf32, #tpu.memory_space<vmem>>, vector<16xf32>,
    %add3A_599 = arith.constant 0 : i32
    %add3A_600 = arith.addi %mul3A_2, %add3A_599 : i32
    %dma_start3A_601 = arith.constant 0 : i32
    %dma_start3A_602 = tpu.memref_slice %arg15[%dma_start3A_601] : memref<512xf32, #tpu.memory_space<vmem>> -> memref<128xf32, #tpu.memory_space<vmem>>
    %dma_start3A_603 = tpu.memref_slice %arg8[%add3A_600] : memref<16384xf32, #tpu.memory_space<hbm>> -> memref<128xf32, #tpu.memory_space<hbm>>
    %dma_start3A_604 = tpu.memref_slice %arg8[%add3A_600] : memref<16384xf32, #tpu.memory_space<hbm>> -> memref<128xf32, #tpu.memory_space<hbm>>
    %dma_start3A_605 = arith.constant 0 : i32
    %dma_start3A_606 = tpu.memref_slice %arg15[%dma_start3A_605] : memref<512xf32, #tpu.memory_space<vmem>> -> memref<128xf32, #tpu.memory_space<vmem>>
    tpu.enqueue_dma source(%dma_start3A_606 : memref<128xf32, #tpu.memory_space<vmem>>) target(%dma_start3A_604 : memref<128xf32, #tpu.memory_space<hbm>>) target_semaphore(%arg17 : memref<!tpu.dma_semaphore, #tpu.memory_space<semaphore_mem>>)
    %dma_wait3A_607 = arith.constant 0 : i32
    %dma_wait3A_608 = arith.constant 128 : i32
    %dma_wait3A_609 = tpu.memref_slice %arg11[%dma_wait3A_607, %dma_wait3A_608] : memref<1x512xf32, #tpu.memory_space<vmem>> -> memref<1x128xf32, #tpu.memory_space<vmem>>
    %dma_wait3A_610 = arith.constant 0 : i32
    %dma_wait3A_611 = arith.constant 128 : i32
    %dma_wait3A_612 = tpu.memref_slice %arg9[%dma_wait3A_610, %dma_wait3A_611] : memref<1x512xi32, #tpu.memory_space<vmem>> -> memref<1x128xi32, #tpu.memory_space<vmem>>
    %dma_wait3A_613 = arith.constant 0 : i32
    %dma_wait3A_614 = arith.constant 0 : i32
    %dma_wait3A_615 = tpu.memref_slice %arg2[%dma_wait3A_613, %dma_wait3A_614] : memref<1x1000448xf32, #tpu.memory_space<hbm>> -> memref<1x1000448xf32, #tpu.memory_space<hbm>>
    tpu.wait_indirect_dma semaphore(%arg19 : memref<!tpu.dma_semaphore, #tpu.memory_space<semaphore_mem>>) src(%dma_wait3A_615 : memref<1x1000448xf32, #tpu.memory_space<hbm>>) dst(%dma_wait3A_609 : memref<1x128xf32, #tpu.memory_space<vmem>>)
    %dma_wait3A_616 = arith.constant 0 : i32
    %dma_wait3A_617 = arith.constant 128 : i32
    %dma_wait3A_618 = tpu.memref_slice %arg12[%dma_wait3A_616, %dma_wait3A_617] : memref<1x512xf32, #tpu.memory_space<vmem>> -> memref<1x128xf32, #tpu.memory_space<vmem>>
    %dma_wait3A_619 = arith.constant 0 : i32
    %dma_wait3A_620 = arith.constant 128 : i32
    %dma_wait3A_621 = tpu.memref_slice %arg10[%dma_wait3A_619, %dma_wait3A_620] : memref<1x512xi32, #tpu.memory_space<vmem>> -> memref<1x128xi32, #tpu.memory_space<vmem>>
    %dma_wait3A_622 = arith.constant 0 : i32
    %dma_wait3A_623 = arith.constant 0 : i32
    %dma_wait3A_624 = tpu.memref_slice %arg3[%dma_wait3A_622, %dma_wait3A_623] : memref<1x100352xf32, #tpu.memory_space<hbm>> -> memref<1x100352xf32, #tpu.memory_space<hbm>>
    tpu.wait_indirect_dma semaphore(%arg19 : memref<!tpu.dma_semaphore, #tpu.memory_space<semaphore_mem>>) src(%dma_wait3A_624 : memref<1x100352xf32, #tpu.memory_space<hbm>>) dst(%dma_wait3A_618 : memref<1x128xf32, #tpu.memory_space<vmem>>)
    %dma_wait3A_625 = arith.constant 0 : i32
    %dma_wait3A_626 = arith.constant 128 : i32
    %dma_wait3A_627 = tpu.memref_slice %arg13[%dma_wait3A_625, %dma_wait3A_626] : memref<1x512xf32, #tpu.memory_space<vmem>> -> memref<1x128xf32, #tpu.memory_space<vmem>>
    %dma_wait3A_628 = arith.constant 0 : i32
    %dma_wait3A_629 = arith.constant 128 : i32
    %dma_wait3A_630 = tpu.memref_slice %arg10[%dma_wait3A_628, %dma_wait3A_629] : memref<1x512xi32, #tpu.memory_space<vmem>> -> memref<1x128xi32, #tpu.memory_space<vmem>>
    %dma_wait3A_631 = arith.constant 0 : i32
    %dma_wait3A_632 = arith.constant 0 : i32
    %dma_wait3A_633 = tpu.memref_slice %arg4[%dma_wait3A_631, %dma_wait3A_632] : memref<1x100352xf32, #tpu.memory_space<hbm>> -> memref<1x100352xf32, #tpu.memory_space<hbm>>
    tpu.wait_indirect_dma semaphore(%arg19 : memref<!tpu.dma_semaphore, #tpu.memory_space<semaphore_mem>>) src(%dma_wait3A_633 : memref<1x100352xf32, #tpu.memory_space<hbm>>) dst(%dma_wait3A_627 : memref<1x128xf32, #tpu.memory_space<vmem>>)
    %dma_wait3A_634 = arith.constant 0 : i32
    %dma_wait3A_635 = arith.constant 128 : i32
    %dma_wait3A_636 = tpu.memref_slice %arg14[%dma_wait3A_634, %dma_wait3A_635] : memref<1x512xf32, #tpu.memory_space<vmem>> -> memref<1x128xf32, #tpu.memory_space<vmem>>
    %dma_wait3A_637 = arith.constant 0 : i32
    %dma_wait3A_638 = arith.constant 128 : i32
    %dma_wait3A_639 = tpu.memref_slice %arg10[%dma_wait3A_637, %dma_wait3A_638] : memref<1x512xi32, #tpu.memory_space<vmem>> -> memref<1x128xi32, #tpu.memory_space<vmem>>
    %dma_wait3A_640 = arith.constant 0 : i32
    %dma_wait3A_641 = arith.constant 0 : i32
    %dma_wait3A_642 = tpu.memref_slice %arg5[%dma_wait3A_640, %dma_wait3A_641] : memref<1x100352xf32, #tpu.memory_space<hbm>> -> memref<1x100352xf32, #tpu.memory_space<hbm>>
    tpu.wait_indirect_dma semaphore(%arg19 : memref<!tpu.dma_semaphore, #tpu.memory_space<semaphore_mem>>) src(%dma_wait3A_642 : memref<1x100352xf32, #tpu.memory_space<hbm>>) dst(%dma_wait3A_636 : memref<1x128xf32, #tpu.memory_space<vmem>>)
    %get3A_643 = arith.constant 0 : i32
    %get3A_644 = arith.index_cast %get3A_643 : i32 to index
    %get3A_645 = arith.constant 128 : index
    %get3A_646 = tpu.vector_load %arg11[%get3A_644, %get3A_645] {strides = array<i32>} : memref<1x512xf32, #tpu.memory_space<vmem>>, vector<1x16xf32>,
    %get3A_647 = vector.shape_cast %get3A_646 : vector<1x16xf32> to vector<16xf32>
    %get3A_648 = arith.constant 0 : i32
    %get3A_649 = arith.index_cast %get3A_648 : i32 to index
    %get3A_650 = arith.constant 128 : index
    %get3A_651 = tpu.vector_load %arg12[%get3A_649, %get3A_650] {strides = array<i32>} : memref<1x512xf32, #tpu.memory_space<vmem>>, vector<1x16xf32>,
    %get3A_652 = vector.shape_cast %get3A_651 : vector<1x16xf32> to vector<16xf32>
    %get3A_653 = arith.constant 0 : i32
    %get3A_654 = arith.index_cast %get3A_653 : i32 to index
    %get3A_655 = arith.constant 128 : index
    %get3A_656 = tpu.vector_load %arg13[%get3A_654, %get3A_655] {strides = array<i32>} : memref<1x512xf32, #tpu.memory_space<vmem>>, vector<1x16xf32>,
    %get3A_657 = vector.shape_cast %get3A_656 : vector<1x16xf32> to vector<16xf32>
    %get3A_658 = arith.constant 0 : i32
    %get3A_659 = arith.index_cast %get3A_658 : i32 to index
    %get3A_660 = arith.constant 128 : index
    %get3A_661 = tpu.vector_load %arg14[%get3A_659, %get3A_660] {strides = array<i32>} : memref<1x512xf32, #tpu.memory_space<vmem>>, vector<1x16xf32>,
    %get3A_662 = vector.shape_cast %get3A_661 : vector<1x16xf32> to vector<16xf32>
    %neg3A_663 = arith.constant 0.000000e+00 : f32
    %neg3A_664 = vector.broadcast %neg3A_663 : f32 to vector<16xf32>
    %neg3A_665 = arith.subf %neg3A_664, %get3A_662 : vector<16xf32>
    %exp3A_666 = math.exp %neg3A_665 : vector<16xf32>
    %add3A_667 = arith.constant 1.000000e+00 : f32
    %add3A_668 = vector.broadcast %add3A_667 : f32 to vector<16xf32>
    %add3A_669 = arith.addf %add3A_668, %exp3A_666 : vector<16xf32>
    %div3A_670 = arith.constant 1.000000e+00 : f32
    %div3A_671 = vector.broadcast %div3A_670 : f32 to vector<16xf32>
    %div3A_672 = arith.divf %div3A_671, %add3A_669 : vector<16xf32>
    %mul3A_673 = arith.constant -1.702000e+00 : f32
    %mul3A_674 = vector.broadcast %mul3A_673 : f32 to vector<16xf32>
    %mul3A_675 = arith.mulf %mul3A_674, %get3A_652 : vector<16xf32>
    %sub3A_676 = arith.subf %get3A_647, %get3A_657 : vector<16xf32>
    %mul3A_677 = arith.mulf %mul3A_675, %sub3A_676 : vector<16xf32>
    %exp3A_678 = math.exp %mul3A_677 : vector<16xf32>
    %add3A_679 = arith.constant 1.000000e+00 : f32
    %add3A_680 = vector.broadcast %add3A_679 : f32 to vector<16xf32>
    %add3A_681 = arith.addf %add3A_680, %exp3A_678 : vector<16xf32>
    %div3A_682 = arith.constant 1.000000e+00 : f32
    %div3A_683 = vector.broadcast %div3A_682 : f32 to vector<16xf32>
    %div3A_684 = arith.divf %div3A_683, %add3A_681 : vector<16xf32>
    %sub3A_685 = arith.constant 1.000000e+00 : f32
    %sub3A_686 = vector.broadcast %sub3A_685 : f32 to vector<16xf32>
    %sub3A_687 = arith.subf %sub3A_686, %div3A_672 : vector<16xf32>
    %mul3A_688 = arith.mulf %sub3A_687, %div3A_684 : vector<16xf32>
    %add3A_689 = arith.addf %div3A_672, %mul3A_688 : vector<16xf32>
    %swap3A_690 = arith.constant 128 : index
    %swap3A_691 = tpu.vector_load %arg15[%swap3A_690] {strides = array<i32>} : memref<512xf32, #tpu.memory_space<vmem>>, vector<16xf32>,
    %swap3A_692 = vector.shape_cast %swap3A_691 : vector<16xf32> to vector<16xf32>
    %swap3A_693 = vector.shape_cast %add3A_689 : vector<16xf32> to vector<16xf32>
    tpu.vector_store %arg15[%swap3A_690], %swap3A_693 {strides = array<i32>} : memref<512xf32, #tpu.memory_space<vmem>>, vector<16xf32>,
    %get3A_694 = arith.constant 0 : i32
    %get3A_695 = arith.index_cast %get3A_694 : i32 to index
    %get3A_696 = arith.constant 144 : index
    %get3A_697 = tpu.vector_load %arg11[%get3A_695, %get3A_696] {strides = array<i32>} : memref<1x512xf32, #tpu.memory_space<vmem>>, vector<1x16xf32>,
    %get3A_698 = vector.shape_cast %get3A_697 : vector<1x16xf32> to vector<16xf32>
    %get3A_699 = arith.constant 0 : i32
    %get3A_700 = arith.index_cast %get3A_699 : i32 to index
    %get3A_701 = arith.constant 144 : index
    %get3A_702 = tpu.vector_load %arg12[%get3A_700, %get3A_701] {strides = array<i32>} : memref<1x512xf32, #tpu.memory_space<vmem>>, vector<1x16xf32>,
    %get3A_703 = vector.shape_cast %get3A_702 : vector<1x16xf32> to vector<16xf32>
    %get3A_704 = arith.constant 0 : i32
    %get3A_705 = arith.index_cast %get3A_704 : i32 to index
    %get3A_706 = arith.constant 144 : index
    %get3A_707 = tpu.vector_load %arg13[%get3A_705, %get3A_706] {strides = array<i32>} : memref<1x512xf32, #tpu.memory_space<vmem>>, vector<1x16xf32>,
    %get3A_708 = vector.shape_cast %get3A_707 : vector<1x16xf32> to vector<16xf32>
    %get3A_709 = arith.constant 0 : i32
    %get3A_710 = arith.index_cast %get3A_709 : i32 to index
    %get3A_711 = arith.constant 144 : index
    %get3A_712 = tpu.vector_load %arg14[%get3A_710, %get3A_711] {strides = array<i32>} : memref<1x512xf32, #tpu.memory_space<vmem>>, vector<1x16xf32>,
    %get3A_713 = vector.shape_cast %get3A_712 : vector<1x16xf32> to vector<16xf32>
    %neg3A_714 = arith.constant 0.000000e+00 : f32
    %neg3A_715 = vector.broadcast %neg3A_714 : f32 to vector<16xf32>
    %neg3A_716 = arith.subf %neg3A_715, %get3A_713 : vector<16xf32>
    %exp3A_717 = math.exp %neg3A_716 : vector<16xf32>
    %add3A_718 = arith.constant 1.000000e+00 : f32
    %add3A_719 = vector.broadcast %add3A_718 : f32 to vector<16xf32>
    %add3A_720 = arith.addf %add3A_719, %exp3A_717 : vector<16xf32>
    %div3A_721 = arith.constant 1.000000e+00 : f32
    %div3A_722 = vector.broadcast %div3A_721 : f32 to vector<16xf32>
    %div3A_723 = arith.divf %div3A_722, %add3A_720 : vector<16xf32>
    %mul3A_724 = arith.constant -1.702000e+00 : f32
    %mul3A_725 = vector.broadcast %mul3A_724 : f32 to vector<16xf32>
    %mul3A_726 = arith.mulf %mul3A_725, %get3A_703 : vector<16xf32>
    %sub3A_727 = arith.subf %get3A_698, %get3A_708 : vector<16xf32>
    %mul3A_728 = arith.mulf %mul3A_726, %sub3A_727 : vector<16xf32>
    %exp3A_729 = math.exp %mul3A_728 : vector<16xf32>
    %add3A_730 = arith.constant 1.000000e+00 : f32
    %add3A_731 = vector.broadcast %add3A_730 : f32 to vector<16xf32>
    %add3A_732 = arith.addf %add3A_731, %exp3A_729 : vector<16xf32>
    %div3A_733 = arith.constant 1.000000e+00 : f32
    %div3A_734 = vector.broadcast %div3A_733 : f32 to vector<16xf32>
    %div3A_735 = arith.divf %div3A_734, %add3A_732 : vector<16xf32>
    %sub3A_736 = arith.constant 1.000000e+00 : f32
    %sub3A_737 = vector.broadcast %sub3A_736 : f32 to vector<16xf32>
    %sub3A_738 = arith.subf %sub3A_737, %div3A_723 : vector<16xf32>
    %mul3A_739 = arith.mulf %sub3A_738, %div3A_735 : vector<16xf32>
    %add3A_740 = arith.addf %div3A_723, %mul3A_739 : vector<16xf32>
    %swap3A_741 = arith.constant 144 : index
    %swap3A_742 = tpu.vector_load %arg15[%swap3A_741] {strides = array<i32>} : memref<512xf32, #tpu.memory_space<vmem>>, vector<16xf32>,
    %swap3A_743 = vector.shape_cast %swap3A_742 : vector<16xf32> to vector<16xf32>
    %swap3A_744 = vector.shape_cast %add3A_740 : vector<16xf32> to vector<16xf32>
    tpu.vector_store %arg15[%swap3A_741], %swap3A_744 {strides = array<i32>} : memref<512xf32, #tpu.memory_space<vmem>>, vector<16xf32>,
    %get3A_745 = arith.constant 0 : i32
    %get3A_746 = arith.index_cast %get3A_745 : i32 to index
    %get3A_747 = arith.constant 160 : index
    %get3A_748 = tpu.vector_load %arg11[%get3A_746, %get3A_747] {strides = array<i32>} : memref<1x512xf32, #tpu.memory_space<vmem>>, vector<1x16xf32>,
    %get3A_749 = vector.shape_cast %get3A_748 : vector<1x16xf32> to vector<16xf32>
    %get3A_750 = arith.constant 0 : i32
    %get3A_751 = arith.index_cast %get3A_750 : i32 to index
    %get3A_752 = arith.constant 160 : index
    %get3A_753 = tpu.vector_load %arg12[%get3A_751, %get3A_752] {strides = array<i32>} : memref<1x512xf32, #tpu.memory_space<vmem>>, vector<1x16xf32>,
    %get3A_754 = vector.shape_cast %get3A_753 : vector<1x16xf32> to vector<16xf32>
    %get3A_755 = arith.constant 0 : i32
    %get3A_756 = arith.index_cast %get3A_755 : i32 to index
    %get3A_757 = arith.constant 160 : index
    %get3A_758 = tpu.vector_load %arg13[%get3A_756, %get3A_757] {strides = array<i32>} : memref<1x512xf32, #tpu.memory_space<vmem>>, vector<1x16xf32>,
    %get3A_759 = vector.shape_cast %get3A_758 : vector<1x16xf32> to vector<16xf32>
    %get3A_760 = arith.constant 0 : i32
    %get3A_761 = arith.index_cast %get3A_760 : i32 to index
    %get3A_762 = arith.constant 160 : index
    %get3A_763 = tpu.vector_load %arg14[%get3A_761, %get3A_762] {strides = array<i32>} : memref<1x512xf32, #tpu.memory_space<vmem>>, vector<1x16xf32>,
    %get3A_764 = vector.shape_cast %get3A_763 : vector<1x16xf32> to vector<16xf32>
    %neg3A_765 = arith.constant 0.000000e+00 : f32
    %neg3A_766 = vector.broadcast %neg3A_765 : f32 to vector<16xf32>
    %neg3A_767 = arith.subf %neg3A_766, %get3A_764 : vector<16xf32>
    %exp3A_768 = math.exp %neg3A_767 : vector<16xf32>
    %add3A_769 = arith.constant 1.000000e+00 : f32
    %add3A_770 = vector.broadcast %add3A_769 : f32 to vector<16xf32>
    %add3A_771 = arith.addf %add3A_770, %exp3A_768 : vector<16xf32>
    %div3A_772 = arith.constant 1.000000e+00 : f32
    %div3A_773 = vector.broadcast %div3A_772 : f32 to vector<16xf32>
    %div3A_774 = arith.divf %div3A_773, %add3A_771 : vector<16xf32>
    %mul3A_775 = arith.constant -1.702000e+00 : f32
    %mul3A_776 = vector.broadcast %mul3A_775 : f32 to vector<16xf32>
    %mul3A_777 = arith.mulf %mul3A_776, %get3A_754 : vector<16xf32>
    %sub3A_778 = arith.subf %get3A_749, %get3A_759 : vector<16xf32>
    %mul3A_779 = arith.mulf %mul3A_777, %sub3A_778 : vector<16xf32>
    %exp3A_780 = math.exp %mul3A_779 : vector<16xf32>
    %add3A_781 = arith.constant 1.000000e+00 : f32
    %add3A_782 = vector.broadcast %add3A_781 : f32 to vector<16xf32>
    %add3A_783 = arith.addf %add3A_782, %exp3A_780 : vector<16xf32>
    %div3A_784 = arith.constant 1.000000e+00 : f32
    %div3A_785 = vector.broadcast %div3A_784 : f32 to vector<16xf32>
    %div3A_786 = arith.divf %div3A_785, %add3A_783 : vector<16xf32>
    %sub3A_787 = arith.constant 1.000000e+00 : f32
    %sub3A_788 = vector.broadcast %sub3A_787 : f32 to vector<16xf32>
    %sub3A_789 = arith.subf %sub3A_788, %div3A_774 : vector<16xf32>
    %mul3A_790 = arith.mulf %sub3A_789, %div3A_786 : vector<16xf32>
    %add3A_791 = arith.addf %div3A_774, %mul3A_790 : vector<16xf32>
    %swap3A_792 = arith.constant 160 : index
    %swap3A_793 = tpu.vector_load %arg15[%swap3A_792] {strides = array<i32>} : memref<512xf32, #tpu.memory_space<vmem>>, vector<16xf32>,
    %swap3A_794 = vector.shape_cast %swap3A_793 : vector<16xf32> to vector<16xf32>
    %swap3A_795 = vector.shape_cast %add3A_791 : vector<16xf32> to vector<16xf32>
    tpu.vector_store %arg15[%swap3A_792], %swap3A_795 {strides = array<i32>} : memref<512xf32, #tpu.memory_space<vmem>>, vector<16xf32>,
    %get3A_796 = arith.constant 0 : i32
    %get3A_797 = arith.index_cast %get3A_796 : i32 to index
    %get3A_798 = arith.constant 176 : index
    %get3A_799 = tpu.vector_load %arg11[%get3A_797, %get3A_798] {strides = array<i32>} : memref<1x512xf32, #tpu.memory_space<vmem>>, vector<1x16xf32>,
    %get3A_800 = vector.shape_cast %get3A_799 : vector<1x16xf32> to vector<16xf32>
    %get3A_801 = arith.constant 0 : i32
    %get3A_802 = arith.index_cast %get3A_801 : i32 to index
    %get3A_803 = arith.constant 176 : index
    %get3A_804 = tpu.vector_load %arg12[%get3A_802, %get3A_803] {strides = array<i32>} : memref<1x512xf32, #tpu.memory_space<vmem>>, vector<1x16xf32>,
    %get3A_805 = vector.shape_cast %get3A_804 : vector<1x16xf32> to vector<16xf32>
    %get3A_806 = arith.constant 0 : i32
    %get3A_807 = arith.index_cast %get3A_806 : i32 to index
    %get3A_808 = arith.constant 176 : index
    %get3A_809 = tpu.vector_load %arg13[%get3A_807, %get3A_808] {strides = array<i32>} : memref<1x512xf32, #tpu.memory_space<vmem>>, vector<1x16xf32>,
    %get3A_810 = vector.shape_cast %get3A_809 : vector<1x16xf32> to vector<16xf32>
    %get3A_811 = arith.constant 0 : i32
    %get3A_812 = arith.index_cast %get3A_811 : i32 to index
    %get3A_813 = arith.constant 176 : index
    %get3A_814 = tpu.vector_load %arg14[%get3A_812, %get3A_813] {strides = array<i32>} : memref<1x512xf32, #tpu.memory_space<vmem>>, vector<1x16xf32>,
    %get3A_815 = vector.shape_cast %get3A_814 : vector<1x16xf32> to vector<16xf32>
    %neg3A_816 = arith.constant 0.000000e+00 : f32
    %neg3A_817 = vector.broadcast %neg3A_816 : f32 to vector<16xf32>
    %neg3A_818 = arith.subf %neg3A_817, %get3A_815 : vector<16xf32>
    %exp3A_819 = math.exp %neg3A_818 : vector<16xf32>
    %add3A_820 = arith.constant 1.000000e+00 : f32
    %add3A_821 = vector.broadcast %add3A_820 : f32 to vector<16xf32>
    %add3A_822 = arith.addf %add3A_821, %exp3A_819 : vector<16xf32>
    %div3A_823 = arith.constant 1.000000e+00 : f32
    %div3A_824 = vector.broadcast %div3A_823 : f32 to vector<16xf32>
    %div3A_825 = arith.divf %div3A_824, %add3A_822 : vector<16xf32>
    %mul3A_826 = arith.constant -1.702000e+00 : f32
    %mul3A_827 = vector.broadcast %mul3A_826 : f32 to vector<16xf32>
    %mul3A_828 = arith.mulf %mul3A_827, %get3A_805 : vector<16xf32>
    %sub3A_829 = arith.subf %get3A_800, %get3A_810 : vector<16xf32>
    %mul3A_830 = arith.mulf %mul3A_828, %sub3A_829 : vector<16xf32>
    %exp3A_831 = math.exp %mul3A_830 : vector<16xf32>
    %add3A_832 = arith.constant 1.000000e+00 : f32
    %add3A_833 = vector.broadcast %add3A_832 : f32 to vector<16xf32>
    %add3A_834 = arith.addf %add3A_833, %exp3A_831 : vector<16xf32>
    %div3A_835 = arith.constant 1.000000e+00 : f32
    %div3A_836 = vector.broadcast %div3A_835 : f32 to vector<16xf32>
    %div3A_837 = arith.divf %div3A_836, %add3A_834 : vector<16xf32>
    %sub3A_838 = arith.constant 1.000000e+00 : f32
    %sub3A_839 = vector.broadcast %sub3A_838 : f32 to vector<16xf32>
    %sub3A_840 = arith.subf %sub3A_839, %div3A_825 : vector<16xf32>
    %mul3A_841 = arith.mulf %sub3A_840, %div3A_837 : vector<16xf32>
    %add3A_842 = arith.addf %div3A_825, %mul3A_841 : vector<16xf32>
    %swap3A_843 = arith.constant 176 : index
    %swap3A_844 = tpu.vector_load %arg15[%swap3A_843] {strides = array<i32>} : memref<512xf32, #tpu.memory_space<vmem>>, vector<16xf32>,
    %swap3A_845 = vector.shape_cast %swap3A_844 : vector<16xf32> to vector<16xf32>
    %swap3A_846 = vector.shape_cast %add3A_842 : vector<16xf32> to vector<16xf32>
    tpu.vector_store %arg15[%swap3A_843], %swap3A_846 {strides = array<i32>} : memref<512xf32, #tpu.memory_space<vmem>>, vector<16xf32>,
    %get3A_847 = arith.constant 0 : i32
    %get3A_848 = arith.index_cast %get3A_847 : i32 to index
    %get3A_849 = arith.constant 192 : index
    %get3A_850 = tpu.vector_load %arg11[%get3A_848, %get3A_849] {strides = array<i32>} : memref<1x512xf32, #tpu.memory_space<vmem>>, vector<1x16xf32>,
    %get3A_851 = vector.shape_cast %get3A_850 : vector<1x16xf32> to vector<16xf32>
    %get3A_852 = arith.constant 0 : i32
    %get3A_853 = arith.index_cast %get3A_852 : i32 to index
    %get3A_854 = arith.constant 192 : index
    %get3A_855 = tpu.vector_load %arg12[%get3A_853, %get3A_854] {strides = array<i32>} : memref<1x512xf32, #tpu.memory_space<vmem>>, vector<1x16xf32>,
    %get3A_856 = vector.shape_cast %get3A_855 : vector<1x16xf32> to vector<16xf32>
    %get3A_857 = arith.constant 0 : i32
    %get3A_858 = arith.index_cast %get3A_857 : i32 to index
    %get3A_859 = arith.constant 192 : index
    %get3A_860 = tpu.vector_load %arg13[%get3A_858, %get3A_859] {strides = array<i32>} : memref<1x512xf32, #tpu.memory_space<vmem>>, vector<1x16xf32>,
    %get3A_861 = vector.shape_cast %get3A_860 : vector<1x16xf32> to vector<16xf32>
    %get3A_862 = arith.constant 0 : i32
    %get3A_863 = arith.index_cast %get3A_862 : i32 to index
    %get3A_864 = arith.constant 192 : index
    %get3A_865 = tpu.vector_load %arg14[%get3A_863, %get3A_864] {strides = array<i32>} : memref<1x512xf32, #tpu.memory_space<vmem>>, vector<1x16xf32>,
    %get3A_866 = vector.shape_cast %get3A_865 : vector<1x16xf32> to vector<16xf32>
    %neg3A_867 = arith.constant 0.000000e+00 : f32
    %neg3A_868 = vector.broadcast %neg3A_867 : f32 to vector<16xf32>
    %neg3A_869 = arith.subf %neg3A_868, %get3A_866 : vector<16xf32>
    %exp3A_870 = math.exp %neg3A_869 : vector<16xf32>
    %add3A_871 = arith.constant 1.000000e+00 : f32
    %add3A_872 = vector.broadcast %add3A_871 : f32 to vector<16xf32>
    %add3A_873 = arith.addf %add3A_872, %exp3A_870 : vector<16xf32>
    %div3A_874 = arith.constant 1.000000e+00 : f32
    %div3A_875 = vector.broadcast %div3A_874 : f32 to vector<16xf32>
    %div3A_876 = arith.divf %div3A_875, %add3A_873 : vector<16xf32>
    %mul3A_877 = arith.constant -1.702000e+00 : f32
    %mul3A_878 = vector.broadcast %mul3A_877 : f32 to vector<16xf32>
    %mul3A_879 = arith.mulf %mul3A_878, %get3A_856 : vector<16xf32>
    %sub3A_880 = arith.subf %get3A_851, %get3A_861 : vector<16xf32>
    %mul3A_881 = arith.mulf %mul3A_879, %sub3A_880 : vector<16xf32>
    %exp3A_882 = math.exp %mul3A_881 : vector<16xf32>
    %add3A_883 = arith.constant 1.000000e+00 : f32
    %add3A_884 = vector.broadcast %add3A_883 : f32 to vector<16xf32>
    %add3A_885 = arith.addf %add3A_884, %exp3A_882 : vector<16xf32>
    %div3A_886 = arith.constant 1.000000e+00 : f32
    %div3A_887 = vector.broadcast %div3A_886 : f32 to vector<16xf32>
    %div3A_888 = arith.divf %div3A_887, %add3A_885 : vector<16xf32>
    %sub3A_889 = arith.constant 1.000000e+00 : f32
    %sub3A_890 = vector.broadcast %sub3A_889 : f32 to vector<16xf32>
    %sub3A_891 = arith.subf %sub3A_890, %div3A_876 : vector<16xf32>
    %mul3A_892 = arith.mulf %sub3A_891, %div3A_888 : vector<16xf32>
    %add3A_893 = arith.addf %div3A_876, %mul3A_892 : vector<16xf32>
    %swap3A_894 = arith.constant 192 : index
    %swap3A_895 = tpu.vector_load %arg15[%swap3A_894] {strides = array<i32>} : memref<512xf32, #tpu.memory_space<vmem>>, vector<16xf32>,
    %swap3A_896 = vector.shape_cast %swap3A_895 : vector<16xf32> to vector<16xf32>
    %swap3A_897 = vector.shape_cast %add3A_893 : vector<16xf32> to vector<16xf32>
    tpu.vector_store %arg15[%swap3A_894], %swap3A_897 {strides = array<i32>} : memref<512xf32, #tpu.memory_space<vmem>>, vector<16xf32>,
    %get3A_898 = arith.constant 0 : i32
    %get3A_899 = arith.index_cast %get3A_898 : i32 to index
    %get3A_900 = arith.constant 208 : index
    %get3A_901 = tpu.vector_load %arg11[%get3A_899, %get3A_900] {strides = array<i32>} : memref<1x512xf32, #tpu.memory_space<vmem>>, vector<1x16xf32>,
    %get3A_902 = vector.shape_cast %get3A_901 : vector<1x16xf32> to vector<16xf32>
    %get3A_903 = arith.constant 0 : i32
    %get3A_904 = arith.index_cast %get3A_903 : i32 to index
    %get3A_905 = arith.constant 208 : index
    %get3A_906 = tpu.vector_load %arg12[%get3A_904, %get3A_905] {strides = array<i32>} : memref<1x512xf32, #tpu.memory_space<vmem>>, vector<1x16xf32>,
    %get3A_907 = vector.shape_cast %get3A_906 : vector<1x16xf32> to vector<16xf32>
    %get3A_908 = arith.constant 0 : i32
    %get3A_909 = arith.index_cast %get3A_908 : i32 to index
    %get3A_910 = arith.constant 208 : index
    %get3A_911 = tpu.vector_load %arg13[%get3A_909, %get3A_910] {strides = array<i32>} : memref<1x512xf32, #tpu.memory_space<vmem>>, vector<1x16xf32>,
    %get3A_912 = vector.shape_cast %get3A_911 : vector<1x16xf32> to vector<16xf32>
    %get3A_913 = arith.constant 0 : i32
    %get3A_914 = arith.index_cast %get3A_913 : i32 to index
    %get3A_915 = arith.constant 208 : index
    %get3A_916 = tpu.vector_load %arg14[%get3A_914, %get3A_915] {strides = array<i32>} : memref<1x512xf32, #tpu.memory_space<vmem>>, vector<1x16xf32>,
    %get3A_917 = vector.shape_cast %get3A_916 : vector<1x16xf32> to vector<16xf32>
    %neg3A_918 = arith.constant 0.000000e+00 : f32
    %neg3A_919 = vector.broadcast %neg3A_918 : f32 to vector<16xf32>
    %neg3A_920 = arith.subf %neg3A_919, %get3A_917 : vector<16xf32>
    %exp3A_921 = math.exp %neg3A_920 : vector<16xf32>
    %add3A_922 = arith.constant 1.000000e+00 : f32
    %add3A_923 = vector.broadcast %add3A_922 : f32 to vector<16xf32>
    %add3A_924 = arith.addf %add3A_923, %exp3A_921 : vector<16xf32>
    %div3A_925 = arith.constant 1.000000e+00 : f32
    %div3A_926 = vector.broadcast %div3A_925 : f32 to vector<16xf32>
    %div3A_927 = arith.divf %div3A_926, %add3A_924 : vector<16xf32>
    %mul3A_928 = arith.constant -1.702000e+00 : f32
    %mul3A_929 = vector.broadcast %mul3A_928 : f32 to vector<16xf32>
    %mul3A_930 = arith.mulf %mul3A_929, %get3A_907 : vector<16xf32>
    %sub3A_931 = arith.subf %get3A_902, %get3A_912 : vector<16xf32>
    %mul3A_932 = arith.mulf %mul3A_930, %sub3A_931 : vector<16xf32>
    %exp3A_933 = math.exp %mul3A_932 : vector<16xf32>
    %add3A_934 = arith.constant 1.000000e+00 : f32
    %add3A_935 = vector.broadcast %add3A_934 : f32 to vector<16xf32>
    %add3A_936 = arith.addf %add3A_935, %exp3A_933 : vector<16xf32>
    %div3A_937 = arith.constant 1.000000e+00 : f32
    %div3A_938 = vector.broadcast %div3A_937 : f32 to vector<16xf32>
    %div3A_939 = arith.divf %div3A_938, %add3A_936 : vector<16xf32>
    %sub3A_940 = arith.constant 1.000000e+00 : f32
    %sub3A_941 = vector.broadcast %sub3A_940 : f32 to vector<16xf32>
    %sub3A_942 = arith.subf %sub3A_941, %div3A_927 : vector<16xf32>
    %mul3A_943 = arith.mulf %sub3A_942, %div3A_939 : vector<16xf32>
    %add3A_944 = arith.addf %div3A_927, %mul3A_943 : vector<16xf32>
    %swap3A_945 = arith.constant 208 : index
    %swap3A_946 = tpu.vector_load %arg15[%swap3A_945] {strides = array<i32>} : memref<512xf32, #tpu.memory_space<vmem>>, vector<16xf32>,
    %swap3A_947 = vector.shape_cast %swap3A_946 : vector<16xf32> to vector<16xf32>
    %swap3A_948 = vector.shape_cast %add3A_944 : vector<16xf32> to vector<16xf32>
    tpu.vector_store %arg15[%swap3A_945], %swap3A_948 {strides = array<i32>} : memref<512xf32, #tpu.memory_space<vmem>>, vector<16xf32>,
    %get3A_949 = arith.constant 0 : i32
    %get3A_950 = arith.index_cast %get3A_949 : i32 to index
    %get3A_951 = arith.constant 224 : index
    %get3A_952 = tpu.vector_load %arg11[%get3A_950, %get3A_951] {strides = array<i32>} : memref<1x512xf32, #tpu.memory_space<vmem>>, vector<1x16xf32>,
    %get3A_953 = vector.shape_cast %get3A_952 : vector<1x16xf32> to vector<16xf32>
    %get3A_954 = arith.constant 0 : i32
    %get3A_955 = arith.index_cast %get3A_954 : i32 to index
    %get3A_956 = arith.constant 224 : index
    %get3A_957 = tpu.vector_load %arg12[%get3A_955, %get3A_956] {strides = array<i32>} : memref<1x512xf32, #tpu.memory_space<vmem>>, vector<1x16xf32>,
    %get3A_958 = vector.shape_cast %get3A_957 : vector<1x16xf32> to vector<16xf32>
    %get3A_959 = arith.constant 0 : i32
    %get3A_960 = arith.index_cast %get3A_959 : i32 to index
    %get3A_961 = arith.constant 224 : index
    %get3A_962 = tpu.vector_load %arg13[%get3A_960, %get3A_961] {strides = array<i32>} : memref<1x512xf32, #tpu.memory_space<vmem>>, vector<1x16xf32>,
    %get3A_963 = vector.shape_cast %get3A_962 : vector<1x16xf32> to vector<16xf32>
    %get3A_964 = arith.constant 0 : i32
    %get3A_965 = arith.index_cast %get3A_964 : i32 to index
    %get3A_966 = arith.constant 224 : index
    %get3A_967 = tpu.vector_load %arg14[%get3A_965, %get3A_966] {strides = array<i32>} : memref<1x512xf32, #tpu.memory_space<vmem>>, vector<1x16xf32>,
    %get3A_968 = vector.shape_cast %get3A_967 : vector<1x16xf32> to vector<16xf32>
    %neg3A_969 = arith.constant 0.000000e+00 : f32
    %neg3A_970 = vector.broadcast %neg3A_969 : f32 to vector<16xf32>
    %neg3A_971 = arith.subf %neg3A_970, %get3A_968 : vector<16xf32>
    %exp3A_972 = math.exp %neg3A_971 : vector<16xf32>
    %add3A_973 = arith.constant 1.000000e+00 : f32
    %add3A_974 = vector.broadcast %add3A_973 : f32 to vector<16xf32>
    %add3A_975 = arith.addf %add3A_974, %exp3A_972 : vector<16xf32>
    %div3A_976 = arith.constant 1.000000e+00 : f32
    %div3A_977 = vector.broadcast %div3A_976 : f32 to vector<16xf32>
    %div3A_978 = arith.divf %div3A_977, %add3A_975 : vector<16xf32>
    %mul3A_979 = arith.constant -1.702000e+00 : f32
    %mul3A_980 = vector.broadcast %mul3A_979 : f32 to vector<16xf32>
    %mul3A_981 = arith.mulf %mul3A_980, %get3A_958 : vector<16xf32>
    %sub3A_982 = arith.subf %get3A_953, %get3A_963 : vector<16xf32>
    %mul3A_983 = arith.mulf %mul3A_981, %sub3A_982 : vector<16xf32>
    %exp3A_984 = math.exp %mul3A_983 : vector<16xf32>
    %add3A_985 = arith.constant 1.000000e+00 : f32
    %add3A_986 = vector.broadcast %add3A_985 : f32 to vector<16xf32>
    %add3A_987 = arith.addf %add3A_986, %exp3A_984 : vector<16xf32>
    %div3A_988 = arith.constant 1.000000e+00 : f32
    %div3A_989 = vector.broadcast %div3A_988 : f32 to vector<16xf32>
    %div3A_990 = arith.divf %div3A_989, %add3A_987 : vector<16xf32>
    %sub3A_991 = arith.constant 1.000000e+00 : f32
    %sub3A_992 = vector.broadcast %sub3A_991 : f32 to vector<16xf32>
    %sub3A_993 = arith.subf %sub3A_992, %div3A_978 : vector<16xf32>
    %mul3A_994 = arith.mulf %sub3A_993, %div3A_990 : vector<16xf32>
    %add3A_995 = arith.addf %div3A_978, %mul3A_994 : vector<16xf32>
    %swap3A_996 = arith.constant 224 : index
    %swap3A_997 = tpu.vector_load %arg15[%swap3A_996] {strides = array<i32>} : memref<512xf32, #tpu.memory_space<vmem>>, vector<16xf32>,
    %swap3A_998 = vector.shape_cast %swap3A_997 : vector<16xf32> to vector<16xf32>
    %swap3A_999 = vector.shape_cast %add3A_995 : vector<16xf32> to vector<16xf32>
    tpu.vector_store %arg15[%swap3A_996], %swap3A_999 {strides = array<i32>} : memref<512xf32, #tpu.memory_space<vmem>>, vector<16xf32>,
    %get3A_1000 = arith.constant 0 : i32
    %get3A_1001 = arith.index_cast %get3A_1000 : i32 to index
    %get3A_1002 = arith.constant 240 : index
    %get3A_1003 = tpu.vector_load %arg11[%get3A_1001, %get3A_1002] {strides = array<i32>} : memref<1x512xf32, #tpu.memory_space<vmem>>, vector<1x16xf32>,
    %get3A_1004 = vector.shape_cast %get3A_1003 : vector<1x16xf32> to vector<16xf32>
    %get3A_1005 = arith.constant 0 : i32
    %get3A_1006 = arith.index_cast %get3A_1005 : i32 to index
    %get3A_1007 = arith.constant 240 : index
    %get3A_1008 = tpu.vector_load %arg12[%get3A_1006, %get3A_1007] {strides = array<i32>} : memref<1x512xf32, #tpu.memory_space<vmem>>, vector<1x16xf32>,
    %get3A_1009 = vector.shape_cast %get3A_1008 : vector<1x16xf32> to vector<16xf32>
    %get3A_1010 = arith.constant 0 : i32
    %get3A_1011 = arith.index_cast %get3A_1010 : i32 to index
    %get3A_1012 = arith.constant 240 : index
    %get3A_1013 = tpu.vector_load %arg13[%get3A_1011, %get3A_1012] {strides = array<i32>} : memref<1x512xf32, #tpu.memory_space<vmem>>, vector<1x16xf32>,
    %get3A_1014 = vector.shape_cast %get3A_1013 : vector<1x16xf32> to vector<16xf32>
    %get3A_1015 = arith.constant 0 : i32
    %get3A_1016 = arith.index_cast %get3A_1015 : i32 to index
    %get3A_1017 = arith.constant 240 : index
    %get3A_1018 = tpu.vector_load %arg14[%get3A_1016, %get3A_1017] {strides = array<i32>} : memref<1x512xf32, #tpu.memory_space<vmem>>, vector<1x16xf32>,
    %get3A_1019 = vector.shape_cast %get3A_1018 : vector<1x16xf32> to vector<16xf32>
    %neg3A_1020 = arith.constant 0.000000e+00 : f32
    %neg3A_1021 = vector.broadcast %neg3A_1020 : f32 to vector<16xf32>
    %neg3A_1022 = arith.subf %neg3A_1021, %get3A_1019 : vector<16xf32>
    %exp3A_1023 = math.exp %neg3A_1022 : vector<16xf32>
    %add3A_1024 = arith.constant 1.000000e+00 : f32
    %add3A_1025 = vector.broadcast %add3A_1024 : f32 to vector<16xf32>
    %add3A_1026 = arith.addf %add3A_1025, %exp3A_1023 : vector<16xf32>
    %div3A_1027 = arith.constant 1.000000e+00 : f32
    %div3A_1028 = vector.broadcast %div3A_1027 : f32 to vector<16xf32>
    %div3A_1029 = arith.divf %div3A_1028, %add3A_1026 : vector<16xf32>
    %mul3A_1030 = arith.constant -1.702000e+00 : f32
    %mul3A_1031 = vector.broadcast %mul3A_1030 : f32 to vector<16xf32>
    %mul3A_1032 = arith.mulf %mul3A_1031, %get3A_1009 : vector<16xf32>
    %sub3A_1033 = arith.subf %get3A_1004, %get3A_1014 : vector<16xf32>
    %mul3A_1034 = arith.mulf %mul3A_1032, %sub3A_1033 : vector<16xf32>
    %exp3A_1035 = math.exp %mul3A_1034 : vector<16xf32>
    %add3A_1036 = arith.constant 1.000000e+00 : f32
    %add3A_1037 = vector.broadcast %add3A_1036 : f32 to vector<16xf32>
    %add3A_1038 = arith.addf %add3A_1037, %exp3A_1035 : vector<16xf32>
    %div3A_1039 = arith.constant 1.000000e+00 : f32
    %div3A_1040 = vector.broadcast %div3A_1039 : f32 to vector<16xf32>
    %div3A_1041 = arith.divf %div3A_1040, %add3A_1038 : vector<16xf32>
    %sub3A_1042 = arith.constant 1.000000e+00 : f32
    %sub3A_1043 = vector.broadcast %sub3A_1042 : f32 to vector<16xf32>
    %sub3A_1044 = arith.subf %sub3A_1043, %div3A_1029 : vector<16xf32>
    %mul3A_1045 = arith.mulf %sub3A_1044, %div3A_1041 : vector<16xf32>
    %add3A_1046 = arith.addf %div3A_1029, %mul3A_1045 : vector<16xf32>
    %swap3A_1047 = arith.constant 240 : index
    %swap3A_1048 = tpu.vector_load %arg15[%swap3A_1047] {strides = array<i32>} : memref<512xf32, #tpu.memory_space<vmem>>, vector<16xf32>,
    %swap3A_1049 = vector.shape_cast %swap3A_1048 : vector<16xf32> to vector<16xf32>
    %swap3A_1050 = vector.shape_cast %add3A_1046 : vector<16xf32> to vector<16xf32>
    tpu.vector_store %arg15[%swap3A_1047], %swap3A_1050 {strides = array<i32>} : memref<512xf32, #tpu.memory_space<vmem>>, vector<16xf32>,
    %add3A_1051 = arith.constant 128 : i32
    %add3A_1052 = arith.addi %mul3A_2, %add3A_1051 : i32
    %dma_start3A_1053 = arith.constant 128 : i32
    %dma_start3A_1054 = tpu.memref_slice %arg15[%dma_start3A_1053] : memref<512xf32, #tpu.memory_space<vmem>> -> memref<128xf32, #tpu.memory_space<vmem>>
    %dma_start3A_1055 = tpu.memref_slice %arg8[%add3A_1052] : memref<16384xf32, #tpu.memory_space<hbm>> -> memref<128xf32, #tpu.memory_space<hbm>>
    %dma_start3A_1056 = tpu.memref_slice %arg8[%add3A_1052] : memref<16384xf32, #tpu.memory_space<hbm>> -> memref<128xf32, #tpu.memory_space<hbm>>
    %dma_start3A_1057 = arith.constant 128 : i32
    %dma_start3A_1058 = tpu.memref_slice %arg15[%dma_start3A_1057] : memref<512xf32, #tpu.memory_space<vmem>> -> memref<128xf32, #tpu.memory_space<vmem>>
    tpu.enqueue_dma source(%dma_start3A_1058 : memref<128xf32, #tpu.memory_space<vmem>>) target(%dma_start3A_1056 : memref<128xf32, #tpu.memory_space<hbm>>) target_semaphore(%arg17 : memref<!tpu.dma_semaphore, #tpu.memory_space<semaphore_mem>>)
    %dma_wait3A_1059 = arith.constant 0 : i32
    %dma_wait3A_1060 = arith.constant 256 : i32
    %dma_wait3A_1061 = tpu.memref_slice %arg11[%dma_wait3A_1059, %dma_wait3A_1060] : memref<1x512xf32, #tpu.memory_space<vmem>> -> memref<1x128xf32, #tpu.memory_space<vmem>>
    %dma_wait3A_1062 = arith.constant 0 : i32
    %dma_wait3A_1063 = arith.constant 256 : i32
    %dma_wait3A_1064 = tpu.memref_slice %arg9[%dma_wait3A_1062, %dma_wait3A_1063] : memref<1x512xi32, #tpu.memory_space<vmem>> -> memref<1x128xi32, #tpu.memory_space<vmem>>
    %dma_wait3A_1065 = arith.constant 0 : i32
    %dma_wait3A_1066 = arith.constant 0 : i32
    %dma_wait3A_1067 = tpu.memref_slice %arg2[%dma_wait3A_1065, %dma_wait3A_1066] : memref<1x1000448xf32, #tpu.memory_space<hbm>> -> memref<1x1000448xf32, #tpu.memory_space<hbm>>
    tpu.wait_indirect_dma semaphore(%arg20 : memref<!tpu.dma_semaphore, #tpu.memory_space<semaphore_mem>>) src(%dma_wait3A_1067 : memref<1x1000448xf32, #tpu.memory_space<hbm>>) dst(%dma_wait3A_1061 : memref<1x128xf32, #tpu.memory_space<vmem>>)
    %dma_wait3A_1068 = arith.constant 0 : i32
    %dma_wait3A_1069 = arith.constant 256 : i32
    %dma_wait3A_1070 = tpu.memref_slice %arg12[%dma_wait3A_1068, %dma_wait3A_1069] : memref<1x512xf32, #tpu.memory_space<vmem>> -> memref<1x128xf32, #tpu.memory_space<vmem>>
    %dma_wait3A_1071 = arith.constant 0 : i32
    %dma_wait3A_1072 = arith.constant 256 : i32
    %dma_wait3A_1073 = tpu.memref_slice %arg10[%dma_wait3A_1071, %dma_wait3A_1072] : memref<1x512xi32, #tpu.memory_space<vmem>> -> memref<1x128xi32, #tpu.memory_space<vmem>>
    %dma_wait3A_1074 = arith.constant 0 : i32
    %dma_wait3A_1075 = arith.constant 0 : i32
    %dma_wait3A_1076 = tpu.memref_slice %arg3[%dma_wait3A_1074, %dma_wait3A_1075] : memref<1x100352xf32, #tpu.memory_space<hbm>> -> memref<1x100352xf32, #tpu.memory_space<hbm>>
    tpu.wait_indirect_dma semaphore(%arg20 : memref<!tpu.dma_semaphore, #tpu.memory_space<semaphore_mem>>) src(%dma_wait3A_1076 : memref<1x100352xf32, #tpu.memory_space<hbm>>) dst(%dma_wait3A_1070 : memref<1x128xf32, #tpu.memory_space<vmem>>)
    %dma_wait3A_1077 = arith.constant 0 : i32
    %dma_wait3A_1078 = arith.constant 256 : i32
    %dma_wait3A_1079 = tpu.memref_slice %arg13[%dma_wait3A_1077, %dma_wait3A_1078] : memref<1x512xf32, #tpu.memory_space<vmem>> -> memref<1x128xf32, #tpu.memory_space<vmem>>
    %dma_wait3A_1080 = arith.constant 0 : i32
    %dma_wait3A_1081 = arith.constant 256 : i32
    %dma_wait3A_1082 = tpu.memref_slice %arg10[%dma_wait3A_1080, %dma_wait3A_1081] : memref<1x512xi32, #tpu.memory_space<vmem>> -> memref<1x128xi32, #tpu.memory_space<vmem>>
    %dma_wait3A_1083 = arith.constant 0 : i32
    %dma_wait3A_1084 = arith.constant 0 : i32
    %dma_wait3A_1085 = tpu.memref_slice %arg4[%dma_wait3A_1083, %dma_wait3A_1084] : memref<1x100352xf32, #tpu.memory_space<hbm>> -> memref<1x100352xf32, #tpu.memory_space<hbm>>
    tpu.wait_indirect_dma semaphore(%arg20 : memref<!tpu.dma_semaphore, #tpu.memory_space<semaphore_mem>>) src(%dma_wait3A_1085 : memref<1x100352xf32, #tpu.memory_space<hbm>>) dst(%dma_wait3A_1079 : memref<1x128xf32, #tpu.memory_space<vmem>>)
    %dma_wait3A_1086 = arith.constant 0 : i32
    %dma_wait3A_1087 = arith.constant 256 : i32
    %dma_wait3A_1088 = tpu.memref_slice %arg14[%dma_wait3A_1086, %dma_wait3A_1087] : memref<1x512xf32, #tpu.memory_space<vmem>> -> memref<1x128xf32, #tpu.memory_space<vmem>>
    %dma_wait3A_1089 = arith.constant 0 : i32
    %dma_wait3A_1090 = arith.constant 256 : i32
    %dma_wait3A_1091 = tpu.memref_slice %arg10[%dma_wait3A_1089, %dma_wait3A_1090] : memref<1x512xi32, #tpu.memory_space<vmem>> -> memref<1x128xi32, #tpu.memory_space<vmem>>
    %dma_wait3A_1092 = arith.constant 0 : i32
    %dma_wait3A_1093 = arith.constant 0 : i32
    %dma_wait3A_1094 = tpu.memref_slice %arg5[%dma_wait3A_1092, %dma_wait3A_1093] : memref<1x100352xf32, #tpu.memory_space<hbm>> -> memref<1x100352xf32, #tpu.memory_space<hbm>>
    tpu.wait_indirect_dma semaphore(%arg20 : memref<!tpu.dma_semaphore, #tpu.memory_space<semaphore_mem>>) src(%dma_wait3A_1094 : memref<1x100352xf32, #tpu.memory_space<hbm>>) dst(%dma_wait3A_1088 : memref<1x128xf32, #tpu.memory_space<vmem>>)
    %get3A_1095 = arith.constant 0 : i32
    %get3A_1096 = arith.index_cast %get3A_1095 : i32 to index
    %get3A_1097 = arith.constant 256 : index
    %get3A_1098 = tpu.vector_load %arg11[%get3A_1096, %get3A_1097] {strides = array<i32>} : memref<1x512xf32, #tpu.memory_space<vmem>>, vector<1x16xf32>,
    %get3A_1099 = vector.shape_cast %get3A_1098 : vector<1x16xf32> to vector<16xf32>
    %get3A_1100 = arith.constant 0 : i32
    %get3A_1101 = arith.index_cast %get3A_1100 : i32 to index
    %get3A_1102 = arith.constant 256 : index
    %get3A_1103 = tpu.vector_load %arg12[%get3A_1101, %get3A_1102] {strides = array<i32>} : memref<1x512xf32, #tpu.memory_space<vmem>>, vector<1x16xf32>,
    %get3A_1104 = vector.shape_cast %get3A_1103 : vector<1x16xf32> to vector<16xf32>
    %get3A_1105 = arith.constant 0 : i32
    %get3A_1106 = arith.index_cast %get3A_1105 : i32 to index
    %get3A_1107 = arith.constant 256 : index
    %get3A_1108 = tpu.vector_load %arg13[%get3A_1106, %get3A_1107] {strides = array<i32>} : memref<1x512xf32, #tpu.memory_space<vmem>>, vector<1x16xf32>,
    %get3A_1109 = vector.shape_cast %get3A_1108 : vector<1x16xf32> to vector<16xf32>
    %get3A_1110 = arith.constant 0 : i32
    %get3A_1111 = arith.index_cast %get3A_1110 : i32 to index
    %get3A_1112 = arith.constant 256 : index
    %get3A_1113 = tpu.vector_load %arg14[%get3A_1111, %get3A_1112] {strides = array<i32>} : memref<1x512xf32, #tpu.memory_space<vmem>>, vector<1x16xf32>,
    %get3A_1114 = vector.shape_cast %get3A_1113 : vector<1x16xf32> to vector<16xf32>
    %neg3A_1115 = arith.constant 0.000000e+00 : f32
    %neg3A_1116 = vector.broadcast %neg3A_1115 : f32 to vector<16xf32>
    %neg3A_1117 = arith.subf %neg3A_1116, %get3A_1114 : vector<16xf32>
    %exp3A_1118 = math.exp %neg3A_1117 : vector<16xf32>
    %add3A_1119 = arith.constant 1.000000e+00 : f32
    %add3A_1120 = vector.broadcast %add3A_1119 : f32 to vector<16xf32>
    %add3A_1121 = arith.addf %add3A_1120, %exp3A_1118 : vector<16xf32>
    %div3A_1122 = arith.constant 1.000000e+00 : f32
    %div3A_1123 = vector.broadcast %div3A_1122 : f32 to vector<16xf32>
    %div3A_1124 = arith.divf %div3A_1123, %add3A_1121 : vector<16xf32>
    %mul3A_1125 = arith.constant -1.702000e+00 : f32
    %mul3A_1126 = vector.broadcast %mul3A_1125 : f32 to vector<16xf32>
    %mul3A_1127 = arith.mulf %mul3A_1126, %get3A_1104 : vector<16xf32>
    %sub3A_1128 = arith.subf %get3A_1099, %get3A_1109 : vector<16xf32>
    %mul3A_1129 = arith.mulf %mul3A_1127, %sub3A_1128 : vector<16xf32>
    %exp3A_1130 = math.exp %mul3A_1129 : vector<16xf32>
    %add3A_1131 = arith.constant 1.000000e+00 : f32
    %add3A_1132 = vector.broadcast %add3A_1131 : f32 to vector<16xf32>
    %add3A_1133 = arith.addf %add3A_1132, %exp3A_1130 : vector<16xf32>
    %div3A_1134 = arith.constant 1.000000e+00 : f32
    %div3A_1135 = vector.broadcast %div3A_1134 : f32 to vector<16xf32>
    %div3A_1136 = arith.divf %div3A_1135, %add3A_1133 : vector<16xf32>
    %sub3A_1137 = arith.constant 1.000000e+00 : f32
    %sub3A_1138 = vector.broadcast %sub3A_1137 : f32 to vector<16xf32>
    %sub3A_1139 = arith.subf %sub3A_1138, %div3A_1124 : vector<16xf32>
    %mul3A_1140 = arith.mulf %sub3A_1139, %div3A_1136 : vector<16xf32>
    %add3A_1141 = arith.addf %div3A_1124, %mul3A_1140 : vector<16xf32>
    %swap3A_1142 = arith.constant 256 : index
    %swap3A_1143 = tpu.vector_load %arg15[%swap3A_1142] {strides = array<i32>} : memref<512xf32, #tpu.memory_space<vmem>>, vector<16xf32>,
    %swap3A_1144 = vector.shape_cast %swap3A_1143 : vector<16xf32> to vector<16xf32>
    %swap3A_1145 = vector.shape_cast %add3A_1141 : vector<16xf32> to vector<16xf32>
    tpu.vector_store %arg15[%swap3A_1142], %swap3A_1145 {strides = array<i32>} : memref<512xf32, #tpu.memory_space<vmem>>, vector<16xf32>,
    %get3A_1146 = arith.constant 0 : i32
    %get3A_1147 = arith.index_cast %get3A_1146 : i32 to index
    %get3A_1148 = arith.constant 272 : index
    %get3A_1149 = tpu.vector_load %arg11[%get3A_1147, %get3A_1148] {strides = array<i32>} : memref<1x512xf32, #tpu.memory_space<vmem>>, vector<1x16xf32>,
    %get3A_1150 = vector.shape_cast %get3A_1149 : vector<1x16xf32> to vector<16xf32>
    %get3A_1151 = arith.constant 0 : i32
    %get3A_1152 = arith.index_cast %get3A_1151 : i32 to index
    %get3A_1153 = arith.constant 272 : index
    %get3A_1154 = tpu.vector_load %arg12[%get3A_1152, %get3A_1153] {strides = array<i32>} : memref<1x512xf32, #tpu.memory_space<vmem>>, vector<1x16xf32>,
    %get3A_1155 = vector.shape_cast %get3A_1154 : vector<1x16xf32> to vector<16xf32>
    %get3A_1156 = arith.constant 0 : i32
    %get3A_1157 = arith.index_cast %get3A_1156 : i32 to index
    %get3A_1158 = arith.constant 272 : index
    %get3A_1159 = tpu.vector_load %arg13[%get3A_1157, %get3A_1158] {strides = array<i32>} : memref<1x512xf32, #tpu.memory_space<vmem>>, vector<1x16xf32>,
    %get3A_1160 = vector.shape_cast %get3A_1159 : vector<1x16xf32> to vector<16xf32>
    %get3A_1161 = arith.constant 0 : i32
    %get3A_1162 = arith.index_cast %get3A_1161 : i32 to index
    %get3A_1163 = arith.constant 272 : index
    %get3A_1164 = tpu.vector_load %arg14[%get3A_1162, %get3A_1163] {strides = array<i32>} : memref<1x512xf32, #tpu.memory_space<vmem>>, vector<1x16xf32>,
    %get3A_1165 = vector.shape_cast %get3A_1164 : vector<1x16xf32> to vector<16xf32>
    %neg3A_1166 = arith.constant 0.000000e+00 : f32
    %neg3A_1167 = vector.broadcast %neg3A_1166 : f32 to vector<16xf32>
    %neg3A_1168 = arith.subf %neg3A_1167, %get3A_1165 : vector<16xf32>
    %exp3A_1169 = math.exp %neg3A_1168 : vector<16xf32>
    %add3A_1170 = arith.constant 1.000000e+00 : f32
    %add3A_1171 = vector.broadcast %add3A_1170 : f32 to vector<16xf32>
    %add3A_1172 = arith.addf %add3A_1171, %exp3A_1169 : vector<16xf32>
    %div3A_1173 = arith.constant 1.000000e+00 : f32
    %div3A_1174 = vector.broadcast %div3A_1173 : f32 to vector<16xf32>
    %div3A_1175 = arith.divf %div3A_1174, %add3A_1172 : vector<16xf32>
    %mul3A_1176 = arith.constant -1.702000e+00 : f32
    %mul3A_1177 = vector.broadcast %mul3A_1176 : f32 to vector<16xf32>
    %mul3A_1178 = arith.mulf %mul3A_1177, %get3A_1155 : vector<16xf32>
    %sub3A_1179 = arith.subf %get3A_1150, %get3A_1160 : vector<16xf32>
    %mul3A_1180 = arith.mulf %mul3A_1178, %sub3A_1179 : vector<16xf32>
    %exp3A_1181 = math.exp %mul3A_1180 : vector<16xf32>
    %add3A_1182 = arith.constant 1.000000e+00 : f32
    %add3A_1183 = vector.broadcast %add3A_1182 : f32 to vector<16xf32>
    %add3A_1184 = arith.addf %add3A_1183, %exp3A_1181 : vector<16xf32>
    %div3A_1185 = arith.constant 1.000000e+00 : f32
    %div3A_1186 = vector.broadcast %div3A_1185 : f32 to vector<16xf32>
    %div3A_1187 = arith.divf %div3A_1186, %add3A_1184 : vector<16xf32>
    %sub3A_1188 = arith.constant 1.000000e+00 : f32
    %sub3A_1189 = vector.broadcast %sub3A_1188 : f32 to vector<16xf32>
    %sub3A_1190 = arith.subf %sub3A_1189, %div3A_1175 : vector<16xf32>
    %mul3A_1191 = arith.mulf %sub3A_1190, %div3A_1187 : vector<16xf32>
    %add3A_1192 = arith.addf %div3A_1175, %mul3A_1191 : vector<16xf32>
    %swap3A_1193 = arith.constant 272 : index
    %swap3A_1194 = tpu.vector_load %arg15[%swap3A_1193] {strides = array<i32>} : memref<512xf32, #tpu.memory_space<vmem>>, vector<16xf32>,
    %swap3A_1195 = vector.shape_cast %swap3A_1194 : vector<16xf32> to vector<16xf32>
    %swap3A_1196 = vector.shape_cast %add3A_1192 : vector<16xf32> to vector<16xf32>
    tpu.vector_store %arg15[%swap3A_1193], %swap3A_1196 {strides = array<i32>} : memref<512xf32, #tpu.memory_space<vmem>>, vector<16xf32>,
    %get3A_1197 = arith.constant 0 : i32
    %get3A_1198 = arith.index_cast %get3A_1197 : i32 to index
    %get3A_1199 = arith.constant 288 : index
    %get3A_1200 = tpu.vector_load %arg11[%get3A_1198, %get3A_1199] {strides = array<i32>} : memref<1x512xf32, #tpu.memory_space<vmem>>, vector<1x16xf32>,
    %get3A_1201 = vector.shape_cast %get3A_1200 : vector<1x16xf32> to vector<16xf32>
    %get3A_1202 = arith.constant 0 : i32
    %get3A_1203 = arith.index_cast %get3A_1202 : i32 to index
    %get3A_1204 = arith.constant 288 : index
    %get3A_1205 = tpu.vector_load %arg12[%get3A_1203, %get3A_1204] {strides = array<i32>} : memref<1x512xf32, #tpu.memory_space<vmem>>, vector<1x16xf32>,
    %get3A_1206 = vector.shape_cast %get3A_1205 : vector<1x16xf32> to vector<16xf32>
    %get3A_1207 = arith.constant 0 : i32
    %get3A_1208 = arith.index_cast %get3A_1207 : i32 to index
    %get3A_1209 = arith.constant 288 : index
    %get3A_1210 = tpu.vector_load %arg13[%get3A_1208, %get3A_1209] {strides = array<i32>} : memref<1x512xf32, #tpu.memory_space<vmem>>, vector<1x16xf32>,
    %get3A_1211 = vector.shape_cast %get3A_1210 : vector<1x16xf32> to vector<16xf32>
    %get3A_1212 = arith.constant 0 : i32
    %get3A_1213 = arith.index_cast %get3A_1212 : i32 to index
    %get3A_1214 = arith.constant 288 : index
    %get3A_1215 = tpu.vector_load %arg14[%get3A_1213, %get3A_1214] {strides = array<i32>} : memref<1x512xf32, #tpu.memory_space<vmem>>, vector<1x16xf32>,
    %get3A_1216 = vector.shape_cast %get3A_1215 : vector<1x16xf32> to vector<16xf32>
    %neg3A_1217 = arith.constant 0.000000e+00 : f32
    %neg3A_1218 = vector.broadcast %neg3A_1217 : f32 to vector<16xf32>
    %neg3A_1219 = arith.subf %neg3A_1218, %get3A_1216 : vector<16xf32>
    %exp3A_1220 = math.exp %neg3A_1219 : vector<16xf32>
    %add3A_1221 = arith.constant 1.000000e+00 : f32
    %add3A_1222 = vector.broadcast %add3A_1221 : f32 to vector<16xf32>
    %add3A_1223 = arith.addf %add3A_1222, %exp3A_1220 : vector<16xf32>
    %div3A_1224 = arith.constant 1.000000e+00 : f32
    %div3A_1225 = vector.broadcast %div3A_1224 : f32 to vector<16xf32>
    %div3A_1226 = arith.divf %div3A_1225, %add3A_1223 : vector<16xf32>
    %mul3A_1227 = arith.constant -1.702000e+00 : f32
    %mul3A_1228 = vector.broadcast %mul3A_1227 : f32 to vector<16xf32>
    %mul3A_1229 = arith.mulf %mul3A_1228, %get3A_1206 : vector<16xf32>
    %sub3A_1230 = arith.subf %get3A_1201, %get3A_1211 : vector<16xf32>
    %mul3A_1231 = arith.mulf %mul3A_1229, %sub3A_1230 : vector<16xf32>
    %exp3A_1232 = math.exp %mul3A_1231 : vector<16xf32>
    %add3A_1233 = arith.constant 1.000000e+00 : f32
    %add3A_1234 = vector.broadcast %add3A_1233 : f32 to vector<16xf32>
    %add3A_1235 = arith.addf %add3A_1234, %exp3A_1232 : vector<16xf32>
    %div3A_1236 = arith.constant 1.000000e+00 : f32
    %div3A_1237 = vector.broadcast %div3A_1236 : f32 to vector<16xf32>
    %div3A_1238 = arith.divf %div3A_1237, %add3A_1235 : vector<16xf32>
    %sub3A_1239 = arith.constant 1.000000e+00 : f32
    %sub3A_1240 = vector.broadcast %sub3A_1239 : f32 to vector<16xf32>
    %sub3A_1241 = arith.subf %sub3A_1240, %div3A_1226 : vector<16xf32>
    %mul3A_1242 = arith.mulf %sub3A_1241, %div3A_1238 : vector<16xf32>
    %add3A_1243 = arith.addf %div3A_1226, %mul3A_1242 : vector<16xf32>
    %swap3A_1244 = arith.constant 288 : index
    %swap3A_1245 = tpu.vector_load %arg15[%swap3A_1244] {strides = array<i32>} : memref<512xf32, #tpu.memory_space<vmem>>, vector<16xf32>,
    %swap3A_1246 = vector.shape_cast %swap3A_1245 : vector<16xf32> to vector<16xf32>
    %swap3A_1247 = vector.shape_cast %add3A_1243 : vector<16xf32> to vector<16xf32>
    tpu.vector_store %arg15[%swap3A_1244], %swap3A_1247 {strides = array<i32>} : memref<512xf32, #tpu.memory_space<vmem>>, vector<16xf32>,
    %get3A_1248 = arith.constant 0 : i32
    %get3A_1249 = arith.index_cast %get3A_1248 : i32 to index
    %get3A_1250 = arith.constant 304 : index
    %get3A_1251 = tpu.vector_load %arg11[%get3A_1249, %get3A_1250] {strides = array<i32>} : memref<1x512xf32, #tpu.memory_space<vmem>>, vector<1x16xf32>,
    %get3A_1252 = vector.shape_cast %get3A_1251 : vector<1x16xf32> to vector<16xf32>
    %get3A_1253 = arith.constant 0 : i32
    %get3A_1254 = arith.index_cast %get3A_1253 : i32 to index
    %get3A_1255 = arith.constant 304 : index
    %get3A_1256 = tpu.vector_load %arg12[%get3A_1254, %get3A_1255] {strides = array<i32>} : memref<1x512xf32, #tpu.memory_space<vmem>>, vector<1x16xf32>,
    %get3A_1257 = vector.shape_cast %get3A_1256 : vector<1x16xf32> to vector<16xf32>
    %get3A_1258 = arith.constant 0 : i32
    %get3A_1259 = arith.index_cast %get3A_1258 : i32 to index
    %get3A_1260 = arith.constant 304 : index
    %get3A_1261 = tpu.vector_load %arg13[%get3A_1259, %get3A_1260] {strides = array<i32>} : memref<1x512xf32, #tpu.memory_space<vmem>>, vector<1x16xf32>,
    %get3A_1262 = vector.shape_cast %get3A_1261 : vector<1x16xf32> to vector<16xf32>
    %get3A_1263 = arith.constant 0 : i32
    %get3A_1264 = arith.index_cast %get3A_1263 : i32 to index
    %get3A_1265 = arith.constant 304 : index
    %get3A_1266 = tpu.vector_load %arg14[%get3A_1264, %get3A_1265] {strides = array<i32>} : memref<1x512xf32, #tpu.memory_space<vmem>>, vector<1x16xf32>,
    %get3A_1267 = vector.shape_cast %get3A_1266 : vector<1x16xf32> to vector<16xf32>
    %neg3A_1268 = arith.constant 0.000000e+00 : f32
    %neg3A_1269 = vector.broadcast %neg3A_1268 : f32 to vector<16xf32>
    %neg3A_1270 = arith.subf %neg3A_1269, %get3A_1267 : vector<16xf32>
    %exp3A_1271 = math.exp %neg3A_1270 : vector<16xf32>
    %add3A_1272 = arith.constant 1.000000e+00 : f32
    %add3A_1273 = vector.broadcast %add3A_1272 : f32 to vector<16xf32>
    %add3A_1274 = arith.addf %add3A_1273, %exp3A_1271 : vector<16xf32>
    %div3A_1275 = arith.constant 1.000000e+00 : f32
    %div3A_1276 = vector.broadcast %div3A_1275 : f32 to vector<16xf32>
    %div3A_1277 = arith.divf %div3A_1276, %add3A_1274 : vector<16xf32>
    %mul3A_1278 = arith.constant -1.702000e+00 : f32
    %mul3A_1279 = vector.broadcast %mul3A_1278 : f32 to vector<16xf32>
    %mul3A_1280 = arith.mulf %mul3A_1279, %get3A_1257 : vector<16xf32>
    %sub3A_1281 = arith.subf %get3A_1252, %get3A_1262 : vector<16xf32>
    %mul3A_1282 = arith.mulf %mul3A_1280, %sub3A_1281 : vector<16xf32>
    %exp3A_1283 = math.exp %mul3A_1282 : vector<16xf32>
    %add3A_1284 = arith.constant 1.000000e+00 : f32
    %add3A_1285 = vector.broadcast %add3A_1284 : f32 to vector<16xf32>
    %add3A_1286 = arith.addf %add3A_1285, %exp3A_1283 : vector<16xf32>
    %div3A_1287 = arith.constant 1.000000e+00 : f32
    %div3A_1288 = vector.broadcast %div3A_1287 : f32 to vector<16xf32>
    %div3A_1289 = arith.divf %div3A_1288, %add3A_1286 : vector<16xf32>
    %sub3A_1290 = arith.constant 1.000000e+00 : f32
    %sub3A_1291 = vector.broadcast %sub3A_1290 : f32 to vector<16xf32>
    %sub3A_1292 = arith.subf %sub3A_1291, %div3A_1277 : vector<16xf32>
    %mul3A_1293 = arith.mulf %sub3A_1292, %div3A_1289 : vector<16xf32>
    %add3A_1294 = arith.addf %div3A_1277, %mul3A_1293 : vector<16xf32>
    %swap3A_1295 = arith.constant 304 : index
    %swap3A_1296 = tpu.vector_load %arg15[%swap3A_1295] {strides = array<i32>} : memref<512xf32, #tpu.memory_space<vmem>>, vector<16xf32>,
    %swap3A_1297 = vector.shape_cast %swap3A_1296 : vector<16xf32> to vector<16xf32>
    %swap3A_1298 = vector.shape_cast %add3A_1294 : vector<16xf32> to vector<16xf32>
    tpu.vector_store %arg15[%swap3A_1295], %swap3A_1298 {strides = array<i32>} : memref<512xf32, #tpu.memory_space<vmem>>, vector<16xf32>,
    %get3A_1299 = arith.constant 0 : i32
    %get3A_1300 = arith.index_cast %get3A_1299 : i32 to index
    %get3A_1301 = arith.constant 320 : index
    %get3A_1302 = tpu.vector_load %arg11[%get3A_1300, %get3A_1301] {strides = array<i32>} : memref<1x512xf32, #tpu.memory_space<vmem>>, vector<1x16xf32>,
    %get3A_1303 = vector.shape_cast %get3A_1302 : vector<1x16xf32> to vector<16xf32>
    %get3A_1304 = arith.constant 0 : i32
    %get3A_1305 = arith.index_cast %get3A_1304 : i32 to index
    %get3A_1306 = arith.constant 320 : index
    %get3A_1307 = tpu.vector_load %arg12[%get3A_1305, %get3A_1306] {strides = array<i32>} : memref<1x512xf32, #tpu.memory_space<vmem>>, vector<1x16xf32>,
    %get3A_1308 = vector.shape_cast %get3A_1307 : vector<1x16xf32> to vector<16xf32>
    %get3A_1309 = arith.constant 0 : i32
    %get3A_1310 = arith.index_cast %get3A_1309 : i32 to index
    %get3A_1311 = arith.constant 320 : index
    %get3A_1312 = tpu.vector_load %arg13[%get3A_1310, %get3A_1311] {strides = array<i32>} : memref<1x512xf32, #tpu.memory_space<vmem>>, vector<1x16xf32>,
    %get3A_1313 = vector.shape_cast %get3A_1312 : vector<1x16xf32> to vector<16xf32>
    %get3A_1314 = arith.constant 0 : i32
    %get3A_1315 = arith.index_cast %get3A_1314 : i32 to index
    %get3A_1316 = arith.constant 320 : index
    %get3A_1317 = tpu.vector_load %arg14[%get3A_1315, %get3A_1316] {strides = array<i32>} : memref<1x512xf32, #tpu.memory_space<vmem>>, vector<1x16xf32>,
    %get3A_1318 = vector.shape_cast %get3A_1317 : vector<1x16xf32> to vector<16xf32>
    %neg3A_1319 = arith.constant 0.000000e+00 : f32
    %neg3A_1320 = vector.broadcast %neg3A_1319 : f32 to vector<16xf32>
    %neg3A_1321 = arith.subf %neg3A_1320, %get3A_1318 : vector<16xf32>
    %exp3A_1322 = math.exp %neg3A_1321 : vector<16xf32>
    %add3A_1323 = arith.constant 1.000000e+00 : f32
    %add3A_1324 = vector.broadcast %add3A_1323 : f32 to vector<16xf32>
    %add3A_1325 = arith.addf %add3A_1324, %exp3A_1322 : vector<16xf32>
    %div3A_1326 = arith.constant 1.000000e+00 : f32
    %div3A_1327 = vector.broadcast %div3A_1326 : f32 to vector<16xf32>
    %div3A_1328 = arith.divf %div3A_1327, %add3A_1325 : vector<16xf32>
    %mul3A_1329 = arith.constant -1.702000e+00 : f32
    %mul3A_1330 = vector.broadcast %mul3A_1329 : f32 to vector<16xf32>
    %mul3A_1331 = arith.mulf %mul3A_1330, %get3A_1308 : vector<16xf32>
    %sub3A_1332 = arith.subf %get3A_1303, %get3A_1313 : vector<16xf32>
    %mul3A_1333 = arith.mulf %mul3A_1331, %sub3A_1332 : vector<16xf32>
    %exp3A_1334 = math.exp %mul3A_1333 : vector<16xf32>
    %add3A_1335 = arith.constant 1.000000e+00 : f32
    %add3A_1336 = vector.broadcast %add3A_1335 : f32 to vector<16xf32>
    %add3A_1337 = arith.addf %add3A_1336, %exp3A_1334 : vector<16xf32>
    %div3A_1338 = arith.constant 1.000000e+00 : f32
    %div3A_1339 = vector.broadcast %div3A_1338 : f32 to vector<16xf32>
    %div3A_1340 = arith.divf %div3A_1339, %add3A_1337 : vector<16xf32>
    %sub3A_1341 = arith.constant 1.000000e+00 : f32
    %sub3A_1342 = vector.broadcast %sub3A_1341 : f32 to vector<16xf32>
    %sub3A_1343 = arith.subf %sub3A_1342, %div3A_1328 : vector<16xf32>
    %mul3A_1344 = arith.mulf %sub3A_1343, %div3A_1340 : vector<16xf32>
    %add3A_1345 = arith.addf %div3A_1328, %mul3A_1344 : vector<16xf32>
    %swap3A_1346 = arith.constant 320 : index
    %swap3A_1347 = tpu.vector_load %arg15[%swap3A_1346] {strides = array<i32>} : memref<512xf32, #tpu.memory_space<vmem>>, vector<16xf32>,
    %swap3A_1348 = vector.shape_cast %swap3A_1347 : vector<16xf32> to vector<16xf32>
    %swap3A_1349 = vector.shape_cast %add3A_1345 : vector<16xf32> to vector<16xf32>
    tpu.vector_store %arg15[%swap3A_1346], %swap3A_1349 {strides = array<i32>} : memref<512xf32, #tpu.memory_space<vmem>>, vector<16xf32>,
    %get3A_1350 = arith.constant 0 : i32
    %get3A_1351 = arith.index_cast %get3A_1350 : i32 to index
    %get3A_1352 = arith.constant 336 : index
    %get3A_1353 = tpu.vector_load %arg11[%get3A_1351, %get3A_1352] {strides = array<i32>} : memref<1x512xf32, #tpu.memory_space<vmem>>, vector<1x16xf32>,
    %get3A_1354 = vector.shape_cast %get3A_1353 : vector<1x16xf32> to vector<16xf32>
    %get3A_1355 = arith.constant 0 : i32
    %get3A_1356 = arith.index_cast %get3A_1355 : i32 to index
    %get3A_1357 = arith.constant 336 : index
    %get3A_1358 = tpu.vector_load %arg12[%get3A_1356, %get3A_1357] {strides = array<i32>} : memref<1x512xf32, #tpu.memory_space<vmem>>, vector<1x16xf32>,
    %get3A_1359 = vector.shape_cast %get3A_1358 : vector<1x16xf32> to vector<16xf32>
    %get3A_1360 = arith.constant 0 : i32
    %get3A_1361 = arith.index_cast %get3A_1360 : i32 to index
    %get3A_1362 = arith.constant 336 : index
    %get3A_1363 = tpu.vector_load %arg13[%get3A_1361, %get3A_1362] {strides = array<i32>} : memref<1x512xf32, #tpu.memory_space<vmem>>, vector<1x16xf32>,
    %get3A_1364 = vector.shape_cast %get3A_1363 : vector<1x16xf32> to vector<16xf32>
    %get3A_1365 = arith.constant 0 : i32
    %get3A_1366 = arith.index_cast %get3A_1365 : i32 to index
    %get3A_1367 = arith.constant 336 : index
    %get3A_1368 = tpu.vector_load %arg14[%get3A_1366, %get3A_1367] {strides = array<i32>} : memref<1x512xf32, #tpu.memory_space<vmem>>, vector<1x16xf32>,
    %get3A_1369 = vector.shape_cast %get3A_1368 : vector<1x16xf32> to vector<16xf32>
    %neg3A_1370 = arith.constant 0.000000e+00 : f32
    %neg3A_1371 = vector.broadcast %neg3A_1370 : f32 to vector<16xf32>
    %neg3A_1372 = arith.subf %neg3A_1371, %get3A_1369 : vector<16xf32>
    %exp3A_1373 = math.exp %neg3A_1372 : vector<16xf32>
    %add3A_1374 = arith.constant 1.000000e+00 : f32
    %add3A_1375 = vector.broadcast %add3A_1374 : f32 to vector<16xf32>
    %add3A_1376 = arith.addf %add3A_1375, %exp3A_1373 : vector<16xf32>
    %div3A_1377 = arith.constant 1.000000e+00 : f32
    %div3A_1378 = vector.broadcast %div3A_1377 : f32 to vector<16xf32>
    %div3A_1379 = arith.divf %div3A_1378, %add3A_1376 : vector<16xf32>
    %mul3A_1380 = arith.constant -1.702000e+00 : f32
    %mul3A_1381 = vector.broadcast %mul3A_1380 : f32 to vector<16xf32>
    %mul3A_1382 = arith.mulf %mul3A_1381, %get3A_1359 : vector<16xf32>
    %sub3A_1383 = arith.subf %get3A_1354, %get3A_1364 : vector<16xf32>
    %mul3A_1384 = arith.mulf %mul3A_1382, %sub3A_1383 : vector<16xf32>
    %exp3A_1385 = math.exp %mul3A_1384 : vector<16xf32>
    %add3A_1386 = arith.constant 1.000000e+00 : f32
    %add3A_1387 = vector.broadcast %add3A_1386 : f32 to vector<16xf32>
    %add3A_1388 = arith.addf %add3A_1387, %exp3A_1385 : vector<16xf32>
    %div3A_1389 = arith.constant 1.000000e+00 : f32
    %div3A_1390 = vector.broadcast %div3A_1389 : f32 to vector<16xf32>
    %div3A_1391 = arith.divf %div3A_1390, %add3A_1388 : vector<16xf32>
    %sub3A_1392 = arith.constant 1.000000e+00 : f32
    %sub3A_1393 = vector.broadcast %sub3A_1392 : f32 to vector<16xf32>
    %sub3A_1394 = arith.subf %sub3A_1393, %div3A_1379 : vector<16xf32>
    %mul3A_1395 = arith.mulf %sub3A_1394, %div3A_1391 : vector<16xf32>
    %add3A_1396 = arith.addf %div3A_1379, %mul3A_1395 : vector<16xf32>
    %swap3A_1397 = arith.constant 336 : index
    %swap3A_1398 = tpu.vector_load %arg15[%swap3A_1397] {strides = array<i32>} : memref<512xf32, #tpu.memory_space<vmem>>, vector<16xf32>,
    %swap3A_1399 = vector.shape_cast %swap3A_1398 : vector<16xf32> to vector<16xf32>
    %swap3A_1400 = vector.shape_cast %add3A_1396 : vector<16xf32> to vector<16xf32>
    tpu.vector_store %arg15[%swap3A_1397], %swap3A_1400 {strides = array<i32>} : memref<512xf32, #tpu.memory_space<vmem>>, vector<16xf32>,
    %get3A_1401 = arith.constant 0 : i32
    %get3A_1402 = arith.index_cast %get3A_1401 : i32 to index
    %get3A_1403 = arith.constant 352 : index
    %get3A_1404 = tpu.vector_load %arg11[%get3A_1402, %get3A_1403] {strides = array<i32>} : memref<1x512xf32, #tpu.memory_space<vmem>>, vector<1x16xf32>,
    %get3A_1405 = vector.shape_cast %get3A_1404 : vector<1x16xf32> to vector<16xf32>
    %get3A_1406 = arith.constant 0 : i32
    %get3A_1407 = arith.index_cast %get3A_1406 : i32 to index
    %get3A_1408 = arith.constant 352 : index
    %get3A_1409 = tpu.vector_load %arg12[%get3A_1407, %get3A_1408] {strides = array<i32>} : memref<1x512xf32, #tpu.memory_space<vmem>>, vector<1x16xf32>,
    %get3A_1410 = vector.shape_cast %get3A_1409 : vector<1x16xf32> to vector<16xf32>
    %get3A_1411 = arith.constant 0 : i32
    %get3A_1412 = arith.index_cast %get3A_1411 : i32 to index
    %get3A_1413 = arith.constant 352 : index
    %get3A_1414 = tpu.vector_load %arg13[%get3A_1412, %get3A_1413] {strides = array<i32>} : memref<1x512xf32, #tpu.memory_space<vmem>>, vector<1x16xf32>,
    %get3A_1415 = vector.shape_cast %get3A_1414 : vector<1x16xf32> to vector<16xf32>
    %get3A_1416 = arith.constant 0 : i32
    %get3A_1417 = arith.index_cast %get3A_1416 : i32 to index
    %get3A_1418 = arith.constant 352 : index
    %get3A_1419 = tpu.vector_load %arg14[%get3A_1417, %get3A_1418] {strides = array<i32>} : memref<1x512xf32, #tpu.memory_space<vmem>>, vector<1x16xf32>,
    %get3A_1420 = vector.shape_cast %get3A_1419 : vector<1x16xf32> to vector<16xf32>
    %neg3A_1421 = arith.constant 0.000000e+00 : f32
    %neg3A_1422 = vector.broadcast %neg3A_1421 : f32 to vector<16xf32>
    %neg3A_1423 = arith.subf %neg3A_1422, %get3A_1420 : vector<16xf32>
    %exp3A_1424 = math.exp %neg3A_1423 : vector<16xf32>
    %add3A_1425 = arith.constant 1.000000e+00 : f32
    %add3A_1426 = vector.broadcast %add3A_1425 : f32 to vector<16xf32>
    %add3A_1427 = arith.addf %add3A_1426, %exp3A_1424 : vector<16xf32>
    %div3A_1428 = arith.constant 1.000000e+00 : f32
    %div3A_1429 = vector.broadcast %div3A_1428 : f32 to vector<16xf32>
    %div3A_1430 = arith.divf %div3A_1429, %add3A_1427 : vector<16xf32>
    %mul3A_1431 = arith.constant -1.702000e+00 : f32
    %mul3A_1432 = vector.broadcast %mul3A_1431 : f32 to vector<16xf32>
    %mul3A_1433 = arith.mulf %mul3A_1432, %get3A_1410 : vector<16xf32>
    %sub3A_1434 = arith.subf %get3A_1405, %get3A_1415 : vector<16xf32>
    %mul3A_1435 = arith.mulf %mul3A_1433, %sub3A_1434 : vector<16xf32>
    %exp3A_1436 = math.exp %mul3A_1435 : vector<16xf32>
    %add3A_1437 = arith.constant 1.000000e+00 : f32
    %add3A_1438 = vector.broadcast %add3A_1437 : f32 to vector<16xf32>
    %add3A_1439 = arith.addf %add3A_1438, %exp3A_1436 : vector<16xf32>
    %div3A_1440 = arith.constant 1.000000e+00 : f32
    %div3A_1441 = vector.broadcast %div3A_1440 : f32 to vector<16xf32>
    %div3A_1442 = arith.divf %div3A_1441, %add3A_1439 : vector<16xf32>
    %sub3A_1443 = arith.constant 1.000000e+00 : f32
    %sub3A_1444 = vector.broadcast %sub3A_1443 : f32 to vector<16xf32>
    %sub3A_1445 = arith.subf %sub3A_1444, %div3A_1430 : vector<16xf32>
    %mul3A_1446 = arith.mulf %sub3A_1445, %div3A_1442 : vector<16xf32>
    %add3A_1447 = arith.addf %div3A_1430, %mul3A_1446 : vector<16xf32>
    %swap3A_1448 = arith.constant 352 : index
    %swap3A_1449 = tpu.vector_load %arg15[%swap3A_1448] {strides = array<i32>} : memref<512xf32, #tpu.memory_space<vmem>>, vector<16xf32>,
    %swap3A_1450 = vector.shape_cast %swap3A_1449 : vector<16xf32> to vector<16xf32>
    %swap3A_1451 = vector.shape_cast %add3A_1447 : vector<16xf32> to vector<16xf32>
    tpu.vector_store %arg15[%swap3A_1448], %swap3A_1451 {strides = array<i32>} : memref<512xf32, #tpu.memory_space<vmem>>, vector<16xf32>,
    %get3A_1452 = arith.constant 0 : i32
    %get3A_1453 = arith.index_cast %get3A_1452 : i32 to index
    %get3A_1454 = arith.constant 368 : index
    %get3A_1455 = tpu.vector_load %arg11[%get3A_1453, %get3A_1454] {strides = array<i32>} : memref<1x512xf32, #tpu.memory_space<vmem>>, vector<1x16xf32>,
    %get3A_1456 = vector.shape_cast %get3A_1455 : vector<1x16xf32> to vector<16xf32>
    %get3A_1457 = arith.constant 0 : i32
    %get3A_1458 = arith.index_cast %get3A_1457 : i32 to index
    %get3A_1459 = arith.constant 368 : index
    %get3A_1460 = tpu.vector_load %arg12[%get3A_1458, %get3A_1459] {strides = array<i32>} : memref<1x512xf32, #tpu.memory_space<vmem>>, vector<1x16xf32>,
    %get3A_1461 = vector.shape_cast %get3A_1460 : vector<1x16xf32> to vector<16xf32>
    %get3A_1462 = arith.constant 0 : i32
    %get3A_1463 = arith.index_cast %get3A_1462 : i32 to index
    %get3A_1464 = arith.constant 368 : index
    %get3A_1465 = tpu.vector_load %arg13[%get3A_1463, %get3A_1464] {strides = array<i32>} : memref<1x512xf32, #tpu.memory_space<vmem>>, vector<1x16xf32>,
    %get3A_1466 = vector.shape_cast %get3A_1465 : vector<1x16xf32> to vector<16xf32>
    %get3A_1467 = arith.constant 0 : i32
    %get3A_1468 = arith.index_cast %get3A_1467 : i32 to index
    %get3A_1469 = arith.constant 368 : index
    %get3A_1470 = tpu.vector_load %arg14[%get3A_1468, %get3A_1469] {strides = array<i32>} : memref<1x512xf32, #tpu.memory_space<vmem>>, vector<1x16xf32>,
    %get3A_1471 = vector.shape_cast %get3A_1470 : vector<1x16xf32> to vector<16xf32>
    %neg3A_1472 = arith.constant 0.000000e+00 : f32
    %neg3A_1473 = vector.broadcast %neg3A_1472 : f32 to vector<16xf32>
    %neg3A_1474 = arith.subf %neg3A_1473, %get3A_1471 : vector<16xf32>
    %exp3A_1475 = math.exp %neg3A_1474 : vector<16xf32>
    %add3A_1476 = arith.constant 1.000000e+00 : f32
    %add3A_1477 = vector.broadcast %add3A_1476 : f32 to vector<16xf32>
    %add3A_1478 = arith.addf %add3A_1477, %exp3A_1475 : vector<16xf32>
    %div3A_1479 = arith.constant 1.000000e+00 : f32
    %div3A_1480 = vector.broadcast %div3A_1479 : f32 to vector<16xf32>
    %div3A_1481 = arith.divf %div3A_1480, %add3A_1478 : vector<16xf32>
    %mul3A_1482 = arith.constant -1.702000e+00 : f32
    %mul3A_1483 = vector.broadcast %mul3A_1482 : f32 to vector<16xf32>
    %mul3A_1484 = arith.mulf %mul3A_1483, %get3A_1461 : vector<16xf32>
    %sub3A_1485 = arith.subf %get3A_1456, %get3A_1466 : vector<16xf32>
    %mul3A_1486 = arith.mulf %mul3A_1484, %sub3A_1485 : vector<16xf32>
    %exp3A_1487 = math.exp %mul3A_1486 : vector<16xf32>
    %add3A_1488 = arith.constant 1.000000e+00 : f32
    %add3A_1489 = vector.broadcast %add3A_1488 : f32 to vector<16xf32>
    %add3A_1490 = arith.addf %add3A_1489, %exp3A_1487 : vector<16xf32>
    %div3A_1491 = arith.constant 1.000000e+00 : f32
    %div3A_1492 = vector.broadcast %div3A_1491 : f32 to vector<16xf32>
    %div3A_1493 = arith.divf %div3A_1492, %add3A_1490 : vector<16xf32>
    %sub3A_1494 = arith.constant 1.000000e+00 : f32
    %sub3A_1495 = vector.broadcast %sub3A_1494 : f32 to vector<16xf32>
    %sub3A_1496 = arith.subf %sub3A_1495, %div3A_1481 : vector<16xf32>
    %mul3A_1497 = arith.mulf %sub3A_1496, %div3A_1493 : vector<16xf32>
    %add3A_1498 = arith.addf %div3A_1481, %mul3A_1497 : vector<16xf32>
    %swap3A_1499 = arith.constant 368 : index
    %swap3A_1500 = tpu.vector_load %arg15[%swap3A_1499] {strides = array<i32>} : memref<512xf32, #tpu.memory_space<vmem>>, vector<16xf32>,
    %swap3A_1501 = vector.shape_cast %swap3A_1500 : vector<16xf32> to vector<16xf32>
    %swap3A_1502 = vector.shape_cast %add3A_1498 : vector<16xf32> to vector<16xf32>
    tpu.vector_store %arg15[%swap3A_1499], %swap3A_1502 {strides = array<i32>} : memref<512xf32, #tpu.memory_space<vmem>>, vector<16xf32>,
    %add3A_1503 = arith.constant 256 : i32
    %add3A_1504 = arith.addi %mul3A_2, %add3A_1503 : i32
    %dma_start3A_1505 = arith.constant 256 : i32
    %dma_start3A_1506 = tpu.memref_slice %arg15[%dma_start3A_1505] : memref<512xf32, #tpu.memory_space<vmem>> -> memref<128xf32, #tpu.memory_space<vmem>>
    %dma_start3A_1507 = tpu.memref_slice %arg8[%add3A_1504] : memref<16384xf32, #tpu.memory_space<hbm>> -> memref<128xf32, #tpu.memory_space<hbm>>
    %dma_start3A_1508 = tpu.memref_slice %arg8[%add3A_1504] : memref<16384xf32, #tpu.memory_space<hbm>> -> memref<128xf32, #tpu.memory_space<hbm>>
    %dma_start3A_1509 = arith.constant 256 : i32
    %dma_start3A_1510 = tpu.memref_slice %arg15[%dma_start3A_1509] : memref<512xf32, #tpu.memory_space<vmem>> -> memref<128xf32, #tpu.memory_space<vmem>>
    tpu.enqueue_dma source(%dma_start3A_1510 : memref<128xf32, #tpu.memory_space<vmem>>) target(%dma_start3A_1508 : memref<128xf32, #tpu.memory_space<hbm>>) target_semaphore(%arg17 : memref<!tpu.dma_semaphore, #tpu.memory_space<semaphore_mem>>)
    %dma_wait3A_1511 = arith.constant 0 : i32
    %dma_wait3A_1512 = arith.constant 384 : i32
    %dma_wait3A_1513 = tpu.memref_slice %arg11[%dma_wait3A_1511, %dma_wait3A_1512] : memref<1x512xf32, #tpu.memory_space<vmem>> -> memref<1x128xf32, #tpu.memory_space<vmem>>
    %dma_wait3A_1514 = arith.constant 0 : i32
    %dma_wait3A_1515 = arith.constant 384 : i32
    %dma_wait3A_1516 = tpu.memref_slice %arg9[%dma_wait3A_1514, %dma_wait3A_1515] : memref<1x512xi32, #tpu.memory_space<vmem>> -> memref<1x128xi32, #tpu.memory_space<vmem>>
    %dma_wait3A_1517 = arith.constant 0 : i32
    %dma_wait3A_1518 = arith.constant 0 : i32
    %dma_wait3A_1519 = tpu.memref_slice %arg2[%dma_wait3A_1517, %dma_wait3A_1518] : memref<1x1000448xf32, #tpu.memory_space<hbm>> -> memref<1x1000448xf32, #tpu.memory_space<hbm>>
    tpu.wait_indirect_dma semaphore(%arg21 : memref<!tpu.dma_semaphore, #tpu.memory_space<semaphore_mem>>) src(%dma_wait3A_1519 : memref<1x1000448xf32, #tpu.memory_space<hbm>>) dst(%dma_wait3A_1513 : memref<1x128xf32, #tpu.memory_space<vmem>>)
    %dma_wait3A_1520 = arith.constant 0 : i32
    %dma_wait3A_1521 = arith.constant 384 : i32
    %dma_wait3A_1522 = tpu.memref_slice %arg12[%dma_wait3A_1520, %dma_wait3A_1521] : memref<1x512xf32, #tpu.memory_space<vmem>> -> memref<1x128xf32, #tpu.memory_space<vmem>>
    %dma_wait3A_1523 = arith.constant 0 : i32
    %dma_wait3A_1524 = arith.constant 384 : i32
    %dma_wait3A_1525 = tpu.memref_slice %arg10[%dma_wait3A_1523, %dma_wait3A_1524] : memref<1x512xi32, #tpu.memory_space<vmem>> -> memref<1x128xi32, #tpu.memory_space<vmem>>
    %dma_wait3A_1526 = arith.constant 0 : i32
    %dma_wait3A_1527 = arith.constant 0 : i32
    %dma_wait3A_1528 = tpu.memref_slice %arg3[%dma_wait3A_1526, %dma_wait3A_1527] : memref<1x100352xf32, #tpu.memory_space<hbm>> -> memref<1x100352xf32, #tpu.memory_space<hbm>>
    tpu.wait_indirect_dma semaphore(%arg21 : memref<!tpu.dma_semaphore, #tpu.memory_space<semaphore_mem>>) src(%dma_wait3A_1528 : memref<1x100352xf32, #tpu.memory_space<hbm>>) dst(%dma_wait3A_1522 : memref<1x128xf32, #tpu.memory_space<vmem>>)
    %dma_wait3A_1529 = arith.constant 0 : i32
    %dma_wait3A_1530 = arith.constant 384 : i32
    %dma_wait3A_1531 = tpu.memref_slice %arg13[%dma_wait3A_1529, %dma_wait3A_1530] : memref<1x512xf32, #tpu.memory_space<vmem>> -> memref<1x128xf32, #tpu.memory_space<vmem>>
    %dma_wait3A_1532 = arith.constant 0 : i32
    %dma_wait3A_1533 = arith.constant 384 : i32
    %dma_wait3A_1534 = tpu.memref_slice %arg10[%dma_wait3A_1532, %dma_wait3A_1533] : memref<1x512xi32, #tpu.memory_space<vmem>> -> memref<1x128xi32, #tpu.memory_space<vmem>>
    %dma_wait3A_1535 = arith.constant 0 : i32
    %dma_wait3A_1536 = arith.constant 0 : i32
    %dma_wait3A_1537 = tpu.memref_slice %arg4[%dma_wait3A_1535, %dma_wait3A_1536] : memref<1x100352xf32, #tpu.memory_space<hbm>> -> memref<1x100352xf32, #tpu.memory_space<hbm>>
    tpu.wait_indirect_dma semaphore(%arg21 : memref<!tpu.dma_semaphore, #tpu.memory_space<semaphore_mem>>) src(%dma_wait3A_1537 : memref<1x100352xf32, #tpu.memory_space<hbm>>) dst(%dma_wait3A_1531 : memref<1x128xf32, #tpu.memory_space<vmem>>)
    %dma_wait3A_1538 = arith.constant 0 : i32
    %dma_wait3A_1539 = arith.constant 384 : i32
    %dma_wait3A_1540 = tpu.memref_slice %arg14[%dma_wait3A_1538, %dma_wait3A_1539] : memref<1x512xf32, #tpu.memory_space<vmem>> -> memref<1x128xf32, #tpu.memory_space<vmem>>
    %dma_wait3A_1541 = arith.constant 0 : i32
    %dma_wait3A_1542 = arith.constant 384 : i32
    %dma_wait3A_1543 = tpu.memref_slice %arg10[%dma_wait3A_1541, %dma_wait3A_1542] : memref<1x512xi32, #tpu.memory_space<vmem>> -> memref<1x128xi32, #tpu.memory_space<vmem>>
    %dma_wait3A_1544 = arith.constant 0 : i32
    %dma_wait3A_1545 = arith.constant 0 : i32
    %dma_wait3A_1546 = tpu.memref_slice %arg5[%dma_wait3A_1544, %dma_wait3A_1545] : memref<1x100352xf32, #tpu.memory_space<hbm>> -> memref<1x100352xf32, #tpu.memory_space<hbm>>
    tpu.wait_indirect_dma semaphore(%arg21 : memref<!tpu.dma_semaphore, #tpu.memory_space<semaphore_mem>>) src(%dma_wait3A_1546 : memref<1x100352xf32, #tpu.memory_space<hbm>>) dst(%dma_wait3A_1540 : memref<1x128xf32, #tpu.memory_space<vmem>>)
    %get3A_1547 = arith.constant 0 : i32
    %get3A_1548 = arith.index_cast %get3A_1547 : i32 to index
    %get3A_1549 = arith.constant 384 : index
    %get3A_1550 = tpu.vector_load %arg11[%get3A_1548, %get3A_1549] {strides = array<i32>} : memref<1x512xf32, #tpu.memory_space<vmem>>, vector<1x16xf32>,
    %get3A_1551 = vector.shape_cast %get3A_1550 : vector<1x16xf32> to vector<16xf32>
    %get3A_1552 = arith.constant 0 : i32
    %get3A_1553 = arith.index_cast %get3A_1552 : i32 to index
    %get3A_1554 = arith.constant 384 : index
    %get3A_1555 = tpu.vector_load %arg12[%get3A_1553, %get3A_1554] {strides = array<i32>} : memref<1x512xf32, #tpu.memory_space<vmem>>, vector<1x16xf32>,
    %get3A_1556 = vector.shape_cast %get3A_1555 : vector<1x16xf32> to vector<16xf32>
    %get3A_1557 = arith.constant 0 : i32
    %get3A_1558 = arith.index_cast %get3A_1557 : i32 to index
    %get3A_1559 = arith.constant 384 : index
    %get3A_1560 = tpu.vector_load %arg13[%get3A_1558, %get3A_1559] {strides = array<i32>} : memref<1x512xf32, #tpu.memory_space<vmem>>, vector<1x16xf32>,
    %get3A_1561 = vector.shape_cast %get3A_1560 : vector<1x16xf32> to vector<16xf32>
    %get3A_1562 = arith.constant 0 : i32
    %get3A_1563 = arith.index_cast %get3A_1562 : i32 to index
    %get3A_1564 = arith.constant 384 : index
    %get3A_1565 = tpu.vector_load %arg14[%get3A_1563, %get3A_1564] {strides = array<i32>} : memref<1x512xf32, #tpu.memory_space<vmem>>, vector<1x16xf32>,
    %get3A_1566 = vector.shape_cast %get3A_1565 : vector<1x16xf32> to vector<16xf32>
    %neg3A_1567 = arith.constant 0.000000e+00 : f32
    %neg3A_1568 = vector.broadcast %neg3A_1567 : f32 to vector<16xf32>
    %neg3A_1569 = arith.subf %neg3A_1568, %get3A_1566 : vector<16xf32>
    %exp3A_1570 = math.exp %neg3A_1569 : vector<16xf32>
    %add3A_1571 = arith.constant 1.000000e+00 : f32
    %add3A_1572 = vector.broadcast %add3A_1571 : f32 to vector<16xf32>
    %add3A_1573 = arith.addf %add3A_1572, %exp3A_1570 : vector<16xf32>
    %div3A_1574 = arith.constant 1.000000e+00 : f32
    %div3A_1575 = vector.broadcast %div3A_1574 : f32 to vector<16xf32>
    %div3A_1576 = arith.divf %div3A_1575, %add3A_1573 : vector<16xf32>
    %mul3A_1577 = arith.constant -1.702000e+00 : f32
    %mul3A_1578 = vector.broadcast %mul3A_1577 : f32 to vector<16xf32>
    %mul3A_1579 = arith.mulf %mul3A_1578, %get3A_1556 : vector<16xf32>
    %sub3A_1580 = arith.subf %get3A_1551, %get3A_1561 : vector<16xf32>
    %mul3A_1581 = arith.mulf %mul3A_1579, %sub3A_1580 : vector<16xf32>
    %exp3A_1582 = math.exp %mul3A_1581 : vector<16xf32>
    %add3A_1583 = arith.constant 1.000000e+00 : f32
    %add3A_1584 = vector.broadcast %add3A_1583 : f32 to vector<16xf32>
    %add3A_1585 = arith.addf %add3A_1584, %exp3A_1582 : vector<16xf32>
    %div3A_1586 = arith.constant 1.000000e+00 : f32
    %div3A_1587 = vector.broadcast %div3A_1586 : f32 to vector<16xf32>
    %div3A_1588 = arith.divf %div3A_1587, %add3A_1585 : vector<16xf32>
    %sub3A_1589 = arith.constant 1.000000e+00 : f32
    %sub3A_1590 = vector.broadcast %sub3A_1589 : f32 to vector<16xf32>
    %sub3A_1591 = arith.subf %sub3A_1590, %div3A_1576 : vector<16xf32>
    %mul3A_1592 = arith.mulf %sub3A_1591, %div3A_1588 : vector<16xf32>
    %add3A_1593 = arith.addf %div3A_1576, %mul3A_1592 : vector<16xf32>
    %swap3A_1594 = arith.constant 384 : index
    %swap3A_1595 = tpu.vector_load %arg15[%swap3A_1594] {strides = array<i32>} : memref<512xf32, #tpu.memory_space<vmem>>, vector<16xf32>,
    %swap3A_1596 = vector.shape_cast %swap3A_1595 : vector<16xf32> to vector<16xf32>
    %swap3A_1597 = vector.shape_cast %add3A_1593 : vector<16xf32> to vector<16xf32>
    tpu.vector_store %arg15[%swap3A_1594], %swap3A_1597 {strides = array<i32>} : memref<512xf32, #tpu.memory_space<vmem>>, vector<16xf32>,
    %get3A_1598 = arith.constant 0 : i32
    %get3A_1599 = arith.index_cast %get3A_1598 : i32 to index
    %get3A_1600 = arith.constant 400 : index
    %get3A_1601 = tpu.vector_load %arg11[%get3A_1599, %get3A_1600] {strides = array<i32>} : memref<1x512xf32, #tpu.memory_space<vmem>>, vector<1x16xf32>,
    %get3A_1602 = vector.shape_cast %get3A_1601 : vector<1x16xf32> to vector<16xf32>
    %get3A_1603 = arith.constant 0 : i32
    %get3A_1604 = arith.index_cast %get3A_1603 : i32 to index
    %get3A_1605 = arith.constant 400 : index
    %get3A_1606 = tpu.vector_load %arg12[%get3A_1604, %get3A_1605] {strides = array<i32>} : memref<1x512xf32, #tpu.memory_space<vmem>>, vector<1x16xf32>,
    %get3A_1607 = vector.shape_cast %get3A_1606 : vector<1x16xf32> to vector<16xf32>
    %get3A_1608 = arith.constant 0 : i32
    %get3A_1609 = arith.index_cast %get3A_1608 : i32 to index
    %get3A_1610 = arith.constant 400 : index
    %get3A_1611 = tpu.vector_load %arg13[%get3A_1609, %get3A_1610] {strides = array<i32>} : memref<1x512xf32, #tpu.memory_space<vmem>>, vector<1x16xf32>,
    %get3A_1612 = vector.shape_cast %get3A_1611 : vector<1x16xf32> to vector<16xf32>
    %get3A_1613 = arith.constant 0 : i32
    %get3A_1614 = arith.index_cast %get3A_1613 : i32 to index
    %get3A_1615 = arith.constant 400 : index
    %get3A_1616 = tpu.vector_load %arg14[%get3A_1614, %get3A_1615] {strides = array<i32>} : memref<1x512xf32, #tpu.memory_space<vmem>>, vector<1x16xf32>,
    %get3A_1617 = vector.shape_cast %get3A_1616 : vector<1x16xf32> to vector<16xf32>
    %neg3A_1618 = arith.constant 0.000000e+00 : f32
    %neg3A_1619 = vector.broadcast %neg3A_1618 : f32 to vector<16xf32>
    %neg3A_1620 = arith.subf %neg3A_1619, %get3A_1617 : vector<16xf32>
    %exp3A_1621 = math.exp %neg3A_1620 : vector<16xf32>
    %add3A_1622 = arith.constant 1.000000e+00 : f32
    %add3A_1623 = vector.broadcast %add3A_1622 : f32 to vector<16xf32>
    %add3A_1624 = arith.addf %add3A_1623, %exp3A_1621 : vector<16xf32>
    %div3A_1625 = arith.constant 1.000000e+00 : f32
    %div3A_1626 = vector.broadcast %div3A_1625 : f32 to vector<16xf32>
    %div3A_1627 = arith.divf %div3A_1626, %add3A_1624 : vector<16xf32>
    %mul3A_1628 = arith.constant -1.702000e+00 : f32
    %mul3A_1629 = vector.broadcast %mul3A_1628 : f32 to vector<16xf32>
    %mul3A_1630 = arith.mulf %mul3A_1629, %get3A_1607 : vector<16xf32>
    %sub3A_1631 = arith.subf %get3A_1602, %get3A_1612 : vector<16xf32>
    %mul3A_1632 = arith.mulf %mul3A_1630, %sub3A_1631 : vector<16xf32>
    %exp3A_1633 = math.exp %mul3A_1632 : vector<16xf32>
    %add3A_1634 = arith.constant 1.000000e+00 : f32
    %add3A_1635 = vector.broadcast %add3A_1634 : f32 to vector<16xf32>
    %add3A_1636 = arith.addf %add3A_1635, %exp3A_1633 : vector<16xf32>
    %div3A_1637 = arith.constant 1.000000e+00 : f32
    %div3A_1638 = vector.broadcast %div3A_1637 : f32 to vector<16xf32>
    %div3A_1639 = arith.divf %div3A_1638, %add3A_1636 : vector<16xf32>
    %sub3A_1640 = arith.constant 1.000000e+00 : f32
    %sub3A_1641 = vector.broadcast %sub3A_1640 : f32 to vector<16xf32>
    %sub3A_1642 = arith.subf %sub3A_1641, %div3A_1627 : vector<16xf32>
    %mul3A_1643 = arith.mulf %sub3A_1642, %div3A_1639 : vector<16xf32>
    %add3A_1644 = arith.addf %div3A_1627, %mul3A_1643 : vector<16xf32>
    %swap3A_1645 = arith.constant 400 : index
    %swap3A_1646 = tpu.vector_load %arg15[%swap3A_1645] {strides = array<i32>} : memref<512xf32, #tpu.memory_space<vmem>>, vector<16xf32>,
    %swap3A_1647 = vector.shape_cast %swap3A_1646 : vector<16xf32> to vector<16xf32>
    %swap3A_1648 = vector.shape_cast %add3A_1644 : vector<16xf32> to vector<16xf32>
    tpu.vector_store %arg15[%swap3A_1645], %swap3A_1648 {strides = array<i32>} : memref<512xf32, #tpu.memory_space<vmem>>, vector<16xf32>,
    %get3A_1649 = arith.constant 0 : i32
    %get3A_1650 = arith.index_cast %get3A_1649 : i32 to index
    %get3A_1651 = arith.constant 416 : index
    %get3A_1652 = tpu.vector_load %arg11[%get3A_1650, %get3A_1651] {strides = array<i32>} : memref<1x512xf32, #tpu.memory_space<vmem>>, vector<1x16xf32>,
    %get3A_1653 = vector.shape_cast %get3A_1652 : vector<1x16xf32> to vector<16xf32>
    %get3A_1654 = arith.constant 0 : i32
    %get3A_1655 = arith.index_cast %get3A_1654 : i32 to index
    %get3A_1656 = arith.constant 416 : index
    %get3A_1657 = tpu.vector_load %arg12[%get3A_1655, %get3A_1656] {strides = array<i32>} : memref<1x512xf32, #tpu.memory_space<vmem>>, vector<1x16xf32>,
    %get3A_1658 = vector.shape_cast %get3A_1657 : vector<1x16xf32> to vector<16xf32>
    %get3A_1659 = arith.constant 0 : i32
    %get3A_1660 = arith.index_cast %get3A_1659 : i32 to index
    %get3A_1661 = arith.constant 416 : index
    %get3A_1662 = tpu.vector_load %arg13[%get3A_1660, %get3A_1661] {strides = array<i32>} : memref<1x512xf32, #tpu.memory_space<vmem>>, vector<1x16xf32>,
    %get3A_1663 = vector.shape_cast %get3A_1662 : vector<1x16xf32> to vector<16xf32>
    %get3A_1664 = arith.constant 0 : i32
    %get3A_1665 = arith.index_cast %get3A_1664 : i32 to index
    %get3A_1666 = arith.constant 416 : index
    %get3A_1667 = tpu.vector_load %arg14[%get3A_1665, %get3A_1666] {strides = array<i32>} : memref<1x512xf32, #tpu.memory_space<vmem>>, vector<1x16xf32>,
    %get3A_1668 = vector.shape_cast %get3A_1667 : vector<1x16xf32> to vector<16xf32>
    %neg3A_1669 = arith.constant 0.000000e+00 : f32
    %neg3A_1670 = vector.broadcast %neg3A_1669 : f32 to vector<16xf32>
    %neg3A_1671 = arith.subf %neg3A_1670, %get3A_1668 : vector<16xf32>
    %exp3A_1672 = math.exp %neg3A_1671 : vector<16xf32>
    %add3A_1673 = arith.constant 1.000000e+00 : f32
    %add3A_1674 = vector.broadcast %add3A_1673 : f32 to vector<16xf32>
    %add3A_1675 = arith.addf %add3A_1674, %exp3A_1672 : vector<16xf32>
    %div3A_1676 = arith.constant 1.000000e+00 : f32
    %div3A_1677 = vector.broadcast %div3A_1676 : f32 to vector<16xf32>
    %div3A_1678 = arith.divf %div3A_1677, %add3A_1675 : vector<16xf32>
    %mul3A_1679 = arith.constant -1.702000e+00 : f32
    %mul3A_1680 = vector.broadcast %mul3A_1679 : f32 to vector<16xf32>
    %mul3A_1681 = arith.mulf %mul3A_1680, %get3A_1658 : vector<16xf32>
    %sub3A_1682 = arith.subf %get3A_1653, %get3A_1663 : vector<16xf32>
    %mul3A_1683 = arith.mulf %mul3A_1681, %sub3A_1682 : vector<16xf32>
    %exp3A_1684 = math.exp %mul3A_1683 : vector<16xf32>
    %add3A_1685 = arith.constant 1.000000e+00 : f32
    %add3A_1686 = vector.broadcast %add3A_1685 : f32 to vector<16xf32>
    %add3A_1687 = arith.addf %add3A_1686, %exp3A_1684 : vector<16xf32>
    %div3A_1688 = arith.constant 1.000000e+00 : f32
    %div3A_1689 = vector.broadcast %div3A_1688 : f32 to vector<16xf32>
    %div3A_1690 = arith.divf %div3A_1689, %add3A_1687 : vector<16xf32>
    %sub3A_1691 = arith.constant 1.000000e+00 : f32
    %sub3A_1692 = vector.broadcast %sub3A_1691 : f32 to vector<16xf32>
    %sub3A_1693 = arith.subf %sub3A_1692, %div3A_1678 : vector<16xf32>
    %mul3A_1694 = arith.mulf %sub3A_1693, %div3A_1690 : vector<16xf32>
    %add3A_1695 = arith.addf %div3A_1678, %mul3A_1694 : vector<16xf32>
    %swap3A_1696 = arith.constant 416 : index
    %swap3A_1697 = tpu.vector_load %arg15[%swap3A_1696] {strides = array<i32>} : memref<512xf32, #tpu.memory_space<vmem>>, vector<16xf32>,
    %swap3A_1698 = vector.shape_cast %swap3A_1697 : vector<16xf32> to vector<16xf32>
    %swap3A_1699 = vector.shape_cast %add3A_1695 : vector<16xf32> to vector<16xf32>
    tpu.vector_store %arg15[%swap3A_1696], %swap3A_1699 {strides = array<i32>} : memref<512xf32, #tpu.memory_space<vmem>>, vector<16xf32>,
    %get3A_1700 = arith.constant 0 : i32
    %get3A_1701 = arith.index_cast %get3A_1700 : i32 to index
    %get3A_1702 = arith.constant 432 : index
    %get3A_1703 = tpu.vector_load %arg11[%get3A_1701, %get3A_1702] {strides = array<i32>} : memref<1x512xf32, #tpu.memory_space<vmem>>, vector<1x16xf32>,
    %get3A_1704 = vector.shape_cast %get3A_1703 : vector<1x16xf32> to vector<16xf32>
    %get3A_1705 = arith.constant 0 : i32
    %get3A_1706 = arith.index_cast %get3A_1705 : i32 to index
    %get3A_1707 = arith.constant 432 : index
    %get3A_1708 = tpu.vector_load %arg12[%get3A_1706, %get3A_1707] {strides = array<i32>} : memref<1x512xf32, #tpu.memory_space<vmem>>, vector<1x16xf32>,
    %get3A_1709 = vector.shape_cast %get3A_1708 : vector<1x16xf32> to vector<16xf32>
    %get3A_1710 = arith.constant 0 : i32
    %get3A_1711 = arith.index_cast %get3A_1710 : i32 to index
    %get3A_1712 = arith.constant 432 : index
    %get3A_1713 = tpu.vector_load %arg13[%get3A_1711, %get3A_1712] {strides = array<i32>} : memref<1x512xf32, #tpu.memory_space<vmem>>, vector<1x16xf32>,
    %get3A_1714 = vector.shape_cast %get3A_1713 : vector<1x16xf32> to vector<16xf32>
    %get3A_1715 = arith.constant 0 : i32
    %get3A_1716 = arith.index_cast %get3A_1715 : i32 to index
    %get3A_1717 = arith.constant 432 : index
    %get3A_1718 = tpu.vector_load %arg14[%get3A_1716, %get3A_1717] {strides = array<i32>} : memref<1x512xf32, #tpu.memory_space<vmem>>, vector<1x16xf32>,
    %get3A_1719 = vector.shape_cast %get3A_1718 : vector<1x16xf32> to vector<16xf32>
    %neg3A_1720 = arith.constant 0.000000e+00 : f32
    %neg3A_1721 = vector.broadcast %neg3A_1720 : f32 to vector<16xf32>
    %neg3A_1722 = arith.subf %neg3A_1721, %get3A_1719 : vector<16xf32>
    %exp3A_1723 = math.exp %neg3A_1722 : vector<16xf32>
    %add3A_1724 = arith.constant 1.000000e+00 : f32
    %add3A_1725 = vector.broadcast %add3A_1724 : f32 to vector<16xf32>
    %add3A_1726 = arith.addf %add3A_1725, %exp3A_1723 : vector<16xf32>
    %div3A_1727 = arith.constant 1.000000e+00 : f32
    %div3A_1728 = vector.broadcast %div3A_1727 : f32 to vector<16xf32>
    %div3A_1729 = arith.divf %div3A_1728, %add3A_1726 : vector<16xf32>
    %mul3A_1730 = arith.constant -1.702000e+00 : f32
    %mul3A_1731 = vector.broadcast %mul3A_1730 : f32 to vector<16xf32>
    %mul3A_1732 = arith.mulf %mul3A_1731, %get3A_1709 : vector<16xf32>
    %sub3A_1733 = arith.subf %get3A_1704, %get3A_1714 : vector<16xf32>
    %mul3A_1734 = arith.mulf %mul3A_1732, %sub3A_1733 : vector<16xf32>
    %exp3A_1735 = math.exp %mul3A_1734 : vector<16xf32>
    %add3A_1736 = arith.constant 1.000000e+00 : f32
    %add3A_1737 = vector.broadcast %add3A_1736 : f32 to vector<16xf32>
    %add3A_1738 = arith.addf %add3A_1737, %exp3A_1735 : vector<16xf32>
    %div3A_1739 = arith.constant 1.000000e+00 : f32
    %div3A_1740 = vector.broadcast %div3A_1739 : f32 to vector<16xf32>
    %div3A_1741 = arith.divf %div3A_1740, %add3A_1738 : vector<16xf32>
    %sub3A_1742 = arith.constant 1.000000e+00 : f32
    %sub3A_1743 = vector.broadcast %sub3A_1742 : f32 to vector<16xf32>
    %sub3A_1744 = arith.subf %sub3A_1743, %div3A_1729 : vector<16xf32>
    %mul3A_1745 = arith.mulf %sub3A_1744, %div3A_1741 : vector<16xf32>
    %add3A_1746 = arith.addf %div3A_1729, %mul3A_1745 : vector<16xf32>
    %swap3A_1747 = arith.constant 432 : index
    %swap3A_1748 = tpu.vector_load %arg15[%swap3A_1747] {strides = array<i32>} : memref<512xf32, #tpu.memory_space<vmem>>, vector<16xf32>,
    %swap3A_1749 = vector.shape_cast %swap3A_1748 : vector<16xf32> to vector<16xf32>
    %swap3A_1750 = vector.shape_cast %add3A_1746 : vector<16xf32> to vector<16xf32>
    tpu.vector_store %arg15[%swap3A_1747], %swap3A_1750 {strides = array<i32>} : memref<512xf32, #tpu.memory_space<vmem>>, vector<16xf32>,
    %get3A_1751 = arith.constant 0 : i32
    %get3A_1752 = arith.index_cast %get3A_1751 : i32 to index
    %get3A_1753 = arith.constant 448 : index
    %get3A_1754 = tpu.vector_load %arg11[%get3A_1752, %get3A_1753] {strides = array<i32>} : memref<1x512xf32, #tpu.memory_space<vmem>>, vector<1x16xf32>,
    %get3A_1755 = vector.shape_cast %get3A_1754 : vector<1x16xf32> to vector<16xf32>
    %get3A_1756 = arith.constant 0 : i32
    %get3A_1757 = arith.index_cast %get3A_1756 : i32 to index
    %get3A_1758 = arith.constant 448 : index
    %get3A_1759 = tpu.vector_load %arg12[%get3A_1757, %get3A_1758] {strides = array<i32>} : memref<1x512xf32, #tpu.memory_space<vmem>>, vector<1x16xf32>,
    %get3A_1760 = vector.shape_cast %get3A_1759 : vector<1x16xf32> to vector<16xf32>
    %get3A_1761 = arith.constant 0 : i32
    %get3A_1762 = arith.index_cast %get3A_1761 : i32 to index
    %get3A_1763 = arith.constant 448 : index
    %get3A_1764 = tpu.vector_load %arg13[%get3A_1762, %get3A_1763] {strides = array<i32>} : memref<1x512xf32, #tpu.memory_space<vmem>>, vector<1x16xf32>,
    %get3A_1765 = vector.shape_cast %get3A_1764 : vector<1x16xf32> to vector<16xf32>
    %get3A_1766 = arith.constant 0 : i32
    %get3A_1767 = arith.index_cast %get3A_1766 : i32 to index
    %get3A_1768 = arith.constant 448 : index
    %get3A_1769 = tpu.vector_load %arg14[%get3A_1767, %get3A_1768] {strides = array<i32>} : memref<1x512xf32, #tpu.memory_space<vmem>>, vector<1x16xf32>,
    %get3A_1770 = vector.shape_cast %get3A_1769 : vector<1x16xf32> to vector<16xf32>
    %neg3A_1771 = arith.constant 0.000000e+00 : f32
    %neg3A_1772 = vector.broadcast %neg3A_1771 : f32 to vector<16xf32>
    %neg3A_1773 = arith.subf %neg3A_1772, %get3A_1770 : vector<16xf32>
    %exp3A_1774 = math.exp %neg3A_1773 : vector<16xf32>
    %add3A_1775 = arith.constant 1.000000e+00 : f32
    %add3A_1776 = vector.broadcast %add3A_1775 : f32 to vector<16xf32>
    %add3A_1777 = arith.addf %add3A_1776, %exp3A_1774 : vector<16xf32>
    %div3A_1778 = arith.constant 1.000000e+00 : f32
    %div3A_1779 = vector.broadcast %div3A_1778 : f32 to vector<16xf32>
    %div3A_1780 = arith.divf %div3A_1779, %add3A_1777 : vector<16xf32>
    %mul3A_1781 = arith.constant -1.702000e+00 : f32
    %mul3A_1782 = vector.broadcast %mul3A_1781 : f32 to vector<16xf32>
    %mul3A_1783 = arith.mulf %mul3A_1782, %get3A_1760 : vector<16xf32>
    %sub3A_1784 = arith.subf %get3A_1755, %get3A_1765 : vector<16xf32>
    %mul3A_1785 = arith.mulf %mul3A_1783, %sub3A_1784 : vector<16xf32>
    %exp3A_1786 = math.exp %mul3A_1785 : vector<16xf32>
    %add3A_1787 = arith.constant 1.000000e+00 : f32
    %add3A_1788 = vector.broadcast %add3A_1787 : f32 to vector<16xf32>
    %add3A_1789 = arith.addf %add3A_1788, %exp3A_1786 : vector<16xf32>
    %div3A_1790 = arith.constant 1.000000e+00 : f32
    %div3A_1791 = vector.broadcast %div3A_1790 : f32 to vector<16xf32>
    %div3A_1792 = arith.divf %div3A_1791, %add3A_1789 : vector<16xf32>
    %sub3A_1793 = arith.constant 1.000000e+00 : f32
    %sub3A_1794 = vector.broadcast %sub3A_1793 : f32 to vector<16xf32>
    %sub3A_1795 = arith.subf %sub3A_1794, %div3A_1780 : vector<16xf32>
    %mul3A_1796 = arith.mulf %sub3A_1795, %div3A_1792 : vector<16xf32>
    %add3A_1797 = arith.addf %div3A_1780, %mul3A_1796 : vector<16xf32>
    %swap3A_1798 = arith.constant 448 : index
    %swap3A_1799 = tpu.vector_load %arg15[%swap3A_1798] {strides = array<i32>} : memref<512xf32, #tpu.memory_space<vmem>>, vector<16xf32>,
    %swap3A_1800 = vector.shape_cast %swap3A_1799 : vector<16xf32> to vector<16xf32>
    %swap3A_1801 = vector.shape_cast %add3A_1797 : vector<16xf32> to vector<16xf32>
    tpu.vector_store %arg15[%swap3A_1798], %swap3A_1801 {strides = array<i32>} : memref<512xf32, #tpu.memory_space<vmem>>, vector<16xf32>,
    %get3A_1802 = arith.constant 0 : i32
    %get3A_1803 = arith.index_cast %get3A_1802 : i32 to index
    %get3A_1804 = arith.constant 464 : index
    %get3A_1805 = tpu.vector_load %arg11[%get3A_1803, %get3A_1804] {strides = array<i32>} : memref<1x512xf32, #tpu.memory_space<vmem>>, vector<1x16xf32>,
    %get3A_1806 = vector.shape_cast %get3A_1805 : vector<1x16xf32> to vector<16xf32>
    %get3A_1807 = arith.constant 0 : i32
    %get3A_1808 = arith.index_cast %get3A_1807 : i32 to index
    %get3A_1809 = arith.constant 464 : index
    %get3A_1810 = tpu.vector_load %arg12[%get3A_1808, %get3A_1809] {strides = array<i32>} : memref<1x512xf32, #tpu.memory_space<vmem>>, vector<1x16xf32>,
    %get3A_1811 = vector.shape_cast %get3A_1810 : vector<1x16xf32> to vector<16xf32>
    %get3A_1812 = arith.constant 0 : i32
    %get3A_1813 = arith.index_cast %get3A_1812 : i32 to index
    %get3A_1814 = arith.constant 464 : index
    %get3A_1815 = tpu.vector_load %arg13[%get3A_1813, %get3A_1814] {strides = array<i32>} : memref<1x512xf32, #tpu.memory_space<vmem>>, vector<1x16xf32>,
    %get3A_1816 = vector.shape_cast %get3A_1815 : vector<1x16xf32> to vector<16xf32>
    %get3A_1817 = arith.constant 0 : i32
    %get3A_1818 = arith.index_cast %get3A_1817 : i32 to index
    %get3A_1819 = arith.constant 464 : index
    %get3A_1820 = tpu.vector_load %arg14[%get3A_1818, %get3A_1819] {strides = array<i32>} : memref<1x512xf32, #tpu.memory_space<vmem>>, vector<1x16xf32>,
    %get3A_1821 = vector.shape_cast %get3A_1820 : vector<1x16xf32> to vector<16xf32>
    %neg3A_1822 = arith.constant 0.000000e+00 : f32
    %neg3A_1823 = vector.broadcast %neg3A_1822 : f32 to vector<16xf32>
    %neg3A_1824 = arith.subf %neg3A_1823, %get3A_1821 : vector<16xf32>
    %exp3A_1825 = math.exp %neg3A_1824 : vector<16xf32>
    %add3A_1826 = arith.constant 1.000000e+00 : f32
    %add3A_1827 = vector.broadcast %add3A_1826 : f32 to vector<16xf32>
    %add3A_1828 = arith.addf %add3A_1827, %exp3A_1825 : vector<16xf32>
    %div3A_1829 = arith.constant 1.000000e+00 : f32
    %div3A_1830 = vector.broadcast %div3A_1829 : f32 to vector<16xf32>
    %div3A_1831 = arith.divf %div3A_1830, %add3A_1828 : vector<16xf32>
    %mul3A_1832 = arith.constant -1.702000e+00 : f32
    %mul3A_1833 = vector.broadcast %mul3A_1832 : f32 to vector<16xf32>
    %mul3A_1834 = arith.mulf %mul3A_1833, %get3A_1811 : vector<16xf32>
    %sub3A_1835 = arith.subf %get3A_1806, %get3A_1816 : vector<16xf32>
    %mul3A_1836 = arith.mulf %mul3A_1834, %sub3A_1835 : vector<16xf32>
    %exp3A_1837 = math.exp %mul3A_1836 : vector<16xf32>
    %add3A_1838 = arith.constant 1.000000e+00 : f32
    %add3A_1839 = vector.broadcast %add3A_1838 : f32 to vector<16xf32>
    %add3A_1840 = arith.addf %add3A_1839, %exp3A_1837 : vector<16xf32>
    %div3A_1841 = arith.constant 1.000000e+00 : f32
    %div3A_1842 = vector.broadcast %div3A_1841 : f32 to vector<16xf32>
    %div3A_1843 = arith.divf %div3A_1842, %add3A_1840 : vector<16xf32>
    %sub3A_1844 = arith.constant 1.000000e+00 : f32
    %sub3A_1845 = vector.broadcast %sub3A_1844 : f32 to vector<16xf32>
    %sub3A_1846 = arith.subf %sub3A_1845, %div3A_1831 : vector<16xf32>
    %mul3A_1847 = arith.mulf %sub3A_1846, %div3A_1843 : vector<16xf32>
    %add3A_1848 = arith.addf %div3A_1831, %mul3A_1847 : vector<16xf32>
    %swap3A_1849 = arith.constant 464 : index
    %swap3A_1850 = tpu.vector_load %arg15[%swap3A_1849] {strides = array<i32>} : memref<512xf32, #tpu.memory_space<vmem>>, vector<16xf32>,
    %swap3A_1851 = vector.shape_cast %swap3A_1850 : vector<16xf32> to vector<16xf32>
    %swap3A_1852 = vector.shape_cast %add3A_1848 : vector<16xf32> to vector<16xf32>
    tpu.vector_store %arg15[%swap3A_1849], %swap3A_1852 {strides = array<i32>} : memref<512xf32, #tpu.memory_space<vmem>>, vector<16xf32>,
    %get3A_1853 = arith.constant 0 : i32
    %get3A_1854 = arith.index_cast %get3A_1853 : i32 to index
    %get3A_1855 = arith.constant 480 : index
    %get3A_1856 = tpu.vector_load %arg11[%get3A_1854, %get3A_1855] {strides = array<i32>} : memref<1x512xf32, #tpu.memory_space<vmem>>, vector<1x16xf32>,
    %get3A_1857 = vector.shape_cast %get3A_1856 : vector<1x16xf32> to vector<16xf32>
    %get3A_1858 = arith.constant 0 : i32
    %get3A_1859 = arith.index_cast %get3A_1858 : i32 to index
    %get3A_1860 = arith.constant 480 : index
    %get3A_1861 = tpu.vector_load %arg12[%get3A_1859, %get3A_1860] {strides = array<i32>} : memref<1x512xf32, #tpu.memory_space<vmem>>, vector<1x16xf32>,
    %get3A_1862 = vector.shape_cast %get3A_1861 : vector<1x16xf32> to vector<16xf32>
    %get3A_1863 = arith.constant 0 : i32
    %get3A_1864 = arith.index_cast %get3A_1863 : i32 to index
    %get3A_1865 = arith.constant 480 : index
    %get3A_1866 = tpu.vector_load %arg13[%get3A_1864, %get3A_1865] {strides = array<i32>} : memref<1x512xf32, #tpu.memory_space<vmem>>, vector<1x16xf32>,
    %get3A_1867 = vector.shape_cast %get3A_1866 : vector<1x16xf32> to vector<16xf32>
    %get3A_1868 = arith.constant 0 : i32
    %get3A_1869 = arith.index_cast %get3A_1868 : i32 to index
    %get3A_1870 = arith.constant 480 : index
    %get3A_1871 = tpu.vector_load %arg14[%get3A_1869, %get3A_1870] {strides = array<i32>} : memref<1x512xf32, #tpu.memory_space<vmem>>, vector<1x16xf32>,
    %get3A_1872 = vector.shape_cast %get3A_1871 : vector<1x16xf32> to vector<16xf32>
    %neg3A_1873 = arith.constant 0.000000e+00 : f32
    %neg3A_1874 = vector.broadcast %neg3A_1873 : f32 to vector<16xf32>
    %neg3A_1875 = arith.subf %neg3A_1874, %get3A_1872 : vector<16xf32>
    %exp3A_1876 = math.exp %neg3A_1875 : vector<16xf32>
    %add3A_1877 = arith.constant 1.000000e+00 : f32
    %add3A_1878 = vector.broadcast %add3A_1877 : f32 to vector<16xf32>
    %add3A_1879 = arith.addf %add3A_1878, %exp3A_1876 : vector<16xf32>
    %div3A_1880 = arith.constant 1.000000e+00 : f32
    %div3A_1881 = vector.broadcast %div3A_1880 : f32 to vector<16xf32>
    %div3A_1882 = arith.divf %div3A_1881, %add3A_1879 : vector<16xf32>
    %mul3A_1883 = arith.constant -1.702000e+00 : f32
    %mul3A_1884 = vector.broadcast %mul3A_1883 : f32 to vector<16xf32>
    %mul3A_1885 = arith.mulf %mul3A_1884, %get3A_1862 : vector<16xf32>
    %sub3A_1886 = arith.subf %get3A_1857, %get3A_1867 : vector<16xf32>
    %mul3A_1887 = arith.mulf %mul3A_1885, %sub3A_1886 : vector<16xf32>
    %exp3A_1888 = math.exp %mul3A_1887 : vector<16xf32>
    %add3A_1889 = arith.constant 1.000000e+00 : f32
    %add3A_1890 = vector.broadcast %add3A_1889 : f32 to vector<16xf32>
    %add3A_1891 = arith.addf %add3A_1890, %exp3A_1888 : vector<16xf32>
    %div3A_1892 = arith.constant 1.000000e+00 : f32
    %div3A_1893 = vector.broadcast %div3A_1892 : f32 to vector<16xf32>
    %div3A_1894 = arith.divf %div3A_1893, %add3A_1891 : vector<16xf32>
    %sub3A_1895 = arith.constant 1.000000e+00 : f32
    %sub3A_1896 = vector.broadcast %sub3A_1895 : f32 to vector<16xf32>
    %sub3A_1897 = arith.subf %sub3A_1896, %div3A_1882 : vector<16xf32>
    %mul3A_1898 = arith.mulf %sub3A_1897, %div3A_1894 : vector<16xf32>
    %add3A_1899 = arith.addf %div3A_1882, %mul3A_1898 : vector<16xf32>
    %swap3A_1900 = arith.constant 480 : index
    %swap3A_1901 = tpu.vector_load %arg15[%swap3A_1900] {strides = array<i32>} : memref<512xf32, #tpu.memory_space<vmem>>, vector<16xf32>,
    %swap3A_1902 = vector.shape_cast %swap3A_1901 : vector<16xf32> to vector<16xf32>
    %swap3A_1903 = vector.shape_cast %add3A_1899 : vector<16xf32> to vector<16xf32>
    tpu.vector_store %arg15[%swap3A_1900], %swap3A_1903 {strides = array<i32>} : memref<512xf32, #tpu.memory_space<vmem>>, vector<16xf32>,
    %get3A_1904 = arith.constant 0 : i32
    %get3A_1905 = arith.index_cast %get3A_1904 : i32 to index
    %get3A_1906 = arith.constant 496 : index
    %get3A_1907 = tpu.vector_load %arg11[%get3A_1905, %get3A_1906] {strides = array<i32>} : memref<1x512xf32, #tpu.memory_space<vmem>>, vector<1x16xf32>,
    %get3A_1908 = vector.shape_cast %get3A_1907 : vector<1x16xf32> to vector<16xf32>
    %get3A_1909 = arith.constant 0 : i32
    %get3A_1910 = arith.index_cast %get3A_1909 : i32 to index
    %get3A_1911 = arith.constant 496 : index
    %get3A_1912 = tpu.vector_load %arg12[%get3A_1910, %get3A_1911] {strides = array<i32>} : memref<1x512xf32, #tpu.memory_space<vmem>>, vector<1x16xf32>,
    %get3A_1913 = vector.shape_cast %get3A_1912 : vector<1x16xf32> to vector<16xf32>
    %get3A_1914 = arith.constant 0 : i32
    %get3A_1915 = arith.index_cast %get3A_1914 : i32 to index
    %get3A_1916 = arith.constant 496 : index
    %get3A_1917 = tpu.vector_load %arg13[%get3A_1915, %get3A_1916] {strides = array<i32>} : memref<1x512xf32, #tpu.memory_space<vmem>>, vector<1x16xf32>,
    %get3A_1918 = vector.shape_cast %get3A_1917 : vector<1x16xf32> to vector<16xf32>
    %get3A_1919 = arith.constant 0 : i32
    %get3A_1920 = arith.index_cast %get3A_1919 : i32 to index
    %get3A_1921 = arith.constant 496 : index
    %get3A_1922 = tpu.vector_load %arg14[%get3A_1920, %get3A_1921] {strides = array<i32>} : memref<1x512xf32, #tpu.memory_space<vmem>>, vector<1x16xf32>,
    %get3A_1923 = vector.shape_cast %get3A_1922 : vector<1x16xf32> to vector<16xf32>
    %neg3A_1924 = arith.constant 0.000000e+00 : f32
    %neg3A_1925 = vector.broadcast %neg3A_1924 : f32 to vector<16xf32>
    %neg3A_1926 = arith.subf %neg3A_1925, %get3A_1923 : vector<16xf32>
    %exp3A_1927 = math.exp %neg3A_1926 : vector<16xf32>
    %add3A_1928 = arith.constant 1.000000e+00 : f32
    %add3A_1929 = vector.broadcast %add3A_1928 : f32 to vector<16xf32>
    %add3A_1930 = arith.addf %add3A_1929, %exp3A_1927 : vector<16xf32>
    %div3A_1931 = arith.constant 1.000000e+00 : f32
    %div3A_1932 = vector.broadcast %div3A_1931 : f32 to vector<16xf32>
    %div3A_1933 = arith.divf %div3A_1932, %add3A_1930 : vector<16xf32>
    %mul3A_1934 = arith.constant -1.702000e+00 : f32
    %mul3A_1935 = vector.broadcast %mul3A_1934 : f32 to vector<16xf32>
    %mul3A_1936 = arith.mulf %mul3A_1935, %get3A_1913 : vector<16xf32>
    %sub3A_1937 = arith.subf %get3A_1908, %get3A_1918 : vector<16xf32>
    %mul3A_1938 = arith.mulf %mul3A_1936, %sub3A_1937 : vector<16xf32>
    %exp3A_1939 = math.exp %mul3A_1938 : vector<16xf32>
    %add3A_1940 = arith.constant 1.000000e+00 : f32
    %add3A_1941 = vector.broadcast %add3A_1940 : f32 to vector<16xf32>
    %add3A_1942 = arith.addf %add3A_1941, %exp3A_1939 : vector<16xf32>
    %div3A_1943 = arith.constant 1.000000e+00 : f32
    %div3A_1944 = vector.broadcast %div3A_1943 : f32 to vector<16xf32>
    %div3A_1945 = arith.divf %div3A_1944, %add3A_1942 : vector<16xf32>
    %sub3A_1946 = arith.constant 1.000000e+00 : f32
    %sub3A_1947 = vector.broadcast %sub3A_1946 : f32 to vector<16xf32>
    %sub3A_1948 = arith.subf %sub3A_1947, %div3A_1933 : vector<16xf32>
    %mul3A_1949 = arith.mulf %sub3A_1948, %div3A_1945 : vector<16xf32>
    %add3A_1950 = arith.addf %div3A_1933, %mul3A_1949 : vector<16xf32>
    %swap3A_1951 = arith.constant 496 : index
    %swap3A_1952 = tpu.vector_load %arg15[%swap3A_1951] {strides = array<i32>} : memref<512xf32, #tpu.memory_space<vmem>>, vector<16xf32>,
    %swap3A_1953 = vector.shape_cast %swap3A_1952 : vector<16xf32> to vector<16xf32>
    %swap3A_1954 = vector.shape_cast %add3A_1950 : vector<16xf32> to vector<16xf32>
    tpu.vector_store %arg15[%swap3A_1951], %swap3A_1954 {strides = array<i32>} : memref<512xf32, #tpu.memory_space<vmem>>, vector<16xf32>,
    %add3A_1955 = arith.constant 384 : i32
    %add3A_1956 = arith.addi %mul3A_2, %add3A_1955 : i32
    %dma_start3A_1957 = arith.constant 384 : i32
    %dma_start3A_1958 = tpu.memref_slice %arg15[%dma_start3A_1957] : memref<512xf32, #tpu.memory_space<vmem>> -> memref<128xf32, #tpu.memory_space<vmem>>
    %dma_start3A_1959 = tpu.memref_slice %arg8[%add3A_1956] : memref<16384xf32, #tpu.memory_space<hbm>> -> memref<128xf32, #tpu.memory_space<hbm>>
    %dma_start3A_1960 = tpu.memref_slice %arg8[%add3A_1956] : memref<16384xf32, #tpu.memory_space<hbm>> -> memref<128xf32, #tpu.memory_space<hbm>>
    %dma_start3A_1961 = arith.constant 384 : i32
    %dma_start3A_1962 = tpu.memref_slice %arg15[%dma_start3A_1961] : memref<512xf32, #tpu.memory_space<vmem>> -> memref<128xf32, #tpu.memory_space<vmem>>
    tpu.enqueue_dma source(%dma_start3A_1962 : memref<128xf32, #tpu.memory_space<vmem>>) target(%dma_start3A_1960 : memref<128xf32, #tpu.memory_space<hbm>>) target_semaphore(%arg17 : memref<!tpu.dma_semaphore, #tpu.memory_space<semaphore_mem>>)
    %dma_wait3A_1963 = arith.constant 0 : i32
    %dma_wait3A_1964 = tpu.memref_slice %arg15[%dma_wait3A_1963] : memref<512xf32, #tpu.memory_space<vmem>> -> memref<128xf32, #tpu.memory_space<vmem>>
    %dma_wait3A_1965 = tpu.memref_slice %arg8[%add3A_600] : memref<16384xf32, #tpu.memory_space<hbm>> -> memref<128xf32, #tpu.memory_space<hbm>>
    %dma_wait3A_1966 = tpu.memref_slice %arg8[%add3A_600] : memref<16384xf32, #tpu.memory_space<hbm>> -> memref<128xf32, #tpu.memory_space<hbm>>
    %dma_wait3A_1967 = arith.constant 0 : i32
    %dma_wait3A_1968 = tpu.memref_slice %arg15[%dma_wait3A_1967] : memref<512xf32, #tpu.memory_space<vmem>> -> memref<128xf32, #tpu.memory_space<vmem>>
    tpu.wait_dma2 semaphore(%arg17 : memref<!tpu.dma_semaphore, #tpu.memory_space<semaphore_mem>>) src(%dma_wait3A_1968 : memref<128xf32, #tpu.memory_space<vmem>>) dst(%dma_wait3A_1966 : memref<128xf32, #tpu.memory_space<hbm>>)
    %dma_wait3A_1969 = arith.constant 128 : i32
    %dma_wait3A_1970 = tpu.memref_slice %arg15[%dma_wait3A_1969] : memref<512xf32, #tpu.memory_space<vmem>> -> memref<128xf32, #tpu.memory_space<vmem>>
    %dma_wait3A_1971 = tpu.memref_slice %arg8[%add3A_1052] : memref<16384xf32, #tpu.memory_space<hbm>> -> memref<128xf32, #tpu.memory_space<hbm>>
    %dma_wait3A_1972 = tpu.memref_slice %arg8[%add3A_1052] : memref<16384xf32, #tpu.memory_space<hbm>> -> memref<128xf32, #tpu.memory_space<hbm>>
    %dma_wait3A_1973 = arith.constant 128 : i32
    %dma_wait3A_1974 = tpu.memref_slice %arg15[%dma_wait3A_1973] : memref<512xf32, #tpu.memory_space<vmem>> -> memref<128xf32, #tpu.memory_space<vmem>>
    tpu.wait_dma2 semaphore(%arg17 : memref<!tpu.dma_semaphore, #tpu.memory_space<semaphore_mem>>) src(%dma_wait3A_1974 : memref<128xf32, #tpu.memory_space<vmem>>) dst(%dma_wait3A_1972 : memref<128xf32, #tpu.memory_space<hbm>>)
    %dma_wait3A_1975 = arith.constant 256 : i32
    %dma_wait3A_1976 = tpu.memref_slice %arg15[%dma_wait3A_1975] : memref<512xf32, #tpu.memory_space<vmem>> -> memref<128xf32, #tpu.memory_space<vmem>>
    %dma_wait3A_1977 = tpu.memref_slice %arg8[%add3A_1504] : memref<16384xf32, #tpu.memory_space<hbm>> -> memref<128xf32, #tpu.memory_space<hbm>>
    %dma_wait3A_1978 = tpu.memref_slice %arg8[%add3A_1504] : memref<16384xf32, #tpu.memory_space<hbm>> -> memref<128xf32, #tpu.memory_space<hbm>>
    %dma_wait3A_1979 = arith.constant 256 : i32
    %dma_wait3A_1980 = tpu.memref_slice %arg15[%dma_wait3A_1979] : memref<512xf32, #tpu.memory_space<vmem>> -> memref<128xf32, #tpu.memory_space<vmem>>
    tpu.wait_dma2 semaphore(%arg17 : memref<!tpu.dma_semaphore, #tpu.memory_space<semaphore_mem>>) src(%dma_wait3A_1980 : memref<128xf32, #tpu.memory_space<vmem>>) dst(%dma_wait3A_1978 : memref<128xf32, #tpu.memory_space<hbm>>)
    %dma_wait3A_1981 = arith.constant 384 : i32
    %dma_wait3A_1982 = tpu.memref_slice %arg15[%dma_wait3A_1981] : memref<512xf32, #tpu.memory_space<vmem>> -> memref<128xf32, #tpu.memory_space<vmem>>
    %dma_wait3A_1983 = tpu.memref_slice %arg8[%add3A_1956] : memref<16384xf32, #tpu.memory_space<hbm>> -> memref<128xf32, #tpu.memory_space<hbm>>
    %dma_wait3A_1984 = tpu.memref_slice %arg8[%add3A_1956] : memref<16384xf32, #tpu.memory_space<hbm>> -> memref<128xf32, #tpu.memory_space<hbm>>
    %dma_wait3A_1985 = arith.constant 384 : i32
    %dma_wait3A_1986 = tpu.memref_slice %arg15[%dma_wait3A_1985] : memref<512xf32, #tpu.memory_space<vmem>> -> memref<128xf32, #tpu.memory_space<vmem>>
    tpu.wait_dma2 semaphore(%arg17 : memref<!tpu.dma_semaphore, #tpu.memory_space<semaphore_mem>>) src(%dma_wait3A_1986 : memref<128xf32, #tpu.memory_space<vmem>>) dst(%dma_wait3A_1984 : memref<128xf32, #tpu.memory_space<hbm>>)
    return
  }
}

</mosaic_0001>

<sc_bundles>
// kernel: _irt_sc.3.cloned.1.call-start
scs
__scs_entry_jumppad:
0x0: {  	(pc) =	sbr.rel $0x88, $3  }
0x1: {  	(tag) =	ssettag $0x0;
	lr =	simm.s32 $0x1  }
0x2: {  	[smem:$0x3F9B] =	sst lr;
	_ =	strace $0xD0000000  }
0x3: {  	_ = 	snop  }
0x4: {  	_ = 	snop  }
0x5: {  	_ = 	snop  }
0x6: {  	_ = 	snop  }
0x7: {  	_ = 	snop  }
__scs_overlays_trampoline_lowered:
0x8: {  	[smem:$0x3FAA] =	sst s0  }
0x9: {  	[smem:$0x3FAB] =	sst s1  }
0xa: {  	[smem:$0x3FAC] =	sst s2  }
0xb: {  	[smem:$0x3FAD] =	sst s3  }
0xc: {  	[smem:$0x3FAE] =	sst s4  }
0xd: {  	[smem:$0x3FAF] =	sst s5  }
0xe: {  	[smem:$0x3FB0] =	sst s6  }
0xf: {  	[smem:$0x3FB1] =	sst s7  }
0x10: {  	[smem:$0x3FB2] =	sst s8  }
0x11: {  	[smem:$0x3FB3] =	sst s9;
	s0 =	simm.s32 @!p0 $0x0  }
0x12: {  	s1 =	sld [smem:$0x3F99];
	s0 =	simm.s32 @p0 $0x1  }
0x13: {  	[smem:$0x3FB4] =	sst s0;
	s0 =	simm.s32 @!p1 $0x0  }
0x14: {  	s2 =	sld [smem:$0x3F98];
	s0 =	simm.s32 @p1 $0x1  }
0x15: {  	[smem:$0x3FB5] =	sst s0;
	s0 =	simm.s32 @!p2 $0x0  }
0x16: {  	s3 =	sld [smem:$0x3FDB];
	s0 =	simm.s32 @p2 $0x1  }
0x17: {  	s4 =	simm.s32 $0x1BF5;
	[smem:$0x3FB7] =	sst s0  }
0x18: {  	s0 =	sld [smem:$0x3F9A];
	_ =	swait.ge [sflag:s4], $0x0  }
0x19: {  	s7 =	sld [smem:$0x3F9B]  }
0x1a: {  	s8 =	sadd.s32 $0xFFFFE003, lr  }
0x1b: {  	s9 =	sadd.s32 $0xFFFFFEF7, lr;
	s5 =	simm.s32 $0xFFFFFFFF;
	p2 =	slt.u32 s8, $0xFFFFF086  }
0x1c: {  	p1 =	slt.u32 s9, $0xF7A;
	s5 =	simm.s32 @!p2 $0x0  }
0x1d: {  	s5 =	simm.s32 @p1 $0x1;
	p0 =	seq.s32 s7, s2  }
0x1e: {  	s7 =	smul.u32 @!p0 $0xF7A, s2;
	p2 =	seq.s32 @!p0 s5, $0x0  }
0x1f: {  	s9 =	smul.u32 $0xF7A, s1;
	s8 =	simm.s32 @!p0 $0x1BF5;
	p2 =	por !p2, p0  }
0x20: {  	[sflag:s8] =	ssyncset.s32 @!p0 $0xFFFFF086;
	s6 =	sadd.s32 @!p0 s3, s7;
	s7 =	simm.s32 @!p0 $0x108  }
0x21: {  	s3 =	sadd.s32 s3, s9;
	s6 =	sadd.s32 @!p0 $0x88, s6;
	s7 =	simm.s32 @p2 $0x1082  }
0x22: {  	[simem:s7], [sflag:s8] =	dma.local @!p0 [hbm:s6], $0xF7A  }
0x23: {  	s9 =	sor.u32 $0xD0000000, s2;
	s6 =	simm.s32 $0x108;
	_ =	swait.ge @!p0 [sflag:s8], $0x0  }
0x24: {  	s3 =	sadd.s32 $0x88, s3;
	s6 =	simm.s32 @!p1 $0x1082;
	[sflag:s4] =	ssyncset.s32 $0xFFFFF086  }
0x25: {  	[simem:s6], [sflag:s4] =	dma.local [hbm:s3], $0xF7A  }
0x26: {  	[smem:$0x3F9B] =	sst s1;
	(tag) =	ssettag s2;
	_ =	strace s9  }
0x27: {  	s1 =	sld [smem:$0x3FAB]  }
0x28: {  	s2 =	sld [smem:$0x3FAC]  }
0x29: {  	s4 =	sld [smem:$0x3FAE]  }
0x2a: {  	p0 =	seq.s32 s5, $0x0;
	s5 =	sld [smem:$0x3FAF]  }
0x2b: {  	s6 =	sld [smem:$0x3FB0]  }
0x2c: {  	s7 =	sld [smem:$0x3FB1]  }
0x2d: {  	s3 =	simm.s32 $0x108;
	s8 =	sld [smem:$0x3FB2]  }
0x2e: {  	s3 =	simm.s32 @!p0 $0x1082;
	s9 =	sld [smem:$0x3FB3]  }
0x2f: {  	lr =	sadd.s32 s0, s3;
	s0 =	sld [smem:$0x3FAA]  }
0x30: {  	s3 =	sld [smem:$0x3FAD]  }
0x31: {  	[smem:$0x3FB6] =	sst s10  }
0x32: {  	s10 =	sld [smem:$0x3FB4];
	_ =	sdelay $0x3  }
0x33: {  	p0 =	seq.s32 s10, $0x1;
	s10 =	sld [smem:$0x3FB6];
	_ =	sdelay $0x3  }
0x34: {  	[smem:$0x3FB6] =	sst s10  }
0x35: {  	s10 =	sld [smem:$0x3FB5];
	_ =	sdelay $0x3  }
0x36: {  	p1 =	seq.s32 s10, $0x1;
	s10 =	sld [smem:$0x3FB6];
	_ =	sdelay $0x3  }
0x37: {  	[smem:$0x3FB6] =	sst s10  }
0x38: {  	s10 =	sld [smem:$0x3FB7]  }
0x39: {  	_ = 	snop;
	(pc) =	sbr.ind lr, $3  }
0x3a: {  	_ = 	snop  }
0x3b: {  	_ = 	snop  }
0x3c: {  	p2 =	seq.s32 s10, $0x1;
	s10 =	sld [smem:$0x3FB6]  }
0x3d: {  	_ =	shalt  }
0x3e: {  	_ =	shalt  }
0x3f: {  	_ =	shalt  }
0x40: {  	_ =	shalt  }
0x41: {  	_ =	shalt  }
0x42: {  	_ =	shalt  }
0x43: {  	_ =	shalt  }
0x44: {  	_ =	shalt  }
0x45: {  	_ =	shalt  }
0x46: {  	_ =	shalt  }
0x47: {  	_ =	shalt  }
0x48: {  	_ =	shalt  }
0x49: {  	_ =	shalt  }
0x4a: {  	_ =	shalt  }
0x4b: {  	_ =	shalt  }
0x4c: {  	_ =	shalt  }
0x4d: {  	_ =	shalt  }
0x4e: {  	_ =	shalt  }
0x4f: {  	_ =	shalt  }
0x50: {  	_ =	shalt  }
0x51: {  	_ =	shalt  }
0x52: {  	_ =	shalt  }
0x53: {  	_ =	shalt  }
0x54: {  	_ =	shalt  }
0x55: {  	_ =	shalt  }
0x56: {  	_ =	shalt  }
0x57: {  	_ =	shalt  }
0x58: {  	_ =	shalt  }
0x59: {  	_ =	shalt  }
0x5a: {  	_ =	shalt  }
0x5b: {  	_ =	shalt  }
0x5c: {  	_ =	shalt  }
0x5d: {  	_ =	shalt  }
0x5e: {  	_ =	shalt  }
0x5f: {  	_ =	shalt  }
0x60: {  	_ =	shalt  }
0x61: {  	_ =	shalt  }
0x62: {  	_ =	shalt  }
0x63: {  	_ =	shalt  }
0x64: {  	_ =	shalt  }
0x65: {  	_ =	shalt  }
0x66: {  	_ =	shalt  }
0x67: {  	_ =	shalt  }
0x68: {  	_ =	shalt  }
0x69: {  	_ =	shalt  }
0x6a: {  	_ =	shalt  }
0x6b: {  	_ =	shalt  }
0x6c: {  	_ =	shalt  }
0x6d: {  	_ =	shalt  }
0x6e: {  	_ =	shalt  }
0x6f: {  	_ =	shalt  }
0x70: {  	_ =	shalt  }
0x71: {  	_ =	shalt  }
0x72: {  	_ =	shalt  }
0x73: {  	_ =	shalt  }
0x74: {  	_ =	shalt  }
0x75: {  	_ =	shalt  }
0x76: {  	_ =	shalt  }
0x77: {  	_ =	shalt  }
0x78: {  	_ =	shalt  }
0x79: {  	_ =	shalt  }
0x7a: {  	_ =	shalt  }
0x7b: {  	_ =	shalt  }
0x7c: {  	_ =	shalt  }
0x7d: {  	_ =	shalt  }
0x7e: {  	_ =	shalt  }
0x7f: {  	_ =	shalt  }
0x80: {  	_ =	shalt  }
0x81: {  	_ =	shalt  }
0x82: {  	_ =	shalt  }
0x83: {  	_ =	shalt  }
0x84: {  	_ =	shalt  }
0x85: {  	_ =	shalt  }
0x86: {  	_ =	shalt  }
0x87: {  	_ =	shalt  }
.Lfunc_end0:
.L_simem_size_0:
called_computation_lowered:
.L_overlay_start_0:
0x88: {  	s2 =	sld [smem:$0x3FD9]  }
0x89: {  	s3 =	sld [smem:$0x3FFE];
	_ =	sdelay $0x1  }
0x8a: {  	s1 =	srdreg.scid  }
0x8b: {  	s0 =	sand.u32 $0x1, s1  }
0x8c: {  	s18 =	sshll.u32 s0, $0xA;
	s2 =	sadd.s32 s3, s2  }
0x8d: {  	s2 =	sadd.s32 s2, s18  }
0x8e: {  	[smem:$0x3FC2] =	sst s2  }
0x8f: {  	_ = 	snop  }
0x90: {  	s2 =	sld [smem:$0x3FC9]  }
0x91: {  	s19 =	sld [smem:$0x3FC8]  }
0x92: {  	s4 =	sld [smem:$0x3FC7]  }
0x93: {  	s5 =	sld [smem:$0x3FC6]  }
0x94: {  	s6 =	sld [smem:$0x3FC5]  }
0x95: {  	s7 =	sld [smem:$0x3FC4]  }
0x96: {  	s8 =	sld [smem:$0x3FD0];
	(tm) =	ssettm $0x1  }
0x97: {  	s9 =	sld [smem:$0x3FFB];
	_ =	sdelay $0x3  }
0x98: {  	_ =	strace s9  }
0x99: {  	s9 =	sld [smem:$0x3FFC];
	_ =	sdelay $0x3  }
0x9a: {  	_ =	strace s9  }
0x9b: {  	s9 =	sld [smem:$0x3FFD];
	_ =	sdelay $0x3  }
0x9c: {  	_ =	strace s9  }
0x9d: {  	_ =	strace $0x8FFFFFFF  }
0x9e: {  	s20 =	sld [smem:$0x3FDB];
	_ =	sdelay $0x1  }
0x9f: {  	s10 =	simm.s32 $_scs_section_size  }
0xa0: {  	s11 =	simm.s32 $_size__tile_overlayer_lowered;
	s12 =	simm.s32 $_tile_overlayer_lowered  }
0xa1: {  	s23 =	simm.s32 $0x1BFF;
	s22 =	sshll.u32 s12, $0x1;
	s9 =	sadd.s32 s10, s20  }
0xa2: {  	s13 =	simm.s32 $0x0;
	s21 =	sshll.u32 s11, $0x1;
	s11 =	sadd.s32 s22, s9  }
0xa3: {  	[timem:s13], [sflag:s23] =	dma.local [hbm:s11], s21  }
0xa4: {  	_ =	swait.ge [sflag:s23], s21  }
0xa5: {  	s10 =	ssub.s32 $0x0, s21;
	[sflag:s23] =	ssyncset.done $0x0  }
0xa6: {  	[sflag:s23] =	ssyncadd.s32 s10;
	_ =	sdelay $0x1  }
0xa7: {  	s24 =	simm.s32 $0x1B8B  }
0xa8: {  	_ =	swait.ge [sflag:s24], $0x1  }
0xa9: {  	[sflag:s24] =	ssyncset.done $0x0  }
0xaa: {  	s25 =	simm.s32 $0x1B8E;
	[sflag:s24] =	ssyncadd.s32 $0xFFFFFFFF  }
0xab: {  	s26 =	simm.s32 $execute0_lowered;
	[smem:$0x3FD2] =	sst s25  }
0xac: {  	s10 =	sshll.u32 s26, $0x1;
	_ =	strace $0x80000046;
	[dreg:$0x1] =	wrdreg $0xFFFFFFFF  }
0xad: {  	s28 =	simm.s32 $_size_execute0_lowered;
	s9 =	sadd.s32 s9, s10;
	[dreg:$0x0] =	wrdreg $0x0  }
0xae: {  	s10 =	sshll.u32 s28, $0x1;
	[dreg:$0x2] =	wrdreg s9  }
0xaf: {  	[dreg:$0x3] =	wrdreg s10  }
0xb0: {  	[dreg:$0x4] =	wrdreg $0xC0  }
0xb1: {  	_ =	task [dreg:s13], $0x5FFFF  }
0xb2: {  	[dreg:$0x1] =	wrdreg $0xFFFFFFFF  }
0xb3: {  	[dreg:$0x0] =	wrdreg $0x60  }
0xb4: {  	[dreg:$0x2] =	wrdreg s2  }
0xb5: {  	[dreg:$0x3] =	wrdreg s19  }
0xb6: {  	[dreg:$0x4] =	wrdreg s4  }
0xb7: {  	[dreg:$0x5] =	wrdreg s5  }
0xb8: {  	[dreg:$0x6] =	wrdreg s6  }
0xb9: {  	[dreg:$0x7] =	wrdreg s7  }
0xba: {  	[dreg:$0x8] =	wrdreg s8  }
0xbb: {  	[dreg:$0x9] =	wrdreg $0x9  }
0xbc: {  	_ =	task.clear_ibuf [dreg:s13], $0xAFFFF;
	_ =	strace $0x90000046  }
0xbd: {  	s29 =	simm.s32 $0x9;
	_ =	strace $0x80000048  }
0xbe: {  	_ =	swait.ge [sflag:s29], $0x1  }
0xbf: {  	[sflag:s29] =	ssyncadd.s32 $0xFFFFFFFF  }
0xc0: {  	_ =	strace $0x90000048  }
0xc1: {  	_ =	sfence  }
0xc2: {  	s30 =	sld [smem:$0x0];
	_ =	sdelay $0x2  }
0xc3: {  	s31 =	sshll.u32 s1, $0xD;
	s1 =	sshrl.u32 s1, $0x2  }
0xc4: {  	s3 =	sand.u32 $0x4000, s31;
	s1 =	sadd.s32 s1, s30  }
0xc5: {  	s0 =	sor.u32 s3, s0;
	s1 =	sshll.u32 s1, $0x11  }
0xc6: {  	s0 =	sor.u32 s1, s0  }
0xc7: {  	s0 =	sadd.s32 $0x8F2B, s0  }
0xc8: {  	[sflag:s0] =	ssyncadd.remote.s32 $0x1  }
0xc9: {  	_ =	sfence.sel $0xFFFF  }
0xca: {  	[dreg:$0x0] =	wrdreg $0xFFFFFFFF;
	(pc) =	sbr.abs _section_cstart, $3  }
0xcb: {  	[dreg:$0x1] =	wrdreg $0xFFFFFFFF  }
0xcc: {  	_ =	task.clear_ibuf [dreg:s13], $0x2FFFF;
	_ =	strace $0x9FFFFFFF  }
0xcd: {  	(tm) =	ssettm $0x7FFFFFFF  }
tec
execute0_lowered:
.L_overlay_start_1:
0x0: {  	(tag) =	ssettag $0x1  }
0x1: {  	s0 =	rddreg [dreg:$0x0]  }
0x2: {  	s1 =	rddreg [dreg:$0x1]  }
0x3: {  	s3 =	rddreg [dreg:$0x2]  }
0x4: {  	s4 =	rddreg [dreg:$0x3]  }
0x5: {  	s2 =	rddreg [dreg:$0x4]  }
0x6: {  	s7 =	rddreg [dreg:$0x5]  }
0x7: {  	s8 =	rddreg [dreg:$0x6]  }
0x8: {  	s6 =	srdreg.scid;
	s5 =	stileid.u32  }
0x9: {  	s16 =	simm.s32 $0x400;
	s9 =	sand.u32 $0x1, s6;
	s6 =	simm.s32 $0x0  }
0xa: {  	s17 =	simm.s32 $0x600;
	s18 =	simm.s32 $0x800;
	[smem:$0x7FF] =	sst s6  }
0xb: {  	s20 =	simm.s32 $0xA00;
	_ =	strace $0x80000047;
	[dreg:$0xd] =	wrdreg s16  }
0xc: {  	s21 =	simm.s32 $0x480;
	s22 =	simm.s32 $0x680;
	[dreg:$0xe] =	wrdreg s17  }
0xd: {  	s23 =	simm.s32 $0x880;
	s24 =	simm.s32 $0xA80;
	[dreg:$0xf] =	wrdreg s18  }
0xe: {  	s25 =	simm.s32 $0x100;
	s26 =	simm.s32 $0x500;
	[dreg:$0x10] =	wrdreg s20  }
0xf: {  	s28 =	simm.s32 $0x5;
	s29 =	simm.s32 $0xD00;
	[dreg:$0x11] =	wrdreg s21  }
0x10: {  	s30 =	simm.s32 $0x6;
	s31 =	simm.s32 $0xD80;
	[dreg:$0x12] =	wrdreg s22  }
0x11: {  	s10 =	sshll.u32 s5, $0x7;
	s11 =	sshll.u32 s9, $0x6;
	[dreg:$0x13] =	wrdreg s23  }
0x12: {  	s19 =	ssub.s32 $0x2, s9;
	s10 =	sor.u32 s11, s10;
	[dreg:$0x14] =	wrdreg s24  }
0x13: {  	s9 =	sshrl.u32 s19, $0x1;
	s11 =	simm.s32 $0x80;
	[dreg:$0x15] =	wrdreg s25  }
0x14: {  	[dreg:$0x16] =	wrdreg s26;
	s16 =	simm.s32 $0xB00;
	s17 =	simm.s32 $0x180  }
0x15: {  	s18 =	simm.s32 $0x580;
	s20 =	simm.s32 $0x780;
	s21 =	simm.s32 $0x980  }
0x16: {  	s22 =	simm.s32 $0xB80;
	s23 =	simm.s32 $0x3;
	s24 =	simm.s32 $0xC00  }
0x17: {  	s25 =	simm.s32 $0x4;
	s26 =	simm.s32 $0xC80;
	s2 =	sadd.s32 s2, s10  }
0x18: {  	s12 =	sadd.s32 s7, s10;
	s7 =	sadd.s32 s8, s10;
	s8 =	ssub.s32 s19, s9  }
0x19: {  	s9 =	simm.s32 $0x200;
	s10 =	simm.s32 $0x1;
	[dreg:$0x8] =	wrdreg s2  }
0x1a: {  	s19 =	simm.s32 $0x380;
	[dreg:$0x9] =	wrdreg s12;
	s13 =	sadd.s32 $0x10, s7  }
0x1b: {  	s14 =	sadd.s32 $0x20, s7;
	s15 =	sadd.s32 $0x30, s7;
	[dreg:$0xa] =	wrdreg s13  }
0x1c: {  	s8 =	smax.u32 s8, $0x1;
	s12 =	simm.s32 $0x280;
	[dreg:$0xb] =	wrdreg s14  }
0x1d: {  	s2 =	simm.s32 $0x2;
	[dreg:$0xc] =	wrdreg s15;
	s13 =	simm.s32 $0x300  }
.LBB2_1:
0x1e: {  	s5 =	rddreg [dreg:$0x8]  }
0x1f: {  	[tilespmem:s6], [sflag:$0x1] =	stream.linear.gather [hbm4b:s5+s6], $0x200, $0x38;
	[tilespmem:$0xE00] =	vst v63  }
0x20: {  	s14 =	rddreg [dreg:$0x9]  }
0x21: {  	[tilespmem:s9], [sflag:$0x1] =	stream.linear.gather [hbm4b:s14+s6], $0x200, $0x38;
	[tilespmem:$0xE00] =	vst v63  }
0x22: {  	_ =	swait.ge [sflag:s10], $0x200  }
0x23: {  	[sflag:s10] =	ssyncset.done $0x0  }
0x24: {  	[sflag:s10] =	ssyncadd.s32 $0xFFFFFE00  }
0x25: {  	_ =	swait.ge [sflag:s10], $0x200  }
0x26: {  	s15 =	rddreg [dreg:$0xd];
	[sflag:s10] =	ssyncset.done $0x0  }
0x27: {  	s14 =	rddreg [dreg:$0xe];
	[sflag:s10] =	ssyncadd.s32 $0xFFFFFE00  }
0x28: {  	[tilespmem:s15], [sflag:$0x3] =	stream.indirect.gather [hbm4b:s0+s11], $0x1, s6, s11, $0xb8;
	[tilespmem:$0xE00] =	vst v63  }
0x29: {  	s5 =	rddreg [dreg:$0x14]  }
0x2a: {  	[tilespmem:s14], [sflag:$0x3] =	stream.indirect.gather [hbm4b:s1+s11], $0x1, s9, s11, $0xb8;
	[tilespmem:$0xE00] =	vst v63  }
0x2b: {  	s15 =	rddreg [dreg:$0xf]  }
0x2c: {  	[tilespmem:s15], [sflag:$0x3] =	stream.indirect.gather [hbm4b:s3+s11], $0x1, s9, s11, $0xb8;
	[tilespmem:$0xE00] =	vst v63  }
0x2d: {  	s14 =	rddreg [dreg:$0x10]  }
0x2e: {  	[tilespmem:s14], [sflag:$0x3] =	stream.indirect.gather [hbm4b:s4+s11], $0x1, s9, s11, $0xb8;
	[tilespmem:$0xE00] =	vst v63  }
0x2f: {  	s15 =	rddreg [dreg:$0x11]  }
0x30: {  	[tilespmem:s15], [sflag:$0x4] =	stream.indirect.gather [hbm4b:s0+s11], $0x1, s11, s11, $0xb8;
	[tilespmem:$0xE00] =	vst v63  }
0x31: {  	s14 =	rddreg [dreg:$0x12]  }
0x32: {  	[tilespmem:s14], [sflag:$0x4] =	stream.indirect.gather [hbm4b:s1+s11], $0x1, s12, s11, $0xb8;
	[tilespmem:$0xE00] =	vst v63  }
0x33: {  	s15 =	rddreg [dreg:$0x13]  }
0x34: {  	[tilespmem:s15], [sflag:$0x4] =	stream.indirect.gather [hbm4b:s3+s11], $0x1, s12, s11, $0xb8;
	[tilespmem:$0xE00] =	vst v63  }
0x35: {  	s14 =	rddreg [dreg:$0x15]  }
0x36: {  	[tilespmem:s5], [sflag:$0x4] =	stream.indirect.gather [hbm4b:s4+s11], $0x1, s12, s11, $0xb8;
	[tilespmem:$0xE00] =	vst v63  }
0x37: {  	s15 =	rddreg [dreg:$0x16]  }
0x38: {  	[tilespmem:s15], [sflag:$0x5] =	stream.indirect.gather [hbm4b:s0+s11], $0x1, s14, s11, $0xb8;
	[tilespmem:$0xE00] =	vst v63  }
0x39: {  	s15 =	simm.s32 $0x700  }
0x3a: {  	[tilespmem:s15], [sflag:$0x5] =	stream.indirect.gather [hbm4b:s1+s11], $0x1, s13, s11, $0xb8;
	[tilespmem:$0xE00] =	vst v63  }
0x3b: {  	s14 =	simm.s32 $0x900  }
0x3c: {  	[tilespmem:s14], [sflag:$0x5] =	stream.indirect.gather [hbm4b:s3+s11], $0x1, s13, s11, $0xb8;
	[tilespmem:$0xE00] =	vst v63  }
0x3d: {  	_ = 	snop  }
0x3e: {  	[tilespmem:s16], [sflag:$0x5] =	stream.indirect.gather [hbm4b:s4+s11], $0x1, s13, s11, $0xb8;
	[tilespmem:$0xE00] =	vst v63  }
0x3f: {  	_ = 	snop  }
0x40: {  	[tilespmem:s18], [sflag:$0x6] =	stream.indirect.gather [hbm4b:s0+s11], $0x1, s17, s11, $0xb8;
	[tilespmem:$0xE00] =	vst v63  }
0x41: {  	_ = 	snop  }
0x42: {  	[tilespmem:s20], [sflag:$0x6] =	stream.indirect.gather [hbm4b:s1+s11], $0x1, s19, s11, $0xb8;
	[tilespmem:$0xE00] =	vst v63  }
0x43: {  	_ = 	snop  }
0x44: {  	[tilespmem:s21], [sflag:$0x6] =	stream.indirect.gather [hbm4b:s3+s11], $0x1, s19, s11, $0xb8;
	[tilespmem:$0xE00] =	vst v63  }
0x45: {  	_ = 	snop  }
0x46: {  	[tilespmem:s22], [sflag:$0x6] =	stream.indirect.gather [hbm4b:s4+s11], $0x1, s19, s11, $0xb8;
	[tilespmem:$0xE00] =	vst v63  }
0x47: {  	_ =	swait.ge [sflag:s23], $0x80  }
0x48: {  	[sflag:s23] =	ssyncset.done $0x0  }
0x49: {  	[sflag:s23] =	ssyncadd.s32 $0xFFFFFF80  }
0x4a: {  	_ =	swait.ge [sflag:s23], $0x80  }
0x4b: {  	[sflag:s23] =	ssyncset.done $0x0  }
0x4c: {  	[sflag:s23] =	ssyncadd.s32 $0xFFFFFF80  }
0x4d: {  	_ =	swait.ge [sflag:s23], $0x80  }
0x4e: {  	[sflag:s23] =	ssyncset.done $0x0  }
0x4f: {  	[sflag:s23] =	ssyncadd.s32 $0xFFFFFF80  }
0x50: {  	_ =	swait.ge [sflag:s23], $0x80  }
0x51: {  	[sflag:s23] =	ssyncset.done $0x0  }
0x52: {  	[sflag:s23] =	ssyncadd.s32 $0xFFFFFF80  }
0x53: {  	v0 =	vld [tilespmem:$0xA00];
	_ =	sdelay $0x4  }
0x54: {  	v0 =	vsub.f32 $0.0e+00, v0;
	_ =	sdelay $0x1  }
0x55: {  	v0 =	vmul.f32 $1.442695020e+00, v0;
	_ =	sdelay $0x1  }
0x56: {  	v1 =	vld [tilespmem:$0x400];
	(erf) = vpow2.f32 v0  }
0x57: {  	v43 =	vld [tilespmem:$0x600]  }
0x58: {  	v2 =	vld [tilespmem:$0x800];
	_ =	sdelay $0x4  }
0x59: {  	v1 =	vsub.f32 v1, v2;
	v0 =	vmul.f32 $-1.702000020e+00, v43;
	_ =	sdelay $0x1  }
0x5a: {  	v0 =	vmul.f32 v1, v0;
	v44 =	vpop (erf)  }
0x5b: {  	v45 =	vadd.f32 $1.000000000e+00, v44  }
0x5c: {  	v0 =	vmul.f32 $1.442695020e+00, v0  }
0x5d: {  	(erf) = vrcp.f32 v45  }
0x5e: {  	(erf) = vpow2.f32 v0;
	_ =	sdelay $0x3  }
0x5f: {  	v46 =	vld [tilespmem:$0xA10];
	_ =	sdelay $0x3  }
0x60: {  	v0 =	vpop (erf)  }
0x61: {  	v1 =	vsub.f32 $0.0e+00, v46;
	v47 =	vpop (erf)  }
0x62: {  	v2 =	vadd.f32 $1.000000000e+00, v47  }
0x63: {  	v1 =	vmul.f32 $1.442695020e+00, v1  }
0x64: {  	(erf) = vrcp.f32 v2  }
0x65: {  	v48 =	vld [tilespmem:$0x410];
	(erf) = vpow2.f32 v1  }
0x66: {  	v49 =	vld [tilespmem:$0x610]  }
0x67: {  	v3 =	vld [tilespmem:$0x810];
	_ =	sdelay $0x4  }
0x68: {  	v4 =	vmul.f32 $-1.702000020e+00, v49;
	v2 =	vsub.f32 v48, v3  }
0x69: {  	v50 =	vpop (erf)  }
0x6a: {  	v2 =	vmul.f32 v2, v4;
	v51 =	vpop (erf)  }
0x6b: {  	v3 =	vadd.f32 $1.000000000e+00, v51  }
0x6c: {  	v2 =	vmul.f32 $1.442695020e+00, v2  }
0x6d: {  	(erf) = vrcp.f32 v3  }
0x6e: {  	(erf) = vpow2.f32 v2;
	_ =	sdelay $0x3  }
0x6f: {  	v52 =	vld [tilespmem:$0xA20];
	_ =	sdelay $0x3  }
0x70: {  	v53 =	vpop (erf)  }
0x71: {  	v3 =	vsub.f32 $0.0e+00, v52;
	v54 =	vpop (erf)  }
0x72: {  	v4 =	vadd.f32 $1.000000000e+00, v54  }
0x73: {  	v3 =	vmul.f32 $1.442695020e+00, v3  }
0x74: {  	(erf) = vrcp.f32 v4  }
0x75: {  	v55 =	vld [tilespmem:$0x420];
	(erf) = vpow2.f32 v3  }
0x76: {  	v56 =	vld [tilespmem:$0x620]  }
0x77: {  	v5 =	vld [tilespmem:$0x820];
	_ =	sdelay $0x4  }
0x78: {  	v4 =	vsub.f32 v55, v5;
	v3 =	vmul.f32 $-1.702000020e+00, v56  }
0x79: {  	v57 =	vpop (erf)  }
0x7a: {  	v3 =	vmul.f32 v4, v3;
	v6 =	vpop (erf)  }
0x7b: {  	v58 =	vadd.f32 $1.000000000e+00, v6  }
0x7c: {  	v3 =	vmul.f32 $1.442695020e+00, v3  }
0x7d: {  	(erf) = vrcp.f32 v58  }
0x7e: {  	(erf) = vpow2.f32 v3;
	_ =	sdelay $0x3  }
0x7f: {  	v59 =	vld [tilespmem:$0xA30];
	_ =	sdelay $0x3  }
0x80: {  	v4 =	vpop (erf)  }
0x81: {  	v3 =	vsub.f32 $0.0e+00, v59;
	v60 =	vpop (erf)  }
0x82: {  	v6 =	vadd.f32 $1.000000000e+00, v60  }
0x83: {  	v3 =	vmul.f32 $1.442695020e+00, v3  }
0x84: {  	(erf) = vrcp.f32 v6  }
0x85: {  	v61 =	vld [tilespmem:$0x430];
	(erf) = vpow2.f32 v3  }
0x86: {  	v62 =	vld [tilespmem:$0x630]  }
0x87: {  	v7 =	vld [tilespmem:$0x830];
	_ =	sdelay $0x4  }
0x88: {  	v6 =	vsub.f32 v61, v7;
	v3 =	vmul.f32 $-1.702000020e+00, v62  }
0x89: {  	v63 =	vpop (erf)  }
0x8a: {  	v3 =	vmul.f32 v6, v3;
	v8 =	vpop (erf)  }
0x8b: {  	v19 =	vadd.f32 $1.000000000e+00, v8  }
0x8c: {  	v3 =	vmul.f32 $1.442695020e+00, v3  }
0x8d: {  	(erf) = vrcp.f32 v19  }
0x8e: {  	(erf) = vpow2.f32 v3;
	_ =	sdelay $0x3  }
0x8f: {  	v20 =	vld [tilespmem:$0xA40];
	_ =	sdelay $0x3  }
0x90: {  	v6 =	vpop (erf)  }
0x91: {  	v3 =	vsub.f32 $0.0e+00, v20;
	v21 =	vpop (erf)  }
0x92: {  	v8 =	vadd.f32 $1.000000000e+00, v21  }
0x93: {  	v3 =	vmul.f32 $1.442695020e+00, v3  }
0x94: {  	(erf) = vrcp.f32 v8  }
0x95: {  	v22 =	vld [tilespmem:$0x440];
	(erf) = vpow2.f32 v3  }
0x96: {  	v23 =	vld [tilespmem:$0x640]  }
0x97: {  	v9 =	vld [tilespmem:$0x840];
	_ =	sdelay $0x4  }
0x98: {  	v8 =	vsub.f32 v22, v9;
	v3 =	vmul.f32 $-1.702000020e+00, v23  }
0x99: {  	v24 =	vpop (erf)  }
0x9a: {  	v3 =	vmul.f32 v8, v3;
	v10 =	vpop (erf)  }
0x9b: {  	v25 =	vadd.f32 $1.000000000e+00, v10  }
0x9c: {  	v3 =	vmul.f32 $1.442695020e+00, v3  }
0x9d: {  	(erf) = vrcp.f32 v25  }
0x9e: {  	(erf) = vpow2.f32 v3;
	_ =	sdelay $0x3  }
0x9f: {  	v26 =	vld [tilespmem:$0xA50];
	_ =	sdelay $0x3  }
0xa0: {  	v8 =	vpop (erf)  }
0xa1: {  	v3 =	vsub.f32 $0.0e+00, v26;
	v27 =	vpop (erf)  }
0xa2: {  	v10 =	vadd.f32 $1.000000000e+00, v27  }
0xa3: {  	v3 =	vmul.f32 $1.442695020e+00, v3  }
0xa4: {  	(erf) = vrcp.f32 v10  }
0xa5: {  	v28 =	vld [tilespmem:$0x450];
	(erf) = vpow2.f32 v3  }
0xa6: {  	v29 =	vld [tilespmem:$0x650]  }
0xa7: {  	v11 =	vld [tilespmem:$0x850];
	_ =	sdelay $0x4  }
0xa8: {  	v10 =	vsub.f32 v28, v11;
	v3 =	vmul.f32 $-1.702000020e+00, v29  }
0xa9: {  	v30 =	vpop (erf)  }
0xaa: {  	v3 =	vmul.f32 v10, v3;
	v12 =	vpop (erf)  }
0xab: {  	v31 =	vadd.f32 $1.000000000e+00, v12  }
0xac: {  	v3 =	vmul.f32 $1.442695020e+00, v3  }
0xad: {  	(erf) = vrcp.f32 v31  }
0xae: {  	(erf) = vpow2.f32 v3;
	_ =	sdelay $0x3  }
0xaf: {  	v32 =	vld [tilespmem:$0xA60];
	_ =	sdelay $0x3  }
0xb0: {  	v10 =	vpop (erf)  }
0xb1: {  	v3 =	vsub.f32 $0.0e+00, v32;
	v33 =	vpop (erf)  }
0xb2: {  	v12 =	vadd.f32 $1.000000000e+00, v33  }
0xb3: {  	v3 =	vmul.f32 $1.442695020e+00, v3  }
0xb4: {  	(erf) = vrcp.f32 v12  }
0xb5: {  	v34 =	vld [tilespmem:$0x460];
	(erf) = vpow2.f32 v3  }
0xb6: {  	v35 =	vld [tilespmem:$0x660]  }
0xb7: {  	v13 =	vld [tilespmem:$0x860];
	_ =	sdelay $0x4  }
0xb8: {  	v12 =	vsub.f32 v34, v13;
	v3 =	vmul.f32 $-1.702000020e+00, v35  }
0xb9: {  	v36 =	vpop (erf)  }
0xba: {  	v3 =	vmul.f32 v12, v3;
	v14 =	vpop (erf)  }
0xbb: {  	v37 =	vadd.f32 $1.000000000e+00, v14  }
0xbc: {  	v3 =	vmul.f32 $1.442695020e+00, v3  }
0xbd: {  	(erf) = vrcp.f32 v37  }
0xbe: {  	(erf) = vpow2.f32 v3;
	_ =	sdelay $0x3  }
0xbf: {  	v38 =	vld [tilespmem:$0xA70];
	_ =	sdelay $0x3  }
0xc0: {  	v12 =	vpop (erf)  }
0xc1: {  	v3 =	vsub.f32 $0.0e+00, v38;
	v39 =	vpop (erf)  }
0xc2: {  	v14 =	vadd.f32 $1.000000000e+00, v39  }
0xc3: {  	v3 =	vmul.f32 $1.442695020e+00, v3  }
0xc4: {  	(erf) = vrcp.f32 v14  }
0xc5: {  	v40 =	vld [tilespmem:$0x470];
	(erf) = vpow2.f32 v3  }
0xc6: {  	v41 =	vld [tilespmem:$0x670]  }
0xc7: {  	v15 =	vld [tilespmem:$0x870];
	_ =	sdelay $0x4  }
0xc8: {  	v14 =	vsub.f32 v40, v15;
	v3 =	vmul.f32 $-1.702000020e+00, v41  }
0xc9: {  	v42 =	vpop (erf)  }
0xca: {  	v3 =	vmul.f32 v14, v3;
	v16 =	vpop (erf)  }
0xcb: {  	v43 =	vadd.f32 $1.000000000e+00, v16  }
0xcc: {  	v3 =	vmul.f32 $1.442695020e+00, v3  }
0xcd: {  	(erf) = vrcp.f32 v43  }
0xce: {  	(erf) = vpow2.f32 v3;
	_ =	sdelay $0x7  }
0xcf: {  	v44 =	vpop (erf)  }
0xd0: {  	v45 =	vpop (erf)  }
0xd1: {  	v14 =	vadd.f32 $1.000000000e+00, v45;
	_ =	sdelay $0x1  }
0xd2: {  	(erf) = vrcp.f32 v14  }
0xd3: {  	v46 =	vsub.f32 $1.000000000e+00, v0  }
0xd4: {  	v47 =	vsub.f32 $1.000000000e+00, v53  }
0xd5: {  	v1 =	vmul.f32 v46, v50;
	v48 =	vsub.f32 $1.000000000e+00, v4  }
0xd6: {  	v5 =	vmul.f32 v47, v57;
	v49 =	vsub.f32 $1.000000000e+00, v6  }
0xd7: {  	v0 =	vadd.f32 v1, v0;
	v50 =	vmul.f32 v48, v63;
	v51 =	vsub.f32 $1.000000000e+00, v8  }
0xd8: {  	v2 =	vadd.f32 v5, v53;
	v52 =	vmul.f32 v49, v24;
	v53 =	vsub.f32 $1.000000000e+00, v10  }
0xd9: {  	[tilespmem:$0xC00] =	vst v0;
	v54 =	vadd.f32 v50, v4;
	v55 =	vmul.f32 v51, v30;
	v56 =	vsub.f32 $1.000000000e+00, v12  }
0xda: {  	[tilespmem:$0xC10] =	vst v2;
	v57 =	vadd.f32 v52, v6;
	v58 =	vmul.f32 v53, v36;
	v59 =	vsub.f32 $1.000000000e+00, v44  }
0xdb: {  	[tilespmem:$0xC20] =	vst v54;
	v60 =	vadd.f32 v55, v8;
	v61 =	vmul.f32 v56, v42;
	v62 =	vpop (erf)  }
0xdc: {  	[tilespmem:$0xC30] =	vst v57;
	v63 =	vadd.f32 v58, v10;
	v4 =	vmul.f32 v59, v62  }
0xdd: {  	[tilespmem:$0xC40] =	vst v60;
	v7 =	vadd.f32 v61, v12  }
0xde: {  	[tilespmem:$0xC50] =	vst v63;
	v8 =	vadd.f32 v4, v44  }
0xdf: {  	[tilespmem:$0xC60] =	vst v7  }
0xe0: {  	[tilespmem:$0xC70] =	vst v8  }
0xe1: {  	[hbm4b:s7+s6] =	stream.linear.scatter [tilespmem:s24], [sflag:$0x2], $0x80, $0x38;
	[tilespmem:$0xE00] =	vst v63  }
0xe2: {  	_ =	swait.ge [sflag:s25], $0x80  }
0xe3: {  	[sflag:s25] =	ssyncset.done $0x0  }
0xe4: {  	[sflag:s25] =	ssyncadd.s32 $0xFFFFFF80  }
0xe5: {  	_ =	swait.ge [sflag:s25], $0x80  }
0xe6: {  	[sflag:s25] =	ssyncset.done $0x0  }
0xe7: {  	[sflag:s25] =	ssyncadd.s32 $0xFFFFFF80  }
0xe8: {  	_ =	swait.ge [sflag:s25], $0x80  }
0xe9: {  	[sflag:s25] =	ssyncset.done $0x0  }
0xea: {  	[sflag:s25] =	ssyncadd.s32 $0xFFFFFF80  }
0xeb: {  	_ =	swait.ge [sflag:s25], $0x80  }
0xec: {  	[sflag:s25] =	ssyncset.done $0x0  }
0xed: {  	[sflag:s25] =	ssyncadd.s32 $0xFFFFFF80  }
0xee: {  	v9 =	vld [tilespmem:$0xA80];
	_ =	sdelay $0x4  }
0xef: {  	v0 =	vsub.f32 $0.0e+00, v9;
	_ =	sdelay $0x1  }
0xf0: {  	v0 =	vmul.f32 $1.442695020e+00, v0;
	_ =	sdelay $0x1  }
0xf1: {  	v10 =	vld [tilespmem:$0x480];
	(erf) = vpow2.f32 v0  }
0xf2: {  	v11 =	vld [tilespmem:$0x680]  }
0xf3: {  	v12 =	vld [tilespmem:$0x880];
	_ =	sdelay $0x4  }
0xf4: {  	v1 =	vsub.f32 v10, v12;
	v0 =	vmul.f32 $-1.702000020e+00, v11;
	_ =	sdelay $0x1  }
0xf5: {  	v0 =	vmul.f32 v1, v0;
	v13 =	vpop (erf)  }
0xf6: {  	v14 =	vadd.f32 $1.000000000e+00, v13  }
0xf7: {  	v0 =	vmul.f32 $1.442695020e+00, v0  }
0xf8: {  	(erf) = vrcp.f32 v14  }
0xf9: {  	(erf) = vpow2.f32 v0;
	_ =	sdelay $0x3  }
0xfa: {  	v15 =	vld [tilespmem:$0xA90];
	_ =	sdelay $0x3  }
0xfb: {  	v0 =	vpop (erf)  }
0xfc: {  	v1 =	vsub.f32 $0.0e+00, v15;
	v16 =	vpop (erf)  }
0xfd: {  	v2 =	vadd.f32 $1.000000000e+00, v16  }
0xfe: {  	v1 =	vmul.f32 $1.442695020e+00, v1  }
0xff: {  	(erf) = vrcp.f32 v2  }
0x100: {  	v17 =	vld [tilespmem:$0x490];
	(erf) = vpow2.f32 v1  }
0x101: {  	v18 =	vld [tilespmem:$0x690]  }
0x102: {  	v19 =	vld [tilespmem:$0x890];
	_ =	sdelay $0x4  }
0x103: {  	v20 =	vmul.f32 $-1.702000020e+00, v18;
	v2 =	vsub.f32 v17, v19  }
0x104: {  	v1 =	vpop (erf)  }
0x105: {  	v2 =	vmul.f32 v2, v20;
	v21 =	vpop (erf)  }
0x106: {  	v3 =	vadd.f32 $1.000000000e+00, v21  }
0x107: {  	v2 =	vmul.f32 $1.442695020e+00, v2  }
0x108: {  	(erf) = vrcp.f32 v3  }
0x109: {  	(erf) = vpow2.f32 v2;
	_ =	sdelay $0x3  }
0x10a: {  	v22 =	vld [tilespmem:$0xAA0];
	_ =	sdelay $0x3  }
0x10b: {  	v2 =	vpop (erf)  }
0x10c: {  	v3 =	vsub.f32 $0.0e+00, v22;
	v23 =	vpop (erf)  }
0x10d: {  	v4 =	vadd.f32 $1.000000000e+00, v23  }
0x10e: {  	v3 =	vmul.f32 $1.442695020e+00, v3  }
0x10f: {  	(erf) = vrcp.f32 v4  }
0x110: {  	v24 =	vld [tilespmem:$0x4A0];
	(erf) = vpow2.f32 v3  }
0x111: {  	v25 =	vld [tilespmem:$0x6A0]  }
0x112: {  	v26 =	vld [tilespmem:$0x8A0];
	_ =	sdelay $0x4  }
0x113: {  	v4 =	vsub.f32 v24, v26;
	v3 =	vmul.f32 $-1.702000020e+00, v25  }
0x114: {  	v5 =	vpop (erf)  }
0x115: {  	v3 =	vmul.f32 v4, v3;
	v27 =	vpop (erf)  }
0x116: {  	v28 =	vadd.f32 $1.000000000e+00, v27  }
0x117: {  	v3 =	vmul.f32 $1.442695020e+00, v3  }
0x118: {  	(erf) = vrcp.f32 v28  }
0x119: {  	(erf) = vpow2.f32 v3;
	_ =	sdelay $0x3  }
0x11a: {  	v29 =	vld [tilespmem:$0xAB0];
	_ =	sdelay $0x3  }
0x11b: {  	v4 =	vpop (erf)  }
0x11c: {  	v3 =	vsub.f32 $0.0e+00, v29;
	v30 =	vpop (erf)  }
0x11d: {  	v6 =	vadd.f32 $1.000000000e+00, v30  }
0x11e: {  	v3 =	vmul.f32 $1.442695020e+00, v3  }
0x11f: {  	(erf) = vrcp.f32 v6  }
0x120: {  	v31 =	vld [tilespmem:$0x4B0];
	(erf) = vpow2.f32 v3  }
0x121: {  	v32 =	vld [tilespmem:$0x6B0]  }
0x122: {  	v33 =	vld [tilespmem:$0x8B0];
	_ =	sdelay $0x4  }
0x123: {  	v6 =	vsub.f32 v31, v33;
	v3 =	vmul.f32 $-1.702000020e+00, v32  }
0x124: {  	v34 =	vpop (erf)  }
0x125: {  	v3 =	vmul.f32 v6, v3;
	v35 =	vpop (erf)  }
0x126: {  	v36 =	vadd.f32 $1.000000000e+00, v35  }
0x127: {  	v3 =	vmul.f32 $1.442695020e+00, v3  }
0x128: {  	(erf) = vrcp.f32 v36  }
0x129: {  	(erf) = vpow2.f32 v3;
	_ =	sdelay $0x3  }
0x12a: {  	v37 =	vld [tilespmem:$0xAC0];
	_ =	sdelay $0x3  }
0x12b: {  	v6 =	vpop (erf)  }
0x12c: {  	v3 =	vsub.f32 $0.0e+00, v37;
	v38 =	vpop (erf)  }
0x12d: {  	v8 =	vadd.f32 $1.000000000e+00, v38  }
0x12e: {  	v3 =	vmul.f32 $1.442695020e+00, v3  }
0x12f: {  	(erf) = vrcp.f32 v8  }
0x130: {  	v39 =	vld [tilespmem:$0x4C0];
	(erf) = vpow2.f32 v3  }
0x131: {  	v40 =	vld [tilespmem:$0x6C0]  }
0x132: {  	v41 =	vld [tilespmem:$0x8C0];
	_ =	sdelay $0x4  }
0x133: {  	v8 =	vsub.f32 v39, v41;
	v3 =	vmul.f32 $-1.702000020e+00, v40  }
0x134: {  	v42 =	vpop (erf)  }
0x135: {  	v3 =	vmul.f32 v8, v3;
	v43 =	vpop (erf)  }
0x136: {  	v44 =	vadd.f32 $1.000000000e+00, v43  }
0x137: {  	v3 =	vmul.f32 $1.442695020e+00, v3  }
0x138: {  	(erf) = vrcp.f32 v44  }
0x139: {  	(erf) = vpow2.f32 v3;
	_ =	sdelay $0x3  }
0x13a: {  	v45 =	vld [tilespmem:$0xAD0];
	_ =	sdelay $0x3  }
0x13b: {  	v8 =	vpop (erf)  }
0x13c: {  	v3 =	vsub.f32 $0.0e+00, v45;
	v46 =	vpop (erf)  }
0x13d: {  	v10 =	vadd.f32 $1.000000000e+00, v46  }
0x13e: {  	v3 =	vmul.f32 $1.442695020e+00, v3  }
0x13f: {  	(erf) = vrcp.f32 v10  }
0x140: {  	v47 =	vld [tilespmem:$0x4D0];
	(erf) = vpow2.f32 v3  }
0x141: {  	v48 =	vld [tilespmem:$0x6D0]  }
0x142: {  	v49 =	vld [tilespmem:$0x8D0];
	_ =	sdelay $0x4  }
0x143: {  	v10 =	vsub.f32 v47, v49;
	v3 =	vmul.f32 $-1.702000020e+00, v48  }
0x144: {  	v50 =	vpop (erf)  }
0x145: {  	v3 =	vmul.f32 v10, v3;
	v51 =	vpop (erf)  }
0x146: {  	v52 =	vadd.f32 $1.000000000e+00, v51  }
0x147: {  	v3 =	vmul.f32 $1.442695020e+00, v3  }
0x148: {  	(erf) = vrcp.f32 v52  }
0x149: {  	(erf) = vpow2.f32 v3;
	_ =	sdelay $0x3  }
0x14a: {  	v53 =	vld [tilespmem:$0xAE0];
	_ =	sdelay $0x3  }
0x14b: {  	v10 =	vpop (erf)  }
0x14c: {  	v3 =	vsub.f32 $0.0e+00, v53;
	v54 =	vpop (erf)  }
0x14d: {  	v12 =	vadd.f32 $1.000000000e+00, v54  }
0x14e: {  	v3 =	vmul.f32 $1.442695020e+00, v3  }
0x14f: {  	(erf) = vrcp.f32 v12  }
0x150: {  	v55 =	vld [tilespmem:$0x4E0];
	(erf) = vpow2.f32 v3  }
0x151: {  	v56 =	vld [tilespmem:$0x6E0]  }
0x152: {  	v57 =	vld [tilespmem:$0x8E0];
	_ =	sdelay $0x4  }
0x153: {  	v12 =	vsub.f32 v55, v57;
	v3 =	vmul.f32 $-1.702000020e+00, v56  }
0x154: {  	v58 =	vpop (erf)  }
0x155: {  	v3 =	vmul.f32 v12, v3;
	v59 =	vpop (erf)  }
0x156: {  	v60 =	vadd.f32 $1.000000000e+00, v59  }
0x157: {  	v3 =	vmul.f32 $1.442695020e+00, v3  }
0x158: {  	(erf) = vrcp.f32 v60  }
0x159: {  	(erf) = vpow2.f32 v3;
	_ =	sdelay $0x3  }
0x15a: {  	v61 =	vld [tilespmem:$0xAF0];
	_ =	sdelay $0x3  }
0x15b: {  	v12 =	vpop (erf)  }
0x15c: {  	v3 =	vsub.f32 $0.0e+00, v61;
	v62 =	vpop (erf)  }
0x15d: {  	v14 =	vadd.f32 $1.000000000e+00, v62  }
0x15e: {  	v3 =	vmul.f32 $1.442695020e+00, v3  }
0x15f: {  	(erf) = vrcp.f32 v14  }
0x160: {  	v63 =	vld [tilespmem:$0x4F0];
	(erf) = vpow2.f32 v3  }
0x161: {  	v18 =	vld [tilespmem:$0x6F0]  }
0x162: {  	v19 =	vld [tilespmem:$0x8F0];
	_ =	sdelay $0x4  }
0x163: {  	v14 =	vsub.f32 v63, v19;
	v3 =	vmul.f32 $-1.702000020e+00, v18  }
0x164: {  	v20 =	vpop (erf)  }
0x165: {  	v3 =	vmul.f32 v14, v3;
	v21 =	vpop (erf)  }
0x166: {  	v22 =	vadd.f32 $1.000000000e+00, v21  }
0x167: {  	v3 =	vmul.f32 $1.442695020e+00, v3  }
0x168: {  	(erf) = vrcp.f32 v22  }
0x169: {  	(erf) = vpow2.f32 v3;
	_ =	sdelay $0x7  }
0x16a: {  	v23 =	vpop (erf)  }
0x16b: {  	v24 =	vpop (erf)  }
0x16c: {  	v14 =	vadd.f32 $1.000000000e+00, v24;
	_ =	sdelay $0x1  }
0x16d: {  	(erf) = vrcp.f32 v14  }
0x16e: {  	v25 =	vsub.f32 $1.000000000e+00, v0  }
0x16f: {  	v26 =	vsub.f32 $1.000000000e+00, v2  }
0x170: {  	v1 =	vmul.f32 v25, v1;
	v27 =	vsub.f32 $1.000000000e+00, v4  }
0x171: {  	v5 =	vmul.f32 v26, v5;
	v28 =	vsub.f32 $1.000000000e+00, v6  }
0x172: {  	v0 =	vadd.f32 v1, v0;
	v29 =	vmul.f32 v27, v34;
	v30 =	vsub.f32 $1.000000000e+00, v8  }
0x173: {  	v2 =	vadd.f32 v5, v2;
	v31 =	vmul.f32 v28, v42;
	v32 =	vsub.f32 $1.000000000e+00, v10  }
0x174: {  	[tilespmem:$0xC80] =	vst v0;
	v33 =	vadd.f32 v29, v4;
	v34 =	vmul.f32 v30, v50;
	v35 =	vsub.f32 $1.000000000e+00, v12  }
0x175: {  	[tilespmem:$0xC90] =	vst v2;
	v36 =	vadd.f32 v31, v6;
	v37 =	vmul.f32 v32, v58;
	v38 =	vsub.f32 $1.000000000e+00, v23  }
0x176: {  	[tilespmem:$0xCA0] =	vst v33;
	v39 =	vadd.f32 v34, v8;
	v40 =	vmul.f32 v35, v20;
	v41 =	vpop (erf)  }
0x177: {  	[tilespmem:$0xCB0] =	vst v36;
	v42 =	vadd.f32 v37, v10;
	v4 =	vmul.f32 v38, v41  }
0x178: {  	[tilespmem:$0xCC0] =	vst v39;
	v43 =	vadd.f32 v40, v12  }
0x179: {  	[tilespmem:$0xCD0] =	vst v42;
	v44 =	vadd.f32 v4, v23  }
0x17a: {  	[tilespmem:$0xCE0] =	vst v43  }
0x17b: {  	s15 =	rddreg [dreg:$0xa];
	[tilespmem:$0xCF0] =	vst v44  }
0x17c: {  	[hbm4b:s15+s6] =	stream.linear.scatter [tilespmem:s26], [sflag:$0x2], $0x80, $0x38;
	[tilespmem:$0xE00] =	vst v63  }
0x17d: {  	_ =	swait.ge [sflag:s28], $0x80  }
0x17e: {  	[sflag:s28] =	ssyncset.done $0x0  }
0x17f: {  	[sflag:s28] =	ssyncadd.s32 $0xFFFFFF80  }
0x180: {  	_ =	swait.ge [sflag:s28], $0x80  }
0x181: {  	[sflag:s28] =	ssyncset.done $0x0  }
0x182: {  	[sflag:s28] =	ssyncadd.s32 $0xFFFFFF80  }
0x183: {  	_ =	swait.ge [sflag:s28], $0x80  }
0x184: {  	[sflag:s28] =	ssyncset.done $0x0  }
0x185: {  	[sflag:s28] =	ssyncadd.s32 $0xFFFFFF80  }
0x186: {  	_ =	swait.ge [sflag:s28], $0x80  }
0x187: {  	[sflag:s28] =	ssyncset.done $0x0  }
0x188: {  	[sflag:s28] =	ssyncadd.s32 $0xFFFFFF80  }
0x189: {  	v45 =	vld [tilespmem:$0xB00];
	_ =	sdelay $0x4  }
0x18a: {  	v0 =	vsub.f32 $0.0e+00, v45;
	_ =	sdelay $0x1  }
0x18b: {  	v0 =	vmul.f32 $1.442695020e+00, v0;
	_ =	sdelay $0x1  }
0x18c: {  	v46 =	vld [tilespmem:$0x500];
	(erf) = vpow2.f32 v0  }
0x18d: {  	v47 =	vld [tilespmem:$0x700]  }
0x18e: {  	v48 =	vld [tilespmem:$0x900];
	_ =	sdelay $0x4  }
0x18f: {  	v1 =	vsub.f32 v46, v48;
	v0 =	vmul.f32 $-1.702000020e+00, v47;
	_ =	sdelay $0x1  }
0x190: {  	v0 =	vmul.f32 v1, v0;
	v49 =	vpop (erf)  }
0x191: {  	v50 =	vadd.f32 $1.000000000e+00, v49  }
0x192: {  	v0 =	vmul.f32 $1.442695020e+00, v0  }
0x193: {  	(erf) = vrcp.f32 v50  }
0x194: {  	(erf) = vpow2.f32 v0;
	_ =	sdelay $0x3  }
0x195: {  	v51 =	vld [tilespmem:$0xB10];
	_ =	sdelay $0x3  }
0x196: {  	v0 =	vpop (erf)  }
0x197: {  	v1 =	vsub.f32 $0.0e+00, v51;
	v52 =	vpop (erf)  }
0x198: {  	v2 =	vadd.f32 $1.000000000e+00, v52  }
0x199: {  	v1 =	vmul.f32 $1.442695020e+00, v1  }
0x19a: {  	(erf) = vrcp.f32 v2  }
0x19b: {  	v53 =	vld [tilespmem:$0x510];
	(erf) = vpow2.f32 v1  }
0x19c: {  	v54 =	vld [tilespmem:$0x710]  }
0x19d: {  	v55 =	vld [tilespmem:$0x910];
	_ =	sdelay $0x4  }
0x19e: {  	v56 =	vmul.f32 $-1.702000020e+00, v54;
	v2 =	vsub.f32 v53, v55  }
0x19f: {  	v1 =	vpop (erf)  }
0x1a0: {  	v2 =	vmul.f32 v2, v56;
	v57 =	vpop (erf)  }
0x1a1: {  	v3 =	vadd.f32 $1.000000000e+00, v57  }
0x1a2: {  	v2 =	vmul.f32 $1.442695020e+00, v2  }
0x1a3: {  	(erf) = vrcp.f32 v3  }
0x1a4: {  	(erf) = vpow2.f32 v2;
	_ =	sdelay $0x3  }
0x1a5: {  	v58 =	vld [tilespmem:$0xB20];
	_ =	sdelay $0x3  }
0x1a6: {  	v2 =	vpop (erf)  }
0x1a7: {  	v3 =	vsub.f32 $0.0e+00, v58;
	v59 =	vpop (erf)  }
0x1a8: {  	v4 =	vadd.f32 $1.000000000e+00, v59  }
0x1a9: {  	v3 =	vmul.f32 $1.442695020e+00, v3  }
0x1aa: {  	(erf) = vrcp.f32 v4  }
0x1ab: {  	v60 =	vld [tilespmem:$0x520];
	(erf) = vpow2.f32 v3  }
0x1ac: {  	v61 =	vld [tilespmem:$0x720]  }
0x1ad: {  	v62 =	vld [tilespmem:$0x920];
	_ =	sdelay $0x4  }
0x1ae: {  	v4 =	vsub.f32 v60, v62;
	v3 =	vmul.f32 $-1.702000020e+00, v61  }
0x1af: {  	v63 =	vpop (erf)  }
0x1b0: {  	v3 =	vmul.f32 v4, v3;
	v14 =	vpop (erf)  }
0x1b1: {  	v15 =	vadd.f32 $1.000000000e+00, v14  }
0x1b2: {  	v3 =	vmul.f32 $1.442695020e+00, v3  }
0x1b3: {  	(erf) = vrcp.f32 v15  }
0x1b4: {  	(erf) = vpow2.f32 v3;
	_ =	sdelay $0x3  }
0x1b5: {  	v16 =	vld [tilespmem:$0xB30];
	_ =	sdelay $0x3  }
0x1b6: {  	v4 =	vpop (erf)  }
0x1b7: {  	v3 =	vsub.f32 $0.0e+00, v16;
	v17 =	vpop (erf)  }
0x1b8: {  	v6 =	vadd.f32 $1.000000000e+00, v17  }
0x1b9: {  	v3 =	vmul.f32 $1.442695020e+00, v3  }
0x1ba: {  	(erf) = vrcp.f32 v6  }
0x1bb: {  	v18 =	vld [tilespmem:$0x530];
	(erf) = vpow2.f32 v3  }
0x1bc: {  	v19 =	vld [tilespmem:$0x730]  }
0x1bd: {  	v20 =	vld [tilespmem:$0x930];
	_ =	sdelay $0x4  }
0x1be: {  	v6 =	vsub.f32 v18, v20;
	v3 =	vmul.f32 $-1.702000020e+00, v19  }
0x1bf: {  	v21 =	vpop (erf)  }
0x1c0: {  	v3 =	vmul.f32 v6, v3;
	v22 =	vpop (erf)  }
0x1c1: {  	v23 =	vadd.f32 $1.000000000e+00, v22  }
0x1c2: {  	v3 =	vmul.f32 $1.442695020e+00, v3  }
0x1c3: {  	(erf) = vrcp.f32 v23  }
0x1c4: {  	(erf) = vpow2.f32 v3;
	_ =	sdelay $0x3  }
0x1c5: {  	v24 =	vld [tilespmem:$0xB40];
	_ =	sdelay $0x3  }
0x1c6: {  	v6 =	vpop (erf)  }
0x1c7: {  	v3 =	vsub.f32 $0.0e+00, v24;
	v25 =	vpop (erf)  }
0x1c8: {  	v8 =	vadd.f32 $1.000000000e+00, v25  }
0x1c9: {  	v3 =	vmul.f32 $1.442695020e+00, v3  }
0x1ca: {  	(erf) = vrcp.f32 v8  }
0x1cb: {  	v26 =	vld [tilespmem:$0x540];
	(erf) = vpow2.f32 v3  }
0x1cc: {  	v27 =	vld [tilespmem:$0x740]  }
0x1cd: {  	v28 =	vld [tilespmem:$0x940];
	_ =	sdelay $0x4  }
0x1ce: {  	v8 =	vsub.f32 v26, v28;
	v3 =	vmul.f32 $-1.702000020e+00, v27  }
0x1cf: {  	v29 =	vpop (erf)  }
0x1d0: {  	v3 =	vmul.f32 v8, v3;
	v30 =	vpop (erf)  }
0x1d1: {  	v31 =	vadd.f32 $1.000000000e+00, v30  }
0x1d2: {  	v3 =	vmul.f32 $1.442695020e+00, v3  }
0x1d3: {  	(erf) = vrcp.f32 v31  }
0x1d4: {  	(erf) = vpow2.f32 v3;
	_ =	sdelay $0x3  }
0x1d5: {  	v32 =	vld [tilespmem:$0xB50];
	_ =	sdelay $0x3  }
0x1d6: {  	v8 =	vpop (erf)  }
0x1d7: {  	v3 =	vsub.f32 $0.0e+00, v32;
	v33 =	vpop (erf)  }
0x1d8: {  	v10 =	vadd.f32 $1.000000000e+00, v33  }
0x1d9: {  	v3 =	vmul.f32 $1.442695020e+00, v3  }
0x1da: {  	(erf) = vrcp.f32 v10  }
0x1db: {  	v34 =	vld [tilespmem:$0x550];
	(erf) = vpow2.f32 v3  }
0x1dc: {  	v35 =	vld [tilespmem:$0x750]  }
0x1dd: {  	v36 =	vld [tilespmem:$0x950];
	_ =	sdelay $0x4  }
0x1de: {  	v10 =	vsub.f32 v34, v36;
	v3 =	vmul.f32 $-1.702000020e+00, v35  }
0x1df: {  	v37 =	vpop (erf)  }
0x1e0: {  	v3 =	vmul.f32 v10, v3;
	v38 =	vpop (erf)  }
0x1e1: {  	v39 =	vadd.f32 $1.000000000e+00, v38  }
0x1e2: {  	v3 =	vmul.f32 $1.442695020e+00, v3  }
0x1e3: {  	(erf) = vrcp.f32 v39  }
0x1e4: {  	(erf) = vpow2.f32 v3;
	_ =	sdelay $0x3  }
0x1e5: {  	v40 =	vld [tilespmem:$0xB60];
	_ =	sdelay $0x3  }
0x1e6: {  	v10 =	vpop (erf)  }
0x1e7: {  	v3 =	vsub.f32 $0.0e+00, v40;
	v41 =	vpop (erf)  }
0x1e8: {  	v12 =	vadd.f32 $1.000000000e+00, v41  }
0x1e9: {  	v3 =	vmul.f32 $1.442695020e+00, v3  }
0x1ea: {  	(erf) = vrcp.f32 v12  }
0x1eb: {  	v42 =	vld [tilespmem:$0x560];
	(erf) = vpow2.f32 v3  }
0x1ec: {  	v43 =	vld [tilespmem:$0x760]  }
0x1ed: {  	v44 =	vld [tilespmem:$0x960];
	_ =	sdelay $0x4  }
0x1ee: {  	v12 =	vsub.f32 v42, v44;
	v3 =	vmul.f32 $-1.702000020e+00, v43  }
0x1ef: {  	v45 =	vpop (erf)  }
0x1f0: {  	v3 =	vmul.f32 v12, v3;
	v46 =	vpop (erf)  }
0x1f1: {  	v47 =	vadd.f32 $1.000000000e+00, v46  }
0x1f2: {  	v3 =	vmul.f32 $1.442695020e+00, v3  }
0x1f3: {  	(erf) = vrcp.f32 v47  }
0x1f4: {  	(erf) = vpow2.f32 v3;
	_ =	sdelay $0x3  }
0x1f5: {  	v48 =	vld [tilespmem:$0xB70];
	_ =	sdelay $0x3  }
0x1f6: {  	v12 =	vpop (erf)  }
0x1f7: {  	v3 =	vsub.f32 $0.0e+00, v48;
	v49 =	vpop (erf)  }
0x1f8: {  	v14 =	vadd.f32 $1.000000000e+00, v49  }
0x1f9: {  	v3 =	vmul.f32 $1.442695020e+00, v3  }
0x1fa: {  	(erf) = vrcp.f32 v14  }
0x1fb: {  	v51 =	vld [tilespmem:$0x770];
	(erf) = vpow2.f32 v3  }
0x1fc: {  	v50 =	vld [tilespmem:$0x570]  }
0x1fd: {  	v52 =	vld [tilespmem:$0x970];
	_ =	sdelay $0x4  }
0x1fe: {  	v14 =	vsub.f32 v50, v52;
	v3 =	vmul.f32 $-1.702000020e+00, v51  }
0x1ff: {  	v53 =	vpop (erf)  }
0x200: {  	v3 =	vmul.f32 v14, v3;
	v54 =	vpop (erf)  }
0x201: {  	v55 =	vadd.f32 $1.000000000e+00, v54  }
0x202: {  	v3 =	vmul.f32 $1.442695020e+00, v3  }
0x203: {  	(erf) = vrcp.f32 v55  }
0x204: {  	(erf) = vpow2.f32 v3;
	_ =	sdelay $0x7  }
0x205: {  	v56 =	vpop (erf)  }
0x206: {  	v57 =	vpop (erf)  }
0x207: {  	v14 =	vadd.f32 $1.000000000e+00, v57;
	_ =	sdelay $0x1  }
0x208: {  	(erf) = vrcp.f32 v14  }
0x209: {  	v58 =	vsub.f32 $1.000000000e+00, v0  }
0x20a: {  	v59 =	vsub.f32 $1.000000000e+00, v2  }
0x20b: {  	v1 =	vmul.f32 v58, v1;
	v60 =	vsub.f32 $1.000000000e+00, v4  }
0x20c: {  	v5 =	vmul.f32 v59, v63;
	v63 =	vsub.f32 $1.000000000e+00, v8  }
0x20d: {  	v0 =	vadd.f32 v1, v0;
	v62 =	vmul.f32 v60, v21;
	v16 =	vsub.f32 $1.000000000e+00, v10  }
0x20e: {  	v2 =	vadd.f32 v5, v2;
	v18 =	vmul.f32 v63, v37;
	v19 =	vsub.f32 $1.000000000e+00, v12  }
0x20f: {  	[tilespmem:$0xD00] =	vst v0;
	v17 =	vadd.f32 v62, v4;
	v61 =	vsub.f32 $1.000000000e+00, v6;
	v21 =	vmul.f32 v16, v45  }
0x210: {  	[tilespmem:$0xD10] =	vst v2;
	v23 =	vadd.f32 v18, v8;
	v24 =	vmul.f32 v19, v53;
	v22 =	vsub.f32 $1.000000000e+00, v56  }
0x211: {  	[tilespmem:$0xD20] =	vst v17;
	v26 =	vadd.f32 v21, v10;
	v14 =	vmul.f32 v61, v29;
	v25 =	vpop (erf)  }
0x212: {  	[tilespmem:$0xD40] =	vst v23;
	v27 =	vadd.f32 v24, v12;
	v4 =	vmul.f32 v22, v25  }
0x213: {  	[tilespmem:$0xD50] =	vst v26;
	v20 =	vadd.f32 v14, v6  }
0x214: {  	[tilespmem:$0xD60] =	vst v27;
	v28 =	vadd.f32 v4, v56  }
0x215: {  	[tilespmem:$0xD30] =	vst v20  }
0x216: {  	s14 =	rddreg [dreg:$0xb];
	[tilespmem:$0xD70] =	vst v28  }
0x217: {  	[hbm4b:s14+s6] =	stream.linear.scatter [tilespmem:s29], [sflag:$0x2], $0x80, $0x38;
	[tilespmem:$0xE00] =	vst v63  }
0x218: {  	_ =	swait.ge [sflag:s30], $0x80  }
0x219: {  	[sflag:s30] =	ssyncset.done $0x0  }
0x21a: {  	[sflag:s30] =	ssyncadd.s32 $0xFFFFFF80  }
0x21b: {  	_ =	swait.ge [sflag:s30], $0x80  }
0x21c: {  	[sflag:s30] =	ssyncset.done $0x0  }
0x21d: {  	[sflag:s30] =	ssyncadd.s32 $0xFFFFFF80  }
0x21e: {  	_ =	swait.ge [sflag:s30], $0x80  }
0x21f: {  	[sflag:s30] =	ssyncset.done $0x0  }
0x220: {  	[sflag:s30] =	ssyncadd.s32 $0xFFFFFF80  }
0x221: {  	_ =	swait.ge [sflag:s30], $0x80  }
0x222: {  	[sflag:s30] =	ssyncset.done $0x0  }
0x223: {  	[sflag:s30] =	ssyncadd.s32 $0xFFFFFF80  }
0x224: {  	v29 =	vld [tilespmem:$0xB80];
	_ =	sdelay $0x4  }
0x225: {  	v0 =	vsub.f32 $0.0e+00, v29;
	_ =	sdelay $0x1  }
0x226: {  	v0 =	vmul.f32 $1.442695020e+00, v0;
	_ =	sdelay $0x1  }
0x227: {  	v30 =	vld [tilespmem:$0x580];
	(erf) = vpow2.f32 v0  }
0x228: {  	v31 =	vld [tilespmem:$0x780]  }
0x229: {  	v32 =	vld [tilespmem:$0x980];
	_ =	sdelay $0x4  }
0x22a: {  	v1 =	vsub.f32 v30, v32;
	v0 =	vmul.f32 $-1.702000020e+00, v31;
	_ =	sdelay $0x1  }
0x22b: {  	v0 =	vmul.f32 v1, v0;
	v33 =	vpop (erf)  }
0x22c: {  	v34 =	vadd.f32 $1.000000000e+00, v33  }
0x22d: {  	v0 =	vmul.f32 $1.442695020e+00, v0  }
0x22e: {  	(erf) = vrcp.f32 v34  }
0x22f: {  	(erf) = vpow2.f32 v0;
	_ =	sdelay $0x3  }
0x230: {  	v35 =	vld [tilespmem:$0xB90];
	_ =	sdelay $0x3  }
0x231: {  	v0 =	vpop (erf)  }
0x232: {  	v1 =	vsub.f32 $0.0e+00, v35;
	v36 =	vpop (erf)  }
0x233: {  	v2 =	vadd.f32 $1.000000000e+00, v36  }
0x234: {  	v1 =	vmul.f32 $1.442695020e+00, v1  }
0x235: {  	(erf) = vrcp.f32 v2  }
0x236: {  	v37 =	vld [tilespmem:$0x590];
	(erf) = vpow2.f32 v1  }
0x237: {  	v38 =	vld [tilespmem:$0x790]  }
0x238: {  	v39 =	vld [tilespmem:$0x990];
	_ =	sdelay $0x4  }
0x239: {  	v40 =	vmul.f32 $-1.702000020e+00, v38;
	v2 =	vsub.f32 v37, v39  }
0x23a: {  	v1 =	vpop (erf)  }
0x23b: {  	v2 =	vmul.f32 v2, v40;
	v41 =	vpop (erf)  }
0x23c: {  	v3 =	vadd.f32 $1.000000000e+00, v41  }
0x23d: {  	v2 =	vmul.f32 $1.442695020e+00, v2  }
0x23e: {  	(erf) = vrcp.f32 v3  }
0x23f: {  	(erf) = vpow2.f32 v2;
	_ =	sdelay $0x3  }
0x240: {  	v42 =	vld [tilespmem:$0xBA0];
	_ =	sdelay $0x3  }
0x241: {  	v2 =	vpop (erf)  }
0x242: {  	v3 =	vsub.f32 $0.0e+00, v42;
	v43 =	vpop (erf)  }
0x243: {  	v4 =	vadd.f32 $1.000000000e+00, v43  }
0x244: {  	v3 =	vmul.f32 $1.442695020e+00, v3  }
0x245: {  	(erf) = vrcp.f32 v4  }
0x246: {  	v44 =	vld [tilespmem:$0x5A0];
	(erf) = vpow2.f32 v3  }
0x247: {  	v45 =	vld [tilespmem:$0x7A0]  }
0x248: {  	v46 =	vld [tilespmem:$0x9A0];
	_ =	sdelay $0x4  }
0x249: {  	v4 =	vsub.f32 v44, v46;
	v3 =	vmul.f32 $-1.702000020e+00, v45  }
0x24a: {  	v47 =	vpop (erf)  }
0x24b: {  	v3 =	vmul.f32 v4, v3;
	v48 =	vpop (erf)  }
0x24c: {  	v49 =	vadd.f32 $1.000000000e+00, v48  }
0x24d: {  	v3 =	vmul.f32 $1.442695020e+00, v3  }
0x24e: {  	(erf) = vrcp.f32 v49  }
0x24f: {  	(erf) = vpow2.f32 v3;
	_ =	sdelay $0x3  }
0x250: {  	v50 =	vld [tilespmem:$0xBB0];
	_ =	sdelay $0x3  }
0x251: {  	v4 =	vpop (erf)  }
0x252: {  	v3 =	vsub.f32 $0.0e+00, v50;
	v51 =	vpop (erf)  }
0x253: {  	v6 =	vadd.f32 $1.000000000e+00, v51  }
0x254: {  	v3 =	vmul.f32 $1.442695020e+00, v3  }
0x255: {  	(erf) = vrcp.f32 v6  }
0x256: {  	v52 =	vld [tilespmem:$0x5B0];
	(erf) = vpow2.f32 v3  }
0x257: {  	v53 =	vld [tilespmem:$0x7B0]  }
0x258: {  	v54 =	vld [tilespmem:$0x9B0];
	_ =	sdelay $0x4  }
0x259: {  	v6 =	vsub.f32 v52, v54;
	v3 =	vmul.f32 $-1.702000020e+00, v53  }
0x25a: {  	v55 =	vpop (erf)  }
0x25b: {  	v3 =	vmul.f32 v6, v3;
	v56 =	vpop (erf)  }
0x25c: {  	v57 =	vadd.f32 $1.000000000e+00, v56  }
0x25d: {  	v3 =	vmul.f32 $1.442695020e+00, v3  }
0x25e: {  	(erf) = vrcp.f32 v57  }
0x25f: {  	(erf) = vpow2.f32 v3;
	_ =	sdelay $0x3  }
0x260: {  	v58 =	vld [tilespmem:$0xBC0];
	_ =	sdelay $0x3  }
0x261: {  	v6 =	vpop (erf)  }
0x262: {  	v3 =	vsub.f32 $0.0e+00, v58;
	v59 =	vpop (erf)  }
0x263: {  	v8 =	vadd.f32 $1.000000000e+00, v59  }
0x264: {  	v3 =	vmul.f32 $1.442695020e+00, v3  }
0x265: {  	(erf) = vrcp.f32 v8  }
0x266: {  	v60 =	vld [tilespmem:$0x5C0];
	(erf) = vpow2.f32 v3  }
0x267: {  	v61 =	vld [tilespmem:$0x7C0]  }
0x268: {  	v62 =	vld [tilespmem:$0x9C0];
	_ =	sdelay $0x4  }
0x269: {  	v8 =	vsub.f32 v60, v62;
	v3 =	vmul.f32 $-1.702000020e+00, v61  }
0x26a: {  	v63 =	vpop (erf)  }
0x26b: {  	v3 =	vmul.f32 v8, v3;
	v16 =	vpop (erf)  }
0x26c: {  	v17 =	vadd.f32 $1.000000000e+00, v16  }
0x26d: {  	v3 =	vmul.f32 $1.442695020e+00, v3  }
0x26e: {  	(erf) = vrcp.f32 v17  }
0x26f: {  	(erf) = vpow2.f32 v3;
	_ =	sdelay $0x3  }
0x270: {  	v18 =	vld [tilespmem:$0xBD0];
	_ =	sdelay $0x3  }
0x271: {  	v8 =	vpop (erf)  }
0x272: {  	v3 =	vsub.f32 $0.0e+00, v18;
	v19 =	vpop (erf)  }
0x273: {  	v10 =	vadd.f32 $1.000000000e+00, v19  }
0x274: {  	v3 =	vmul.f32 $1.442695020e+00, v3  }
0x275: {  	(erf) = vrcp.f32 v10  }
0x276: {  	v20 =	vld [tilespmem:$0x5D0];
	(erf) = vpow2.f32 v3  }
0x277: {  	v21 =	vld [tilespmem:$0x7D0]  }
0x278: {  	v22 =	vld [tilespmem:$0x9D0];
	_ =	sdelay $0x4  }
0x279: {  	v10 =	vsub.f32 v20, v22;
	v3 =	vmul.f32 $-1.702000020e+00, v21  }
0x27a: {  	v23 =	vpop (erf)  }
0x27b: {  	v3 =	vmul.f32 v10, v3;
	v24 =	vpop (erf)  }
0x27c: {  	v25 =	vadd.f32 $1.000000000e+00, v24  }
0x27d: {  	v3 =	vmul.f32 $1.442695020e+00, v3  }
0x27e: {  	(erf) = vrcp.f32 v25  }
0x27f: {  	(erf) = vpow2.f32 v3;
	_ =	sdelay $0x3  }
0x280: {  	v26 =	vld [tilespmem:$0xBE0];
	_ =	sdelay $0x3  }
0x281: {  	v10 =	vpop (erf)  }
0x282: {  	v3 =	vsub.f32 $0.0e+00, v26;
	v27 =	vpop (erf)  }
0x283: {  	v12 =	vadd.f32 $1.000000000e+00, v27  }
0x284: {  	v3 =	vmul.f32 $1.442695020e+00, v3  }
0x285: {  	(erf) = vrcp.f32 v12  }
0x286: {  	v28 =	vld [tilespmem:$0x5E0];
	(erf) = vpow2.f32 v3  }
0x287: {  	v29 =	vld [tilespmem:$0x7E0]  }
0x288: {  	v30 =	vld [tilespmem:$0x9E0];
	_ =	sdelay $0x4  }
0x289: {  	v12 =	vsub.f32 v28, v30;
	v3 =	vmul.f32 $-1.702000020e+00, v29  }
0x28a: {  	v31 =	vpop (erf)  }
0x28b: {  	v3 =	vmul.f32 v12, v3;
	v32 =	vpop (erf)  }
0x28c: {  	v33 =	vadd.f32 $1.000000000e+00, v32  }
0x28d: {  	v3 =	vmul.f32 $1.442695020e+00, v3  }
0x28e: {  	(erf) = vrcp.f32 v33  }
0x28f: {  	(erf) = vpow2.f32 v3;
	_ =	sdelay $0x3  }
0x290: {  	v34 =	vld [tilespmem:$0xBF0];
	_ =	sdelay $0x3  }
0x291: {  	v12 =	vpop (erf)  }
0x292: {  	v3 =	vsub.f32 $0.0e+00, v34;
	v35 =	vpop (erf)  }
0x293: {  	v14 =	vadd.f32 $1.000000000e+00, v35  }
0x294: {  	v3 =	vmul.f32 $1.442695020e+00, v3  }
0x295: {  	(erf) = vrcp.f32 v14  }
0x296: {  	v38 =	vld [tilespmem:$0x9F0];
	(erf) = vpow2.f32 v3  }
0x297: {  	v36 =	vld [tilespmem:$0x5F0]  }
0x298: {  	v37 =	vld [tilespmem:$0x7F0];
	_ =	sdelay $0x4  }
0x299: {  	v14 =	vsub.f32 v36, v38;
	v3 =	vmul.f32 $-1.702000020e+00, v37  }
0x29a: {  	v39 =	vpop (erf)  }
0x29b: {  	v3 =	vmul.f32 v14, v3;
	v40 =	vpop (erf)  }
0x29c: {  	v41 =	vadd.f32 $1.000000000e+00, v40  }
0x29d: {  	v3 =	vmul.f32 $1.442695020e+00, v3  }
0x29e: {  	(erf) = vrcp.f32 v41  }
0x29f: {  	(erf) = vpow2.f32 v3;
	_ =	sdelay $0x7  }
0x2a0: {  	v42 =	vpop (erf)  }
0x2a1: {  	v43 =	vpop (erf)  }
0x2a2: {  	v14 =	vadd.f32 $1.000000000e+00, v43;
	_ =	sdelay $0x1  }
0x2a3: {  	(erf) = vrcp.f32 v14  }
0x2a4: {  	v44 =	vsub.f32 $1.000000000e+00, v0  }
0x2a5: {  	v45 =	vsub.f32 $1.000000000e+00, v2  }
0x2a6: {  	v1 =	vmul.f32 v44, v1;
	v46 =	vsub.f32 $1.000000000e+00, v4  }
0x2a7: {  	v5 =	vmul.f32 v45, v47;
	v47 =	vsub.f32 $1.000000000e+00, v6  }
0x2a8: {  	v0 =	vadd.f32 v1, v0;
	v48 =	vmul.f32 v46, v55;
	v49 =	vsub.f32 $1.000000000e+00, v8  }
0x2a9: {  	v2 =	vadd.f32 v5, v2;
	v50 =	vmul.f32 v47, v63;
	v51 =	vsub.f32 $1.000000000e+00, v10  }
0x2aa: {  	[tilespmem:$0xD80] =	vst v0;
	v52 =	vadd.f32 v48, v4;
	v53 =	vmul.f32 v49, v23;
	v54 =	vsub.f32 $1.000000000e+00, v12  }
0x2ab: {  	[tilespmem:$0xD90] =	vst v2;
	v55 =	vadd.f32 v50, v6;
	v56 =	vmul.f32 v51, v31;
	v57 =	vsub.f32 $1.000000000e+00, v42  }
0x2ac: {  	[tilespmem:$0xDA0] =	vst v52;
	v58 =	vadd.f32 v53, v8;
	v59 =	vmul.f32 v54, v39;
	v60 =	vpop (erf)  }
0x2ad: {  	[tilespmem:$0xDB0] =	vst v55;
	v61 =	vadd.f32 v56, v10;
	v4 =	vmul.f32 v57, v60  }
0x2ae: {  	[tilespmem:$0xDC0] =	vst v58;
	v62 =	vadd.f32 v59, v12  }
0x2af: {  	[tilespmem:$0xDD0] =	vst v61;
	v63 =	vadd.f32 v4, v42  }
0x2b0: {  	[tilespmem:$0xDE0] =	vst v62  }
0x2b1: {  	s15 =	rddreg [dreg:$0xc];
	[tilespmem:$0xDF0] =	vst v63  }
0x2b2: {  	[hbm4b:s15+s6] =	stream.linear.scatter [tilespmem:s31], [sflag:$0x2], $0x80, $0x38;
	[tilespmem:$0xE00] =	vst v63  }
0x2b3: {  	_ =	swait.ge [sflag:s2], $0x80  }
0x2b4: {  	[sflag:s2] =	ssyncset.done $0x0  }
0x2b5: {  	[sflag:s2] =	ssyncadd.s32 $0xFFFFFF80  }
0x2b6: {  	_ =	swait.ge [sflag:s2], $0x80  }
0x2b7: {  	[sflag:s2] =	ssyncset.done $0x0  }
0x2b8: {  	[sflag:s2] =	ssyncadd.s32 $0xFFFFFF80  }
0x2b9: {  	p0 =	sne.s32 s8, $0x1;
	_ =	swait.ge [sflag:s2], $0x80  }
.Ltmp0:
0x2ba: {  	[sflag:s2] =	ssyncset.done $0x0;
	(pc) =	sbr.rel @p0 .LBB2_1-.Ltmp0, $4  }
0x2bb: {  	[sflag:s2] =	ssyncadd.s32 $0xFFFFFF80  }
0x2bc: {  	_ =	swait.ge [sflag:s2], $0x80  }
0x2bd: {  	[sflag:s2] =	ssyncset.done $0x0  }
0x2be: {  	s8 =	sadd.s32 $0xFFFFFFFF, s8;
	[sflag:s2] =	ssyncadd.s32 $0xFFFFFF80  }
0x2bf: {  	_ =	sfence.sel $0x180000  }
0x2c0: {  	[bflag:$0x0] =	sbarrier.arrive $0xFFFF  }
0x2c1: {  	_ =	strace $0x90000047  }
0x2c2: {  	s0 =	stileid.u32;
	[bflag:$0x2] =	sbarrier.arrive $0xFFFF  }
0x2c3: {  	p0 =	sne.s32 s0, $0x0;
	s0 =	rddreg [dreg:$0x7]  }
0x2c4: {  	s0 =	sadd.s32 @!p0 $0x100000, s0  }
0x2c5: {  	[sflag:s0] =	ssyncadd.tile.s32 @!p0 $0x1;
	_ =	shalt  }
.Lfunc_end2:
_tile_overlayer_lowered:
.L_overlay_start_2:
0x2c6: {  	(tag) =	ssettag $0x2  }
0x2c7: {  	s0 =	rddreg [dreg:$0x0];
	s2 =	stileid.u32  }
0x2c8: {  	s1 =	rddreg [dreg:$0x1];
	p0 =	sne.s32 s2, $0x0  }
0x2c9: {  	s3 =	rddreg [dreg:$0x2];
	[bflag:$0x3] =	sbarrier.arrive $0xFFFF;
	s2 =	simm.s32 @!p0 $0x1C07  }
0x2ca: {  	[timem:s3], [sflag:s2] =	dma.local @!p0 [hbm:s0], s1  }
0x2cb: {  	s0 =	simm.s32 @!p0 $0x7  }
0x2cc: {  	_ =	swait.ge @!p0 [sflag:s0], s1  }
0x2cd: {  	s1 =	ssub.s32 @!p0 $0x0, s1;
	[sflag:s0] =	ssyncset.done @!p0 $0x0  }
0x2ce: {  	[sflag:s0] =	ssyncadd.s32 @!p0 s1  }
0x2cf: {  	[bflag:$0x3] =	sbarrier.arrive $0xFFFF  }
0x2d0: {  	_ =	shalt  }

</sc_bundles>
